<compile_context>
chip_gen: v7x
topology: tpu7x:2x2x1
jax: 0.10.2.dev20260603
libtpu: 0.0.44.dev20260713+nightly
codegen_flags: <defaults>
</compile_context>

<pallas_src>
import jax
import jax.numpy as jnp
from jax import lax
from jax.experimental import pallas as pl
from jax.experimental.pallas import tpu as pltpu
from jax.experimental.pallas import tpu_sc as plsc

_SHAPE = (4096, 11008)
_COLS = _SHAPE[1]
_NUMEL = _SHAPE[0] * _SHAPE[1]
_NC, _NS = 2, 16
_NW = _NC * _NS
_RROWS = _SHAPE[0] // _NW
_BROWS = 4
_BLK = _BROWS * _COLS
_NBLK = _RROWS // _BROWS
_K = 1_000_000
_PC = 1536
_PCB = _PC + 16
_MROW = _NBLK * 16


def _vec_update(blk_v, bounce_i, bounce_f, idx16, val16, active, blk_base):
  iota = lax.iota(jnp.int32, 16)
  idx_m = jnp.where(active, idx16, -1)
  val_m = jnp.where(active, val16, 0.0)
  bounce_i[...] = idx_m
  up = plsc.load_gather(bounce_i, [jnp.minimum(iota + 1, 15)])
  dn = plsc.load_gather(bounce_i, [jnp.maximum(iota - 1, 0)])
  mask_last = active & ((iota == 15) | (up != idx_m))
  mask_first = active & ((iota == 0) | (dn != idx_m))
  t = plsc.cumsum(val_m)
  bounce_f[...] = t
  t_dn = plsc.load_gather(bounce_f, [jnp.maximum(iota - 1, 0)])
  t_dn = jnp.where(iota == 0, 0.0, t_dn)
  loc = idx_m - blk_base
  r = loc // _COLS
  c = loc - r * _COLS
  plsc.addupdate_scatter(blk_v, [r, c], t, mask=mask_last)
  plsc.addupdate_scatter(blk_v, [r, c], -t_dn, mask=mask_first)


class _BufSet:
  def __init__(self, blk, pi, pv, sem_in, sem_out, sem_pi, sem_pv):
    self.blk, self.pi, self.pv = blk, pi, pv
    self.sem_in, self.sem_out = sem_in, sem_out
    self.sem_pi, self.sem_pv = sem_pi, sem_pv


def _sc_body(tens_hbm, idx_hbm, val_hbm, meta_hbm, out_hbm,
             blk0, blk1, pi0, pv0, pi1, pv1, ri, rv, meta_v,
             bounce_i, bounce_f,
             sem_in0, sem_in1, sem_out0, sem_out1,
             sem_pi0, sem_pi1, sem_pv0, sem_pv1):
  cid = lax.axis_index("c")
  sid = lax.axis_index("s")
  wid = sid * _NC + cid
  row_base = wid * _RROWS
  pltpu.sync_copy(meta_hbm.at[wid], meta_v)

  set0 = _BufSet(blk0, pi0, pv0, sem_in0, sem_out0, sem_pi0, sem_pv0)
  set1 = _BufSet(blk1, pi1, pv1, sem_in1, sem_out1, sem_pi1, sem_pv1)

  def get_se(b):
    mvec = meta_v[pl.ds(b * 16, 16)]
    return mvec[0], mvec[1]

  def pair_a(p):
    return jnp.minimum((p // 8) * 8, _K - _PCB)

  def in_copy(b, s):
    return pltpu.make_async_copy(
        tens_hbm.at[pl.ds(row_base + b * _BROWS, _BROWS), :], s.blk, s.sem_in)

  def out_copy(b, s):
    return pltpu.make_async_copy(
        s.blk, out_hbm.at[pl.ds(row_base + b * _BROWS, _BROWS), :], s.sem_out)

  def pair_copies(a, s):
    return (pltpu.make_async_copy(idx_hbm.at[pl.ds(a, _PCB)], s.pi, s.sem_pi),
            pltpu.make_async_copy(val_hbm.at[pl.ds(a, _PCB)], s.pv, s.sem_pv))

  def issue_front(b, s):
    sb, _ = get_se(b)
    ci, cv = pair_copies(pair_a(sb), s)
    ci.start()
    cv.start()

  def consume(blk, idxb, valb, a, cstart, cend, blk_base):
    nvec = (cend - a + 15) // 16

    def vec_body(v, carry):
      o = v * 16
      idx16 = idxb[pl.ds(o, 16)]
      val16 = valb[pl.ds(o, 16)]
      pos = a + o + lax.iota(jnp.int32, 16)
      active = (pos >= cstart) & (pos < cend)
      _vec_update(blk, bounce_i, bounce_f, idx16, val16, active, blk_base)
      return carry

    lax.fori_loop(0, nvec, vec_body, 0)

  def half(b, mine, other):
    sb, eb = get_se(b)

    @pl.when(b + 1 < _NBLK)
    def _():
      issue_front(b + 1, other)

    ci, cv = pair_copies(0, mine)
    ci.wait()
    cv.wait()
    pltpu.sync_copy(
        tens_hbm.at[pl.ds(row_base + b * _BROWS, _BROWS), :], mine.blk)

    blk_base = (row_base + b * _BROWS) * _COLS
    a0 = pair_a(sb)
    consume(mine.blk, mine.pi, mine.pv, a0, sb, jnp.minimum(eb, sb + _PC),
            blk_base)
    nchunks = (eb - sb + _PC - 1) // _PC

    def chunk_body(c, carry):
      cstart = sb + c * _PC
      cend = jnp.minimum(eb, cstart + _PC)
      ac = pair_a(cstart)
      pltpu.sync_copy(idx_hbm.at[pl.ds(ac, _PCB)], ri)
      pltpu.sync_copy(val_hbm.at[pl.ds(ac, _PCB)], rv)
      consume(mine.blk, ri, rv, ac, cstart, cend, blk_base)
      return carry

    lax.fori_loop(1, jnp.maximum(nchunks, 1), chunk_body, 0)
    pltpu.sync_copy(
        mine.blk, out_hbm.at[pl.ds(row_base + b * _BROWS, _BROWS), :])

  sb0, _ = get_se(0)
  c0, c1 = pair_copies(pair_a(sb0), set0)
  c0.start()
  c1.start()

  def pair_step(g, carry):
    b0 = 2 * g
    half(b0, set0, set1)

    @pl.when(b0 + 1 < _NBLK)
    def _():
      half(b0 + 1, set1, set0)

    return carry

  lax.fori_loop(0, (_NBLK + 1) // 2, pair_step, 0)


def kernel(tensor, values, indices):
  boundaries = (jnp.arange(_NW * _NBLK + 1, dtype=jnp.int32) * _BLK)
  bs = jnp.searchsorted(indices, boundaries, side="left").astype(jnp.int32)
  inter = jnp.stack([bs[:-1], bs[1:]], axis=1).reshape(_NW, _NBLK, 2)
  meta = (jnp.zeros((_NW, _NBLK, 16), dtype=jnp.int32)
          .at[:, :, :2].set(inter).reshape(_NW, _MROW))

  mesh = plsc.VectorSubcoreMesh(
      core_axis_name="c", subcore_axis_name="s",
      num_cores=_NC, num_subcores=_NS)
  run = pl.kernel(
      _sc_body,
      out_type=jax.ShapeDtypeStruct(_SHAPE, jnp.float32),
      mesh=mesh,
      compiler_params=pltpu.CompilerParams(needs_layout_passes=False),
      scratch_types=[
          pltpu.VMEM((_BROWS, _COLS), jnp.float32),
          pltpu.VMEM((_BROWS, _COLS), jnp.float32),
          pltpu.VMEM((_PCB,), jnp.int32),
          pltpu.VMEM((_PCB,), jnp.float32),
          pltpu.VMEM((_PCB,), jnp.int32),
          pltpu.VMEM((_PCB,), jnp.float32),
          pltpu.VMEM((_PCB,), jnp.int32),
          pltpu.VMEM((_PCB,), jnp.float32),
          pltpu.VMEM((_MROW,), jnp.int32),
          pltpu.VMEM((16,), jnp.int32),
          pltpu.VMEM((16,), jnp.float32),
          pltpu.SemaphoreType.DMA,
          pltpu.SemaphoreType.DMA,
          pltpu.SemaphoreType.DMA,
          pltpu.SemaphoreType.DMA,
          pltpu.SemaphoreType.DMA,
          pltpu.SemaphoreType.DMA,
          pltpu.SemaphoreType.DMA,
          pltpu.SemaphoreType.DMA,
      ],
  )
  return run(tensor, indices, values, meta)

# --- scband reference (transcript-rebuilt; emitter-appended) ---
"""Pipeline reference for scband-sparse-delta-30743375904778 (READ-ONLY COPY).

The authoritative reference and input builder live on the scoring server;
editing this copy changes nothing except your own understanding.
"""

import jax, jax.numpy as jnp
import numpy as np

K = 1000000
SHAPE = (4096, 11008)
NUMEL = SHAPE[0] * SHAPE[1]  # 45,088,768 < 2**31 -> int32 indices, matching original


def setup_inputs(seed: int = 0) -> dict:
    key = jax.random.key(seed)
    k1, k2, k3 = jax.random.split(key, 3)
    # dense target tensor the sparse delta is merged into (e.g. a 7B-class FFN weight)
    tensor = jax.random.normal(k1, SHAPE, dtype=jnp.float32)
    # learned sparse delta values (nn.Parameter; init'd zeros in the module, randomized here
    # so the scatter is non-trivial)
    values = jax.random.normal(k2, (K,), dtype=jnp.float32) * 0.02
    # sorted flat indices into tensor.view(-1); original uses a random subset via topk of
    # random scores, then sorts. sorted randint is the faithful access pattern for the
    # scatter (duplicates reduce via 'sum', same semantics as scatter_reduce_('sum')).
    indices = jnp.sort(jax.random.randint(k3, (K,), 0, NUMEL, dtype=jnp.int32))
    return {"tensor": tensor, "values": values, "indices": indices}


def reference(tensor, values, indices):
    # SparseDelta.merge: target.view(-1).scatter_reduce_(0, indices, values, 'sum', include_self=True)
    if tensor.shape != SHAPE:
        raise ValueError(f"SparseDelta has shape {SHAPE}, but is being applied to tensor of shape {tensor.shape}.")
    values = values.astype(tensor.dtype)
    flat = tensor.reshape(-1)
    flat = flat.at[indices].add(values)
    return flat.reshape(SHAPE)

if __name__ == "__main__":
    import jax
    _d = setup_inputs()
    print(jax.jit(kernel)(*tuple(_d.values())))

</pallas_src>

<mosaic_0001>
#map = affine_map<(d0, d1) -> (0, 0)>
#map1 = affine_map<(d0, d1) -> (0)>
module attributes {stable_mosaic.version = 14 : i64} {
  func.func @_sc_body(%arg0: i32, %arg1: i32, %arg2: memref<4096x11008xf32, #tpu.memory_space<hbm>>, %arg3: memref<1000000xi32, #tpu.memory_space<hbm>>, %arg4: memref<1000000xf32, #tpu.memory_space<hbm>>, %arg5: memref<32x512xi32, #tpu.memory_space<hbm>>, %arg6: memref<4096x11008xf32, #tpu.memory_space<hbm>>, %arg7: memref<4x11008xf32, #tpu.memory_space<vmem>>, %arg8: memref<4x11008xf32, #tpu.memory_space<vmem>>, %arg9: memref<1552xi32, #tpu.memory_space<vmem>>, %arg10: memref<1552xf32, #tpu.memory_space<vmem>>, %arg11: memref<1552xi32, #tpu.memory_space<vmem>>, %arg12: memref<1552xf32, #tpu.memory_space<vmem>>, %arg13: memref<1552xi32, #tpu.memory_space<vmem>>, %arg14: memref<1552xf32, #tpu.memory_space<vmem>>, %arg15: memref<512xi32, #tpu.memory_space<vmem>>, %arg16: memref<16xi32, #tpu.memory_space<vmem>>, %arg17: memref<16xf32, #tpu.memory_space<vmem>>, %arg18: memref<!tpu.dma_semaphore, #tpu.memory_space<semaphore_mem>>, %arg19: memref<!tpu.dma_semaphore, #tpu.memory_space<semaphore_mem>>, %arg20: memref<!tpu.dma_semaphore, #tpu.memory_space<semaphore_mem>>, %arg21: memref<!tpu.dma_semaphore, #tpu.memory_space<semaphore_mem>>, %arg22: memref<!tpu.dma_semaphore, #tpu.memory_space<semaphore_mem>>, %arg23: memref<!tpu.dma_semaphore, #tpu.memory_space<semaphore_mem>>, %arg24: memref<!tpu.dma_semaphore, #tpu.memory_space<semaphore_mem>>, %arg25: memref<!tpu.dma_semaphore, #tpu.memory_space<semaphore_mem>>) attributes {dimension_semantics = [#tpu.dimension_semantics<core_parallel>, #tpu.dimension_semantics<subcore_parallel>], iteration_bounds = array<i64: 2, 16>, scalar_prefetch = 0 : i64, scratch_operands = 19 : i64, tpu.core_type = #tpu.core_type<sc_vector_subcore>, window_params = [{transform_indices = #map}, {transform_indices = #map1}, {transform_indices = #map1}, {transform_indices = #map}, {transform_indices = #map}]} {
    %mul3A = arith.constant 2 : i32
    %mul3A_0 = arith.muli %arg1, %mul3A : i32
    %add3A = arith.addi %mul3A_0, %arg0 : i32
    %mul3A_1 = arith.constant 128 : i32
    %mul3A_2 = arith.muli %add3A, %mul3A_1 : i32
    "tpu.region"() ({
      %run_scoped3A = tpu.sem_alloc : memref<!tpu.dma_semaphore, #tpu.memory_space<semaphore_mem>>
      %dma_start3A_33 = arith.constant 0 : i32
      %dma_start3A_34 = tpu.memref_slice %arg5[%add3A, %dma_start3A_33] : memref<32x512xi32, #tpu.memory_space<hbm>> -> memref<1x512xi32, #tpu.memory_space<hbm>>
      %dma_start3A_35 = tpu.memref_squeeze %dma_start3A_34 : memref<1x512xi32, #tpu.memory_space<hbm>> -> memref<512xi32, #tpu.memory_space<hbm>>
      %dma_start3A_36 = arith.constant 0 : i32
      %dma_start3A_37 = tpu.memref_slice %arg5[%add3A, %dma_start3A_36] : memref<32x512xi32, #tpu.memory_space<hbm>> -> memref<1x512xi32, #tpu.memory_space<hbm>>
      %dma_start3A_38 = tpu.memref_squeeze %dma_start3A_37 : memref<1x512xi32, #tpu.memory_space<hbm>> -> memref<512xi32, #tpu.memory_space<hbm>>
      tpu.enqueue_dma source(%dma_start3A_38 : memref<512xi32, #tpu.memory_space<hbm>>) target(%arg15 : memref<512xi32, #tpu.memory_space<vmem>>) target_semaphore(%run_scoped3A : memref<!tpu.dma_semaphore, #tpu.memory_space<semaphore_mem>>)
      %dma_wait3A = arith.constant 0 : i32
      %dma_wait3A_39 = tpu.memref_slice %arg5[%add3A, %dma_wait3A] : memref<32x512xi32, #tpu.memory_space<hbm>> -> memref<1x512xi32, #tpu.memory_space<hbm>>
      %dma_wait3A_40 = tpu.memref_squeeze %dma_wait3A_39 : memref<1x512xi32, #tpu.memory_space<hbm>> -> memref<512xi32, #tpu.memory_space<hbm>>
      %dma_wait3A_41 = arith.constant 0 : i32
      %dma_wait3A_42 = tpu.memref_slice %arg5[%add3A, %dma_wait3A_41] : memref<32x512xi32, #tpu.memory_space<hbm>> -> memref<1x512xi32, #tpu.memory_space<hbm>>
      %dma_wait3A_43 = tpu.memref_squeeze %dma_wait3A_42 : memref<1x512xi32, #tpu.memory_space<hbm>> -> memref<512xi32, #tpu.memory_space<hbm>>
      tpu.wait_dma2 semaphore(%run_scoped3A : memref<!tpu.dma_semaphore, #tpu.memory_space<semaphore_mem>>) src(%dma_wait3A_43 : memref<512xi32, #tpu.memory_space<hbm>>) dst(%arg15 : memref<512xi32, #tpu.memory_space<vmem>>)
      tpu.yield
    }) : () -> ()
    %get3A = arith.constant 0 : index
    %get3A_3 = tpu.vector_load %arg15[%get3A] {strides = array<i32>} : memref<512xi32, #tpu.memory_space<vmem>>, vector<16xi32>,
    %slice3A = vector.extract_strided_slice %get3A_3 {offsets = [0], sizes = [1], strides = [1]} : vector<16xi32> to vector<1xi32>
    %squeeze3A = vector.extract %slice3A[0] : i32 from vector<1xi32>
    %slice3A_4 = vector.extract_strided_slice %get3A_3 {offsets = [1], sizes = [1], strides = [1]} : vector<16xi32> to vector<1xi32>
    %squeeze3A_5 = vector.extract %slice3A_4[0] : i32 from vector<1xi32>
    %jit3A = arith.constant 8 : i32
    %div3A = arith.divsi %squeeze3A, %jit3A : i32
    %sign3A = arith.constant 0 : i32
    %sign3A_6 = arith.cmpi sgt, %squeeze3A, %sign3A : i32
    %sign3A_7 = arith.extui %sign3A_6 : i1 to i32
    %sign3A_8 = arith.constant 0 : i32
    %sign3A_9 = arith.cmpi slt, %squeeze3A, %sign3A_8 : i32
    %sign3A_10 = arith.extui %sign3A_9 : i1 to i32
    %sign3A_11 = arith.subi %sign3A_7, %sign3A_10 : i32
    %sign3A_12 = arith.constant 0 : i32
    %sign3A_13 = arith.cmpi sgt, %jit3A, %sign3A_12 : i32
    %sign3A_14 = arith.extui %sign3A_13 : i1 to i32
    %sign3A_15 = arith.constant 0 : i32
    %sign3A_16 = arith.cmpi slt, %jit3A, %sign3A_15 : i32
    %sign3A_17 = arith.extui %sign3A_16 : i1 to i32
    %sign3A_18 = arith.subi %sign3A_14, %sign3A_17 : i32
    %ne3A = arith.cmpi ne, %sign3A_11, %sign3A_18 : i32
    %rem3A = arith.remsi %squeeze3A, %jit3A : i32
    %ne3A_19 = arith.constant 0 : i32
    %ne3A_20 = arith.cmpi ne, %rem3A, %ne3A_19 : i32
    %and3A = arith.andi %ne3A, %ne3A_20 : i1
    %sub3A = arith.constant 1 : i32
    %sub3A_21 = arith.subi %div3A, %sub3A : i32
    %select_n3A = arith.select %and3A, %sub3A_21, %div3A : i32
    %mul3A_22 = arith.constant 8 : i32
    %mul3A_23 = arith.muli %select_n3A, %mul3A_22 : i32
    %min3A = arith.constant 998448 : i32
    %min3A_24 = arith.minsi %mul3A_23, %min3A : i32
    %dma_start3A = tpu.memref_slice %arg3[%min3A_24] : memref<1000000xi32, #tpu.memory_space<hbm>> -> memref<1552xi32, #tpu.memory_space<hbm>>
    %dma_start3A_25 = tpu.memref_slice %arg3[%min3A_24] : memref<1000000xi32, #tpu.memory_space<hbm>> -> memref<1552xi32, #tpu.memory_space<hbm>>
    tpu.enqueue_dma source(%dma_start3A_25 : memref<1552xi32, #tpu.memory_space<hbm>>) target(%arg9 : memref<1552xi32, #tpu.memory_space<vmem>>) target_semaphore(%arg22 : memref<!tpu.dma_semaphore, #tpu.memory_space<semaphore_mem>>)
    %dma_start3A_26 = tpu.memref_slice %arg4[%min3A_24] : memref<1000000xf32, #tpu.memory_space<hbm>> -> memref<1552xf32, #tpu.memory_space<hbm>>
    %dma_start3A_27 = tpu.memref_slice %arg4[%min3A_24] : memref<1000000xf32, #tpu.memory_space<hbm>> -> memref<1552xf32, #tpu.memory_space<hbm>>
    tpu.enqueue_dma source(%dma_start3A_27 : memref<1552xf32, #tpu.memory_space<hbm>>) target(%arg10 : memref<1552xf32, #tpu.memory_space<vmem>>) target_semaphore(%arg24 : memref<!tpu.dma_semaphore, #tpu.memory_space<semaphore_mem>>)
    %scan3A = arith.constant 0 : i32
    %scan3A_28 = arith.constant 0 : i32
    %scan3A_29 = arith.constant 16 : i32
    %scan3A_30 = arith.addi %scan3A_28, %scan3A_29 : i32
    %scan3A_31 = arith.constant 1 : i32
    scf.for %scan3A_33 = %scan3A_28 to %scan3A_30 step %scan3A_31  : i32 {
      %mul3A_34 = arith.constant 2 : i32
      %mul3A_35 = arith.muli %mul3A_34, %scan3A_33 : i32
      %mul3A_36 = arith.constant 16 : i32
      %mul3A_37 = arith.muli %mul3A_35, %mul3A_36 : i32
      %get3A_38 = arith.index_cast %mul3A_37 : i32 to index
      %get3A_39 = tpu.vector_load %arg15[%get3A_38] {strides = array<i32>} : memref<512xi32, #tpu.memory_space<vmem>>, vector<16xi32>,
      %slice3A_40 = vector.extract_strided_slice %get3A_39 {offsets = [0], sizes = [1], strides = [1]} : vector<16xi32> to vector<1xi32>
      %squeeze3A_41 = vector.extract %slice3A_40[0] : i32 from vector<1xi32>
      %slice3A_42 = vector.extract_strided_slice %get3A_39 {offsets = [1], sizes = [1], strides = [1]} : vector<16xi32> to vector<1xi32>
      %squeeze3A_43 = vector.extract %slice3A_42[0] : i32 from vector<1xi32>
      %add3A_44 = arith.constant 1 : i32
      %add3A_45 = arith.addi %mul3A_35, %add3A_44 : i32
      %lt3A = arith.constant 32 : i32
      %lt3A_46 = arith.cmpi slt, %add3A_45, %lt3A : i32
      %convert_element_type3A = arith.extui %lt3A_46 : i1 to i32
      %cond3A = arith.constant 0 : i32
      %cond3A_47 = arith.cmpi ne, %convert_element_type3A, %cond3A : i32
      scf.if %cond3A_47 {
        %add3A_180 = arith.constant 1 : i32
        %add3A_181 = arith.addi %mul3A_35, %add3A_180 : i32
        %mul3A_182 = arith.constant 16 : i32
        %mul3A_183 = arith.muli %add3A_181, %mul3A_182 : i32
        %get3A_184 = arith.index_cast %mul3A_183 : i32 to index
        %get3A_185 = tpu.vector_load %arg15[%get3A_184] {strides = array<i32>} : memref<512xi32, #tpu.memory_space<vmem>>, vector<16xi32>,
        %slice3A_186 = vector.extract_strided_slice %get3A_185 {offsets = [0], sizes = [1], strides = [1]} : vector<16xi32> to vector<1xi32>
        %squeeze3A_187 = vector.extract %slice3A_186[0] : i32 from vector<1xi32>
        %slice3A_188 = vector.extract_strided_slice %get3A_185 {offsets = [1], sizes = [1], strides = [1]} : vector<16xi32> to vector<1xi32>
        %squeeze3A_189 = vector.extract %slice3A_188[0] : i32 from vector<1xi32>
        %jit3A_190 = arith.constant 8 : i32
        %div3A_191 = arith.divsi %squeeze3A_187, %jit3A_190 : i32
        %sign3A_192 = arith.constant 0 : i32
        %sign3A_193 = arith.cmpi sgt, %squeeze3A_187, %sign3A_192 : i32
        %sign3A_194 = arith.extui %sign3A_193 : i1 to i32
        %sign3A_195 = arith.constant 0 : i32
        %sign3A_196 = arith.cmpi slt, %squeeze3A_187, %sign3A_195 : i32
        %sign3A_197 = arith.extui %sign3A_196 : i1 to i32
        %sign3A_198 = arith.subi %sign3A_194, %sign3A_197 : i32
        %sign3A_199 = arith.constant 0 : i32
        %sign3A_200 = arith.cmpi sgt, %jit3A_190, %sign3A_199 : i32
        %sign3A_201 = arith.extui %sign3A_200 : i1 to i32
        %sign3A_202 = arith.constant 0 : i32
        %sign3A_203 = arith.cmpi slt, %jit3A_190, %sign3A_202 : i32
        %sign3A_204 = arith.extui %sign3A_203 : i1 to i32
        %sign3A_205 = arith.subi %sign3A_201, %sign3A_204 : i32
        %ne3A_206 = arith.cmpi ne, %sign3A_198, %sign3A_205 : i32
        %rem3A_207 = arith.remsi %squeeze3A_187, %jit3A_190 : i32
        %ne3A_208 = arith.constant 0 : i32
        %ne3A_209 = arith.cmpi ne, %rem3A_207, %ne3A_208 : i32
        %and3A_210 = arith.andi %ne3A_206, %ne3A_209 : i1
        %sub3A_211 = arith.constant 1 : i32
        %sub3A_212 = arith.subi %div3A_191, %sub3A_211 : i32
        %select_n3A_213 = arith.select %and3A_210, %sub3A_212, %div3A_191 : i32
        %mul3A_214 = arith.constant 8 : i32
        %mul3A_215 = arith.muli %select_n3A_213, %mul3A_214 : i32
        %min3A_216 = arith.constant 998448 : i32
        %min3A_217 = arith.minsi %mul3A_215, %min3A_216 : i32
        %dma_start3A_218 = tpu.memref_slice %arg3[%min3A_217] : memref<1000000xi32, #tpu.memory_space<hbm>> -> memref<1552xi32, #tpu.memory_space<hbm>>
        %dma_start3A_219 = tpu.memref_slice %arg3[%min3A_217] : memref<1000000xi32, #tpu.memory_space<hbm>> -> memref<1552xi32, #tpu.memory_space<hbm>>
        tpu.enqueue_dma source(%dma_start3A_219 : memref<1552xi32, #tpu.memory_space<hbm>>) target(%arg11 : memref<1552xi32, #tpu.memory_space<vmem>>) target_semaphore(%arg23 : memref<!tpu.dma_semaphore, #tpu.memory_space<semaphore_mem>>)
        %dma_start3A_220 = tpu.memref_slice %arg4[%min3A_217] : memref<1000000xf32, #tpu.memory_space<hbm>> -> memref<1552xf32, #tpu.memory_space<hbm>>
        %dma_start3A_221 = tpu.memref_slice %arg4[%min3A_217] : memref<1000000xf32, #tpu.memory_space<hbm>> -> memref<1552xf32, #tpu.memory_space<hbm>>
        tpu.enqueue_dma source(%dma_start3A_221 : memref<1552xf32, #tpu.memory_space<hbm>>) target(%arg12 : memref<1552xf32, #tpu.memory_space<vmem>>) target_semaphore(%arg25 : memref<!tpu.dma_semaphore, #tpu.memory_space<semaphore_mem>>)
      } else {
      }
      %dma_wait3A = arith.constant 0 : i32
      %dma_wait3A_48 = tpu.memref_slice %arg3[%dma_wait3A] : memref<1000000xi32, #tpu.memory_space<hbm>> -> memref<1552xi32, #tpu.memory_space<hbm>>
      %dma_wait3A_49 = arith.constant 0 : i32
      %dma_wait3A_50 = tpu.memref_slice %arg3[%dma_wait3A_49] : memref<1000000xi32, #tpu.memory_space<hbm>> -> memref<1552xi32, #tpu.memory_space<hbm>>
      tpu.wait_dma2 semaphore(%arg22 : memref<!tpu.dma_semaphore, #tpu.memory_space<semaphore_mem>>) src(%dma_wait3A_50 : memref<1552xi32, #tpu.memory_space<hbm>>) dst(%arg9 : memref<1552xi32, #tpu.memory_space<vmem>>)
      %dma_wait3A_51 = arith.constant 0 : i32
      %dma_wait3A_52 = tpu.memref_slice %arg4[%dma_wait3A_51] : memref<1000000xf32, #tpu.memory_space<hbm>> -> memref<1552xf32, #tpu.memory_space<hbm>>
      %dma_wait3A_53 = arith.constant 0 : i32
      %dma_wait3A_54 = tpu.memref_slice %arg4[%dma_wait3A_53] : memref<1000000xf32, #tpu.memory_space<hbm>> -> memref<1552xf32, #tpu.memory_space<hbm>>
      tpu.wait_dma2 semaphore(%arg24 : memref<!tpu.dma_semaphore, #tpu.memory_space<semaphore_mem>>) src(%dma_wait3A_54 : memref<1552xf32, #tpu.memory_space<hbm>>) dst(%arg10 : memref<1552xf32, #tpu.memory_space<vmem>>)
      %mul3A_55 = arith.constant 4 : i32
      %mul3A_56 = arith.muli %mul3A_35, %mul3A_55 : i32
      %add3A_57 = arith.addi %mul3A_2, %mul3A_56 : i32
      "tpu.region"() ({
        %run_scoped3A = tpu.sem_alloc : memref<!tpu.dma_semaphore, #tpu.memory_space<semaphore_mem>>
        %dma_start3A_180 = arith.constant 0 : i32
        %dma_start3A_181 = tpu.memref_slice %arg2[%add3A_57, %dma_start3A_180] : memref<4096x11008xf32, #tpu.memory_space<hbm>> -> memref<4x11008xf32, #tpu.memory_space<hbm>>
        %dma_start3A_182 = arith.constant 0 : i32
        %dma_start3A_183 = tpu.memref_slice %arg2[%add3A_57, %dma_start3A_182] : memref<4096x11008xf32, #tpu.memory_space<hbm>> -> memref<4x11008xf32, #tpu.memory_space<hbm>>
        tpu.enqueue_dma source(%dma_start3A_183 : memref<4x11008xf32, #tpu.memory_space<hbm>>) target(%arg7 : memref<4x11008xf32, #tpu.memory_space<vmem>>) target_semaphore(%run_scoped3A : memref<!tpu.dma_semaphore, #tpu.memory_space<semaphore_mem>>)
        %dma_wait3A_184 = arith.constant 0 : i32
        %dma_wait3A_185 = tpu.memref_slice %arg2[%add3A_57, %dma_wait3A_184] : memref<4096x11008xf32, #tpu.memory_space<hbm>> -> memref<4x11008xf32, #tpu.memory_space<hbm>>
        %dma_wait3A_186 = arith.constant 0 : i32
        %dma_wait3A_187 = tpu.memref_slice %arg2[%add3A_57, %dma_wait3A_186] : memref<4096x11008xf32, #tpu.memory_space<hbm>> -> memref<4x11008xf32, #tpu.memory_space<hbm>>
        tpu.wait_dma2 semaphore(%run_scoped3A : memref<!tpu.dma_semaphore, #tpu.memory_space<semaphore_mem>>) src(%dma_wait3A_187 : memref<4x11008xf32, #tpu.memory_space<hbm>>) dst(%arg7 : memref<4x11008xf32, #tpu.memory_space<vmem>>)
        tpu.yield
      }) : () -> ()
      %mul3A_58 = arith.constant 4 : i32
      %mul3A_59 = arith.muli %mul3A_35, %mul3A_58 : i32
      %add3A_60 = arith.addi %mul3A_2, %mul3A_59 : i32
      %mul3A_61 = arith.constant 11008 : i32
      %mul3A_62 = arith.muli %add3A_60, %mul3A_61 : i32
      %jit3A_63 = arith.constant 8 : i32
      %div3A_64 = arith.divsi %squeeze3A_41, %jit3A_63 : i32
      %sign3A_65 = arith.constant 0 : i32
      %sign3A_66 = arith.cmpi sgt, %squeeze3A_41, %sign3A_65 : i32
      %sign3A_67 = arith.extui %sign3A_66 : i1 to i32
      %sign3A_68 = arith.constant 0 : i32
      %sign3A_69 = arith.cmpi slt, %squeeze3A_41, %sign3A_68 : i32
      %sign3A_70 = arith.extui %sign3A_69 : i1 to i32
      %sign3A_71 = arith.subi %sign3A_67, %sign3A_70 : i32
      %sign3A_72 = arith.constant 0 : i32
      %sign3A_73 = arith.cmpi sgt, %jit3A_63, %sign3A_72 : i32
      %sign3A_74 = arith.extui %sign3A_73 : i1 to i32
      %sign3A_75 = arith.constant 0 : i32
      %sign3A_76 = arith.cmpi slt, %jit3A_63, %sign3A_75 : i32
      %sign3A_77 = arith.extui %sign3A_76 : i1 to i32
      %sign3A_78 = arith.subi %sign3A_74, %sign3A_77 : i32
      %ne3A_79 = arith.cmpi ne, %sign3A_71, %sign3A_78 : i32
      %rem3A_80 = arith.remsi %squeeze3A_41, %jit3A_63 : i32
      %ne3A_81 = arith.constant 0 : i32
      %ne3A_82 = arith.cmpi ne, %rem3A_80, %ne3A_81 : i32
      %and3A_83 = arith.andi %ne3A_79, %ne3A_82 : i1
      %sub3A_84 = arith.constant 1 : i32
      %sub3A_85 = arith.subi %div3A_64, %sub3A_84 : i32
      %select_n3A_86 = arith.select %and3A_83, %sub3A_85, %div3A_64 : i32
      %mul3A_87 = arith.constant 8 : i32
      %mul3A_88 = arith.muli %select_n3A_86, %mul3A_87 : i32
      %min3A_89 = arith.constant 998448 : i32
      %min3A_90 = arith.minsi %mul3A_88, %min3A_89 : i32
      %add3A_91 = arith.constant 1536 : i32
      %add3A_92 = arith.addi %squeeze3A_41, %add3A_91 : i32
      %min3A_93 = arith.minsi %squeeze3A_43, %add3A_92 : i32
      %sub3A_94 = arith.subi %min3A_93, %min3A_90 : i32
      %add3A_95 = arith.constant 15 : i32
      %add3A_96 = arith.addi %sub3A_94, %add3A_95 : i32
      %jit3A_97 = arith.constant 16 : i32
      %div3A_98 = arith.divsi %add3A_96, %jit3A_97 : i32
      %sign3A_99 = arith.constant 0 : i32
      %sign3A_100 = arith.cmpi sgt, %add3A_96, %sign3A_99 : i32
      %sign3A_101 = arith.extui %sign3A_100 : i1 to i32
      %sign3A_102 = arith.constant 0 : i32
      %sign3A_103 = arith.cmpi slt, %add3A_96, %sign3A_102 : i32
      %sign3A_104 = arith.extui %sign3A_103 : i1 to i32
      %sign3A_105 = arith.subi %sign3A_101, %sign3A_104 : i32
      %sign3A_106 = arith.constant 0 : i32
      %sign3A_107 = arith.cmpi sgt, %jit3A_97, %sign3A_106 : i32
      %sign3A_108 = arith.extui %sign3A_107 : i1 to i32
      %sign3A_109 = arith.constant 0 : i32
      %sign3A_110 = arith.cmpi slt, %jit3A_97, %sign3A_109 : i32
      %sign3A_111 = arith.extui %sign3A_110 : i1 to i32
      %sign3A_112 = arith.subi %sign3A_108, %sign3A_111 : i32
      %ne3A_113 = arith.cmpi ne, %sign3A_105, %sign3A_112 : i32
      %rem3A_114 = arith.remsi %add3A_96, %jit3A_97 : i32
      %ne3A_115 = arith.constant 0 : i32
      %ne3A_116 = arith.cmpi ne, %rem3A_114, %ne3A_115 : i32
      %and3A_117 = arith.andi %ne3A_113, %ne3A_116 : i1
      %sub3A_118 = arith.constant 1 : i32
      %sub3A_119 = arith.subi %div3A_98, %sub3A_118 : i32
      %select_n3A_120 = arith.select %and3A_117, %sub3A_119, %div3A_98 : i32
      %while3A = arith.constant 0 : i32
      %while3A_121 = arith.constant 0 : i32
      %while3A_122 = arith.subi %select_n3A_120, %while3A_121 : i32
      %while3A_123 = arith.addi %while3A_121, %while3A_122 : i32
      %while3A_124 = arith.constant 1 : i32
      %while3A_125 = arith.divsi %while3A_122, %while3A_124 : i32
      %while3A_126 = arith.muli %while3A_125, %while3A_124 : i32
      %while3A_127 = arith.addi %while3A_121, %while3A_126 : i32
      %while3A_128 = arith.constant 1 : i32
      scf.for %while3A_180 = %while3A_121 to %while3A_127 step %while3A_128  : i32 {
        %mul3A_181 = arith.constant 16 : i32
        %mul3A_182 = arith.muli %while3A_180, %mul3A_181 : i32
        %get3A_183 = arith.index_cast %mul3A_182 : i32 to index
        %get3A_184 = tpu.vector_load %arg9[%get3A_183] {strides = array<i32>} : memref<1552xi32, #tpu.memory_space<vmem>>, vector<16xi32>,
        %get3A_185 = arith.index_cast %mul3A_182 : i32 to index
        %get3A_186 = tpu.vector_load %arg10[%get3A_185] {strides = array<i32>} : memref<1552xf32, #tpu.memory_space<vmem>>, vector<16xf32>,
        %add3A_187 = arith.addi %min3A_90, %mul3A_182 : i32
        %iota3A = tpu.iota {dimensions = array<i32: 0>} : vector<16xi32>
        %add3A_188 = vector.broadcast %add3A_187 : i32 to vector<16xi32>
        %add3A_189 = arith.addi %add3A_188, %iota3A : vector<16xi32>
        %ge3A = vector.broadcast %squeeze3A_41 : i32 to vector<16xi32>
        %ge3A_190 = arith.cmpi sge, %add3A_189, %ge3A : vector<16xi32>
        %lt3A_191 = vector.broadcast %min3A_93 : i32 to vector<16xi32>
        %lt3A_192 = arith.cmpi slt, %add3A_189, %lt3A_191 : vector<16xi32>
        %and3A_193 = arith.andi %ge3A_190, %lt3A_192 : vector<16xi1>
        %iota3A_194 = tpu.iota {dimensions = array<i32: 0>} : vector<16xi32>
        %jit3A_195 = arith.constant -1 : i32
        %broadcast_in_dim3A = vector.broadcast %jit3A_195 : i32 to vector<16xi32>
        %select_n3A_196 = arith.select %and3A_193, %get3A_184, %broadcast_in_dim3A : vector<16xi1>, vector<16xi32>
        %jit3A_197 = arith.constant 0.000000e+00 : f32
        %broadcast_in_dim3A_198 = vector.broadcast %jit3A_197 : f32 to vector<16xf32>
        %select_n3A_199 = arith.select %and3A_193, %get3A_186, %broadcast_in_dim3A_198 : vector<16xi1>, vector<16xf32>
        %swap3A = arith.constant 0 : index
        %swap3A_200 = tpu.vector_load %arg16[%swap3A] {strides = array<i32>} : memref<16xi32, #tpu.memory_space<vmem>>, vector<16xi32>,
        tpu.vector_store %arg16[%swap3A], %select_n3A_196 {strides = array<i32>} : memref<16xi32, #tpu.memory_space<vmem>>, vector<16xi32>,
        %add3A_201 = arith.constant 1 : i32
        %add3A_202 = vector.broadcast %add3A_201 : i32 to vector<16xi32>
        %add3A_203 = arith.addi %iota3A_194, %add3A_202 : vector<16xi32>
        %min3A_204 = arith.constant 15 : i32
        %min3A_205 = vector.broadcast %min3A_204 : i32 to vector<16xi32>
        %min3A_206 = arith.minsi %add3A_203, %min3A_205 : vector<16xi32>
        %gather3A = tpu.vector_load_idx %arg16[%min3A_206] : memref<16xi32, #tpu.memory_space<vmem>>[vector<16xi32>], vector<16xi32>,
        %sub3A_207 = arith.constant 1 : i32
        %sub3A_208 = vector.broadcast %sub3A_207 : i32 to vector<16xi32>
        %sub3A_209 = arith.subi %iota3A_194, %sub3A_208 : vector<16xi32>
        %max3A_210 = arith.constant 0 : i32
        %max3A_211 = vector.broadcast %max3A_210 : i32 to vector<16xi32>
        %max3A_212 = arith.maxsi %sub3A_209, %max3A_211 : vector<16xi32>
        %gather3A_213 = tpu.vector_load_idx %arg16[%max3A_212] : memref<16xi32, #tpu.memory_space<vmem>>[vector<16xi32>], vector<16xi32>,
        %eq3A = arith.constant 15 : i32
        %eq3A_214 = vector.broadcast %eq3A : i32 to vector<16xi32>
        %eq3A_215 = arith.cmpi eq, %iota3A_194, %eq3A_214 : vector<16xi32>
        %ne3A_216 = arith.cmpi ne, %gather3A, %select_n3A_196 : vector<16xi32>
        %or3A = arith.ori %eq3A_215, %ne3A_216 : vector<16xi1>
        %and3A_217 = arith.andi %and3A_193, %or3A : vector<16xi1>
        %eq3A_218 = arith.constant 0 : i32
        %eq3A_219 = vector.broadcast %eq3A_218 : i32 to vector<16xi32>
        %eq3A_220 = arith.cmpi eq, %iota3A_194, %eq3A_219 : vector<16xi32>
        %ne3A_221 = arith.cmpi ne, %gather3A_213, %select_n3A_196 : vector<16xi32>
        %or3A_222 = arith.ori %eq3A_220, %ne3A_221 : vector<16xi1>
        %and3A_223 = arith.andi %and3A_193, %or3A_222 : vector<16xi1>
        %broadcast_in_dim3A_224 = arith.constant true
        %broadcast_in_dim3A_225 = vector.broadcast %broadcast_in_dim3A_224 : i1 to vector<16xi1>
        %masked_cumsum3A = tpu.scan <sum>, %select_n3A_199 masked %broadcast_in_dim3A_225 : vector<16xf32>, vector<16xi1> -> vector<16xf32>
        %swap3A_226 = arith.constant 0 : index
        %swap3A_227 = tpu.vector_load %arg17[%swap3A_226] {strides = array<i32>} : memref<16xf32, #tpu.memory_space<vmem>>, vector<16xf32>,
        tpu.vector_store %arg17[%swap3A_226], %masked_cumsum3A {strides = array<i32>} : memref<16xf32, #tpu.memory_space<vmem>>, vector<16xf32>,
        %sub3A_228 = arith.constant 1 : i32
        %sub3A_229 = vector.broadcast %sub3A_228 : i32 to vector<16xi32>
        %sub3A_230 = arith.subi %iota3A_194, %sub3A_229 : vector<16xi32>
        %max3A_231 = arith.constant 0 : i32
        %max3A_232 = vector.broadcast %max3A_231 : i32 to vector<16xi32>
        %max3A_233 = arith.maxsi %sub3A_230, %max3A_232 : vector<16xi32>
        %gather3A_234 = tpu.vector_load_idx %arg17[%max3A_233] : memref<16xf32, #tpu.memory_space<vmem>>[vector<16xi32>], vector<16xf32>,
        %eq3A_235 = arith.constant 0 : i32
        %eq3A_236 = vector.broadcast %eq3A_235 : i32 to vector<16xi32>
        %eq3A_237 = arith.cmpi eq, %iota3A_194, %eq3A_236 : vector<16xi32>
        %jit3A_238 = arith.constant 0.000000e+00 : f32
        %broadcast_in_dim3A_239 = vector.broadcast %jit3A_238 : f32 to vector<16xf32>
        %select_n3A_240 = arith.select %eq3A_237, %broadcast_in_dim3A_239, %gather3A_234 : vector<16xi1>, vector<16xf32>
        %sub3A_241 = vector.broadcast %mul3A_62 : i32 to vector<16xi32>
        %sub3A_242 = arith.subi %select_n3A_196, %sub3A_241 : vector<16xi32>
        %jit3A_243 = arith.constant 11008 : i32
        %div3A_244 = vector.broadcast %jit3A_243 : i32 to vector<16xi32>
        %div3A_245 = arith.divsi %sub3A_242, %div3A_244 : vector<16xi32>
        %sign3A_246 = arith.constant 0 : i32
        %sign3A_247 = vector.broadcast %sign3A_246 : i32 to vector<16xi32>
        %sign3A_248 = arith.cmpi sgt, %sub3A_242, %sign3A_247 : vector<16xi32>
        %sign3A_249 = arith.extui %sign3A_248 : vector<16xi1> to vector<16xi32>
        %sign3A_250 = arith.constant 0 : i32
        %sign3A_251 = vector.broadcast %sign3A_250 : i32 to vector<16xi32>
        %sign3A_252 = arith.cmpi slt, %sub3A_242, %sign3A_251 : vector<16xi32>
        %sign3A_253 = arith.extui %sign3A_252 : vector<16xi1> to vector<16xi32>
        %sign3A_254 = arith.subi %sign3A_249, %sign3A_253 : vector<16xi32>
        %sign3A_255 = arith.constant 0 : i32
        %sign3A_256 = arith.cmpi sgt, %jit3A_243, %sign3A_255 : i32
        %sign3A_257 = arith.extui %sign3A_256 : i1 to i32
        %sign3A_258 = arith.constant 0 : i32
        %sign3A_259 = arith.cmpi slt, %jit3A_243, %sign3A_258 : i32
        %sign3A_260 = arith.extui %sign3A_259 : i1 to i32
        %sign3A_261 = arith.subi %sign3A_257, %sign3A_260 : i32
        %ne3A_262 = vector.broadcast %sign3A_261 : i32 to vector<16xi32>
        %ne3A_263 = arith.cmpi ne, %sign3A_254, %ne3A_262 : vector<16xi32>
        %rem3A_264 = vector.broadcast %jit3A_243 : i32 to vector<16xi32>
        %rem3A_265 = arith.remsi %sub3A_242, %rem3A_264 : vector<16xi32>
        %ne3A_266 = arith.constant 0 : i32
        %ne3A_267 = vector.broadcast %ne3A_266 : i32 to vector<16xi32>
        %ne3A_268 = arith.cmpi ne, %rem3A_265, %ne3A_267 : vector<16xi32>
        %and3A_269 = arith.andi %ne3A_263, %ne3A_268 : vector<16xi1>
        %sub3A_270 = arith.constant 1 : i32
        %sub3A_271 = vector.broadcast %sub3A_270 : i32 to vector<16xi32>
        %sub3A_272 = arith.subi %div3A_245, %sub3A_271 : vector<16xi32>
        %select_n3A_273 = arith.select %and3A_269, %sub3A_272, %div3A_245 : vector<16xi1>, vector<16xi32>
        %mul3A_274 = arith.constant 11008 : i32
        %mul3A_275 = vector.broadcast %mul3A_274 : i32 to vector<16xi32>
        %mul3A_276 = arith.muli %select_n3A_273, %mul3A_275 : vector<16xi32>
        %sub3A_277 = arith.subi %sub3A_242, %mul3A_276 : vector<16xi32>
        tpu.vector_store_idx %arg7[%select_n3A_273, %sub3A_277], %masked_cumsum3A masked %and3A_217 {add = true} : memref<4x11008xf32, #tpu.memory_space<vmem>>[vector<16xi32>, vector<16xi32>], vector<16xf32>, vector<16xi1>
        %neg3A = arith.constant 0.000000e+00 : f32
        %neg3A_278 = vector.broadcast %neg3A : f32 to vector<16xf32>
        %neg3A_279 = arith.subf %neg3A_278, %select_n3A_240 : vector<16xf32>
        tpu.vector_store_idx %arg7[%select_n3A_273, %sub3A_277], %neg3A_279 masked %and3A_223 {add = true} : memref<4x11008xf32, #tpu.memory_space<vmem>>[vector<16xi32>, vector<16xi32>], vector<16xf32>, vector<16xi1>
      }
      %while3A_129 = arith.constant 1 : i32
      scf.for %while3A_180 = %while3A_127 to %while3A_123 step %while3A_129  : i32 {
        %mul3A_181 = arith.constant 16 : i32
        %mul3A_182 = arith.muli %while3A_180, %mul3A_181 : i32
        %get3A_183 = arith.index_cast %mul3A_182 : i32 to index
        %get3A_184 = tpu.vector_load %arg9[%get3A_183] {strides = array<i32>} : memref<1552xi32, #tpu.memory_space<vmem>>, vector<16xi32>,
        %get3A_185 = arith.index_cast %mul3A_182 : i32 to index
        %get3A_186 = tpu.vector_load %arg10[%get3A_185] {strides = array<i32>} : memref<1552xf32, #tpu.memory_space<vmem>>, vector<16xf32>,
        %add3A_187 = arith.addi %min3A_90, %mul3A_182 : i32
        %iota3A = tpu.iota {dimensions = array<i32: 0>} : vector<16xi32>
        %add3A_188 = vector.broadcast %add3A_187 : i32 to vector<16xi32>
        %add3A_189 = arith.addi %add3A_188, %iota3A : vector<16xi32>
        %ge3A = vector.broadcast %squeeze3A_41 : i32 to vector<16xi32>
        %ge3A_190 = arith.cmpi sge, %add3A_189, %ge3A : vector<16xi32>
        %lt3A_191 = vector.broadcast %min3A_93 : i32 to vector<16xi32>
        %lt3A_192 = arith.cmpi slt, %add3A_189, %lt3A_191 : vector<16xi32>
        %and3A_193 = arith.andi %ge3A_190, %lt3A_192 : vector<16xi1>
        %iota3A_194 = tpu.iota {dimensions = array<i32: 0>} : vector<16xi32>
        %jit3A_195 = arith.constant -1 : i32
        %broadcast_in_dim3A = vector.broadcast %jit3A_195 : i32 to vector<16xi32>
        %select_n3A_196 = arith.select %and3A_193, %get3A_184, %broadcast_in_dim3A : vector<16xi1>, vector<16xi32>
        %jit3A_197 = arith.constant 0.000000e+00 : f32
        %broadcast_in_dim3A_198 = vector.broadcast %jit3A_197 : f32 to vector<16xf32>
        %select_n3A_199 = arith.select %and3A_193, %get3A_186, %broadcast_in_dim3A_198 : vector<16xi1>, vector<16xf32>
        %swap3A = arith.constant 0 : index
        %swap3A_200 = tpu.vector_load %arg16[%swap3A] {strides = array<i32>} : memref<16xi32, #tpu.memory_space<vmem>>, vector<16xi32>,
        tpu.vector_store %arg16[%swap3A], %select_n3A_196 {strides = array<i32>} : memref<16xi32, #tpu.memory_space<vmem>>, vector<16xi32>,
        %add3A_201 = arith.constant 1 : i32
        %add3A_202 = vector.broadcast %add3A_201 : i32 to vector<16xi32>
        %add3A_203 = arith.addi %iota3A_194, %add3A_202 : vector<16xi32>
        %min3A_204 = arith.constant 15 : i32
        %min3A_205 = vector.broadcast %min3A_204 : i32 to vector<16xi32>
        %min3A_206 = arith.minsi %add3A_203, %min3A_205 : vector<16xi32>
        %gather3A = tpu.vector_load_idx %arg16[%min3A_206] : memref<16xi32, #tpu.memory_space<vmem>>[vector<16xi32>], vector<16xi32>,
        %sub3A_207 = arith.constant 1 : i32
        %sub3A_208 = vector.broadcast %sub3A_207 : i32 to vector<16xi32>
        %sub3A_209 = arith.subi %iota3A_194, %sub3A_208 : vector<16xi32>
        %max3A_210 = arith.constant 0 : i32
        %max3A_211 = vector.broadcast %max3A_210 : i32 to vector<16xi32>
        %max3A_212 = arith.maxsi %sub3A_209, %max3A_211 : vector<16xi32>
        %gather3A_213 = tpu.vector_load_idx %arg16[%max3A_212] : memref<16xi32, #tpu.memory_space<vmem>>[vector<16xi32>], vector<16xi32>,
        %eq3A = arith.constant 15 : i32
        %eq3A_214 = vector.broadcast %eq3A : i32 to vector<16xi32>
        %eq3A_215 = arith.cmpi eq, %iota3A_194, %eq3A_214 : vector<16xi32>
        %ne3A_216 = arith.cmpi ne, %gather3A, %select_n3A_196 : vector<16xi32>
        %or3A = arith.ori %eq3A_215, %ne3A_216 : vector<16xi1>
        %and3A_217 = arith.andi %and3A_193, %or3A : vector<16xi1>
        %eq3A_218 = arith.constant 0 : i32
        %eq3A_219 = vector.broadcast %eq3A_218 : i32 to vector<16xi32>
        %eq3A_220 = arith.cmpi eq, %iota3A_194, %eq3A_219 : vector<16xi32>
        %ne3A_221 = arith.cmpi ne, %gather3A_213, %select_n3A_196 : vector<16xi32>
        %or3A_222 = arith.ori %eq3A_220, %ne3A_221 : vector<16xi1>
        %and3A_223 = arith.andi %and3A_193, %or3A_222 : vector<16xi1>
        %broadcast_in_dim3A_224 = arith.constant true
        %broadcast_in_dim3A_225 = vector.broadcast %broadcast_in_dim3A_224 : i1 to vector<16xi1>
        %masked_cumsum3A = tpu.scan <sum>, %select_n3A_199 masked %broadcast_in_dim3A_225 : vector<16xf32>, vector<16xi1> -> vector<16xf32>
        %swap3A_226 = arith.constant 0 : index
        %swap3A_227 = tpu.vector_load %arg17[%swap3A_226] {strides = array<i32>} : memref<16xf32, #tpu.memory_space<vmem>>, vector<16xf32>,
        tpu.vector_store %arg17[%swap3A_226], %masked_cumsum3A {strides = array<i32>} : memref<16xf32, #tpu.memory_space<vmem>>, vector<16xf32>,
        %sub3A_228 = arith.constant 1 : i32
        %sub3A_229 = vector.broadcast %sub3A_228 : i32 to vector<16xi32>
        %sub3A_230 = arith.subi %iota3A_194, %sub3A_229 : vector<16xi32>
        %max3A_231 = arith.constant 0 : i32
        %max3A_232 = vector.broadcast %max3A_231 : i32 to vector<16xi32>
        %max3A_233 = arith.maxsi %sub3A_230, %max3A_232 : vector<16xi32>
        %gather3A_234 = tpu.vector_load_idx %arg17[%max3A_233] : memref<16xf32, #tpu.memory_space<vmem>>[vector<16xi32>], vector<16xf32>,
        %eq3A_235 = arith.constant 0 : i32
        %eq3A_236 = vector.broadcast %eq3A_235 : i32 to vector<16xi32>
        %eq3A_237 = arith.cmpi eq, %iota3A_194, %eq3A_236 : vector<16xi32>
        %jit3A_238 = arith.constant 0.000000e+00 : f32
        %broadcast_in_dim3A_239 = vector.broadcast %jit3A_238 : f32 to vector<16xf32>
        %select_n3A_240 = arith.select %eq3A_237, %broadcast_in_dim3A_239, %gather3A_234 : vector<16xi1>, vector<16xf32>
        %sub3A_241 = vector.broadcast %mul3A_62 : i32 to vector<16xi32>
        %sub3A_242 = arith.subi %select_n3A_196, %sub3A_241 : vector<16xi32>
        %jit3A_243 = arith.constant 11008 : i32
        %div3A_244 = vector.broadcast %jit3A_243 : i32 to vector<16xi32>
        %div3A_245 = arith.divsi %sub3A_242, %div3A_244 : vector<16xi32>
        %sign3A_246 = arith.constant 0 : i32
        %sign3A_247 = vector.broadcast %sign3A_246 : i32 to vector<16xi32>
        %sign3A_248 = arith.cmpi sgt, %sub3A_242, %sign3A_247 : vector<16xi32>
        %sign3A_249 = arith.extui %sign3A_248 : vector<16xi1> to vector<16xi32>
        %sign3A_250 = arith.constant 0 : i32
        %sign3A_251 = vector.broadcast %sign3A_250 : i32 to vector<16xi32>
        %sign3A_252 = arith.cmpi slt, %sub3A_242, %sign3A_251 : vector<16xi32>
        %sign3A_253 = arith.extui %sign3A_252 : vector<16xi1> to vector<16xi32>
        %sign3A_254 = arith.subi %sign3A_249, %sign3A_253 : vector<16xi32>
        %sign3A_255 = arith.constant 0 : i32
        %sign3A_256 = arith.cmpi sgt, %jit3A_243, %sign3A_255 : i32
        %sign3A_257 = arith.extui %sign3A_256 : i1 to i32
        %sign3A_258 = arith.constant 0 : i32
        %sign3A_259 = arith.cmpi slt, %jit3A_243, %sign3A_258 : i32
        %sign3A_260 = arith.extui %sign3A_259 : i1 to i32
        %sign3A_261 = arith.subi %sign3A_257, %sign3A_260 : i32
        %ne3A_262 = vector.broadcast %sign3A_261 : i32 to vector<16xi32>
        %ne3A_263 = arith.cmpi ne, %sign3A_254, %ne3A_262 : vector<16xi32>
        %rem3A_264 = vector.broadcast %jit3A_243 : i32 to vector<16xi32>
        %rem3A_265 = arith.remsi %sub3A_242, %rem3A_264 : vector<16xi32>
        %ne3A_266 = arith.constant 0 : i32
        %ne3A_267 = vector.broadcast %ne3A_266 : i32 to vector<16xi32>
        %ne3A_268 = arith.cmpi ne, %rem3A_265, %ne3A_267 : vector<16xi32>
        %and3A_269 = arith.andi %ne3A_263, %ne3A_268 : vector<16xi1>
        %sub3A_270 = arith.constant 1 : i32
        %sub3A_271 = vector.broadcast %sub3A_270 : i32 to vector<16xi32>
        %sub3A_272 = arith.subi %div3A_245, %sub3A_271 : vector<16xi32>
        %select_n3A_273 = arith.select %and3A_269, %sub3A_272, %div3A_245 : vector<16xi1>, vector<16xi32>
        %mul3A_274 = arith.constant 11008 : i32
        %mul3A_275 = vector.broadcast %mul3A_274 : i32 to vector<16xi32>
        %mul3A_276 = arith.muli %select_n3A_273, %mul3A_275 : vector<16xi32>
        %sub3A_277 = arith.subi %sub3A_242, %mul3A_276 : vector<16xi32>
        tpu.vector_store_idx %arg7[%select_n3A_273, %sub3A_277], %masked_cumsum3A masked %and3A_217 {add = true} : memref<4x11008xf32, #tpu.memory_space<vmem>>[vector<16xi32>, vector<16xi32>], vector<16xf32>, vector<16xi1>
        %neg3A = arith.constant 0.000000e+00 : f32
        %neg3A_278 = vector.broadcast %neg3A : f32 to vector<16xf32>
        %neg3A_279 = arith.subf %neg3A_278, %select_n3A_240 : vector<16xf32>
        tpu.vector_store_idx %arg7[%select_n3A_273, %sub3A_277], %neg3A_279 masked %and3A_223 {add = true} : memref<4x11008xf32, #tpu.memory_space<vmem>>[vector<16xi32>, vector<16xi32>], vector<16xf32>, vector<16xi1>
      }
      %sub3A_130 = arith.subi %squeeze3A_43, %squeeze3A_41 : i32
      %add3A_131 = arith.constant 1536 : i32
      %add3A_132 = arith.addi %sub3A_130, %add3A_131 : i32
      %sub3A_133 = arith.constant 1 : i32
      %sub3A_134 = arith.subi %add3A_132, %sub3A_133 : i32
      %jit3A_135 = arith.constant 1536 : i32
      %div3A_136 = arith.divsi %sub3A_134, %jit3A_135 : i32
      %sign3A_137 = arith.constant 0 : i32
      %sign3A_138 = arith.cmpi sgt, %sub3A_134, %sign3A_137 : i32
      %sign3A_139 = arith.extui %sign3A_138 : i1 to i32
      %sign3A_140 = arith.constant 0 : i32
      %sign3A_141 = arith.cmpi slt, %sub3A_134, %sign3A_140 : i32
      %sign3A_142 = arith.extui %sign3A_141 : i1 to i32
      %sign3A_143 = arith.subi %sign3A_139, %sign3A_142 : i32
      %sign3A_144 = arith.constant 0 : i32
      %sign3A_145 = arith.cmpi sgt, %jit3A_135, %sign3A_144 : i32
      %sign3A_146 = arith.extui %sign3A_145 : i1 to i32
      %sign3A_147 = arith.constant 0 : i32
      %sign3A_148 = arith.cmpi slt, %jit3A_135, %sign3A_147 : i32
      %sign3A_149 = arith.extui %sign3A_148 : i1 to i32
      %sign3A_150 = arith.subi %sign3A_146, %sign3A_149 : i32
      %ne3A_151 = arith.cmpi ne, %sign3A_143, %sign3A_150 : i32
      %rem3A_152 = arith.remsi %sub3A_134, %jit3A_135 : i32
      %ne3A_153 = arith.constant 0 : i32
      %ne3A_154 = arith.cmpi ne, %rem3A_152, %ne3A_153 : i32
      %and3A_155 = arith.andi %ne3A_151, %ne3A_154 : i1
      %sub3A_156 = arith.constant 1 : i32
      %sub3A_157 = arith.subi %div3A_136, %sub3A_156 : i32
      %select_n3A_158 = arith.select %and3A_155, %sub3A_157, %div3A_136 : i32
      %max3A = arith.constant 1 : i32
      %max3A_159 = arith.maxsi %select_n3A_158, %max3A : i32
      %while3A_160 = arith.constant 0 : i32
      %while3A_161 = arith.constant 1 : i32
      %while3A_162 = arith.subi %max3A_159, %while3A_161 : i32
      %while3A_163 = arith.addi %while3A_161, %while3A_162 : i32
      %while3A_164 = arith.constant 1 : i32
      %while3A_165 = arith.divsi %while3A_162, %while3A_164 : i32
      %while3A_166 = arith.muli %while3A_165, %while3A_164 : i32
      %while3A_167 = arith.addi %while3A_161, %while3A_166 : i32
      %while3A_168 = arith.constant 1 : i32
      scf.for %while3A_180 = %while3A_161 to %while3A_167 step %while3A_168  : i32 {
        %mul3A_181 = arith.constant 1536 : i32
        %mul3A_182 = arith.muli %while3A_180, %mul3A_181 : i32
        %add3A_183 = arith.addi %squeeze3A_41, %mul3A_182 : i32
        %add3A_184 = arith.constant 1536 : i32
        %add3A_185 = arith.addi %add3A_183, %add3A_184 : i32
        %min3A_186 = arith.minsi %squeeze3A_43, %add3A_185 : i32
        %jit3A_187 = arith.constant 8 : i32
        %div3A_188 = arith.divsi %add3A_183, %jit3A_187 : i32
        %sign3A_189 = arith.constant 0 : i32
        %sign3A_190 = arith.cmpi sgt, %add3A_183, %sign3A_189 : i32
        %sign3A_191 = arith.extui %sign3A_190 : i1 to i32
        %sign3A_192 = arith.constant 0 : i32
        %sign3A_193 = arith.cmpi slt, %add3A_183, %sign3A_192 : i32
        %sign3A_194 = arith.extui %sign3A_193 : i1 to i32
        %sign3A_195 = arith.subi %sign3A_191, %sign3A_194 : i32
        %sign3A_196 = arith.constant 0 : i32
        %sign3A_197 = arith.cmpi sgt, %jit3A_187, %sign3A_196 : i32
        %sign3A_198 = arith.extui %sign3A_197 : i1 to i32
        %sign3A_199 = arith.constant 0 : i32
        %sign3A_200 = arith.cmpi slt, %jit3A_187, %sign3A_199 : i32
        %sign3A_201 = arith.extui %sign3A_200 : i1 to i32
        %sign3A_202 = arith.subi %sign3A_198, %sign3A_201 : i32
        %ne3A_203 = arith.cmpi ne, %sign3A_195, %sign3A_202 : i32
        %rem3A_204 = arith.remsi %add3A_183, %jit3A_187 : i32
        %ne3A_205 = arith.constant 0 : i32
        %ne3A_206 = arith.cmpi ne, %rem3A_204, %ne3A_205 : i32
        %and3A_207 = arith.andi %ne3A_203, %ne3A_206 : i1
        %sub3A_208 = arith.constant 1 : i32
        %sub3A_209 = arith.subi %div3A_188, %sub3A_208 : i32
        %select_n3A_210 = arith.select %and3A_207, %sub3A_209, %div3A_188 : i32
        %mul3A_211 = arith.constant 8 : i32
        %mul3A_212 = arith.muli %select_n3A_210, %mul3A_211 : i32
        %min3A_213 = arith.constant 998448 : i32
        %min3A_214 = arith.minsi %mul3A_212, %min3A_213 : i32
        "tpu.region"() ({
          %run_scoped3A = tpu.sem_alloc : memref<!tpu.dma_semaphore, #tpu.memory_space<semaphore_mem>>
          %dma_start3A_252 = tpu.memref_slice %arg3[%min3A_214] : memref<1000000xi32, #tpu.memory_space<hbm>> -> memref<1552xi32, #tpu.memory_space<hbm>>
          %dma_start3A_253 = tpu.memref_slice %arg3[%min3A_214] : memref<1000000xi32, #tpu.memory_space<hbm>> -> memref<1552xi32, #tpu.memory_space<hbm>>
          tpu.enqueue_dma source(%dma_start3A_253 : memref<1552xi32, #tpu.memory_space<hbm>>) target(%arg13 : memref<1552xi32, #tpu.memory_space<vmem>>) target_semaphore(%run_scoped3A : memref<!tpu.dma_semaphore, #tpu.memory_space<semaphore_mem>>)
          %dma_wait3A_254 = tpu.memref_slice %arg3[%min3A_214] : memref<1000000xi32, #tpu.memory_space<hbm>> -> memref<1552xi32, #tpu.memory_space<hbm>>
          %dma_wait3A_255 = tpu.memref_slice %arg3[%min3A_214] : memref<1000000xi32, #tpu.memory_space<hbm>> -> memref<1552xi32, #tpu.memory_space<hbm>>
          tpu.wait_dma2 semaphore(%run_scoped3A : memref<!tpu.dma_semaphore, #tpu.memory_space<semaphore_mem>>) src(%dma_wait3A_255 : memref<1552xi32, #tpu.memory_space<hbm>>) dst(%arg13 : memref<1552xi32, #tpu.memory_space<vmem>>)
          tpu.yield
        }) : () -> ()
        "tpu.region"() ({
          %run_scoped3A = tpu.sem_alloc : memref<!tpu.dma_semaphore, #tpu.memory_space<semaphore_mem>>
          %dma_start3A_252 = tpu.memref_slice %arg4[%min3A_214] : memref<1000000xf32, #tpu.memory_space<hbm>> -> memref<1552xf32, #tpu.memory_space<hbm>>
          %dma_start3A_253 = tpu.memref_slice %arg4[%min3A_214] : memref<1000000xf32, #tpu.memory_space<hbm>> -> memref<1552xf32, #tpu.memory_space<hbm>>
          tpu.enqueue_dma source(%dma_start3A_253 : memref<1552xf32, #tpu.memory_space<hbm>>) target(%arg14 : memref<1552xf32, #tpu.memory_space<vmem>>) target_semaphore(%run_scoped3A : memref<!tpu.dma_semaphore, #tpu.memory_space<semaphore_mem>>)
          %dma_wait3A_254 = tpu.memref_slice %arg4[%min3A_214] : memref<1000000xf32, #tpu.memory_space<hbm>> -> memref<1552xf32, #tpu.memory_space<hbm>>
          %dma_wait3A_255 = tpu.memref_slice %arg4[%min3A_214] : memref<1000000xf32, #tpu.memory_space<hbm>> -> memref<1552xf32, #tpu.memory_space<hbm>>
          tpu.wait_dma2 semaphore(%run_scoped3A : memref<!tpu.dma_semaphore, #tpu.memory_space<semaphore_mem>>) src(%dma_wait3A_255 : memref<1552xf32, #tpu.memory_space<hbm>>) dst(%arg14 : memref<1552xf32, #tpu.memory_space<vmem>>)
          tpu.yield
        }) : () -> ()
        %sub3A_215 = arith.subi %min3A_186, %min3A_214 : i32
        %add3A_216 = arith.constant 15 : i32
        %add3A_217 = arith.addi %sub3A_215, %add3A_216 : i32
        %jit3A_218 = arith.constant 16 : i32
        %div3A_219 = arith.divsi %add3A_217, %jit3A_218 : i32
        %sign3A_220 = arith.constant 0 : i32
        %sign3A_221 = arith.cmpi sgt, %add3A_217, %sign3A_220 : i32
        %sign3A_222 = arith.extui %sign3A_221 : i1 to i32
        %sign3A_223 = arith.constant 0 : i32
        %sign3A_224 = arith.cmpi slt, %add3A_217, %sign3A_223 : i32
        %sign3A_225 = arith.extui %sign3A_224 : i1 to i32
        %sign3A_226 = arith.subi %sign3A_222, %sign3A_225 : i32
        %sign3A_227 = arith.constant 0 : i32
        %sign3A_228 = arith.cmpi sgt, %jit3A_218, %sign3A_227 : i32
        %sign3A_229 = arith.extui %sign3A_228 : i1 to i32
        %sign3A_230 = arith.constant 0 : i32
        %sign3A_231 = arith.cmpi slt, %jit3A_218, %sign3A_230 : i32
        %sign3A_232 = arith.extui %sign3A_231 : i1 to i32
        %sign3A_233 = arith.subi %sign3A_229, %sign3A_232 : i32
        %ne3A_234 = arith.cmpi ne, %sign3A_226, %sign3A_233 : i32
        %rem3A_235 = arith.remsi %add3A_217, %jit3A_218 : i32
        %ne3A_236 = arith.constant 0 : i32
        %ne3A_237 = arith.cmpi ne, %rem3A_235, %ne3A_236 : i32
        %and3A_238 = arith.andi %ne3A_234, %ne3A_237 : i1
        %sub3A_239 = arith.constant 1 : i32
        %sub3A_240 = arith.subi %div3A_219, %sub3A_239 : i32
        %select_n3A_241 = arith.select %and3A_238, %sub3A_240, %div3A_219 : i32
        %while3A_242 = arith.constant 0 : i32
        %while3A_243 = arith.constant 0 : i32
        %while3A_244 = arith.subi %select_n3A_241, %while3A_243 : i32
        %while3A_245 = arith.addi %while3A_243, %while3A_244 : i32
        %while3A_246 = arith.constant 1 : i32
        %while3A_247 = arith.divsi %while3A_244, %while3A_246 : i32
        %while3A_248 = arith.muli %while3A_247, %while3A_246 : i32
        %while3A_249 = arith.addi %while3A_243, %while3A_248 : i32
        %while3A_250 = arith.constant 1 : i32
        scf.for %while3A_252 = %while3A_243 to %while3A_249 step %while3A_250  : i32 {
          %mul3A_253 = arith.constant 16 : i32
          %mul3A_254 = arith.muli %while3A_252, %mul3A_253 : i32
          %get3A_255 = arith.index_cast %mul3A_254 : i32 to index
          %get3A_256 = tpu.vector_load %arg13[%get3A_255] {strides = array<i32>} : memref<1552xi32, #tpu.memory_space<vmem>>, vector<16xi32>,
          %get3A_257 = arith.index_cast %mul3A_254 : i32 to index
          %get3A_258 = tpu.vector_load %arg14[%get3A_257] {strides = array<i32>} : memref<1552xf32, #tpu.memory_space<vmem>>, vector<16xf32>,
          %add3A_259 = arith.addi %min3A_214, %mul3A_254 : i32
          %iota3A = tpu.iota {dimensions = array<i32: 0>} : vector<16xi32>
          %add3A_260 = vector.broadcast %add3A_259 : i32 to vector<16xi32>
          %add3A_261 = arith.addi %add3A_260, %iota3A : vector<16xi32>
          %ge3A = vector.broadcast %add3A_183 : i32 to vector<16xi32>
          %ge3A_262 = arith.cmpi sge, %add3A_261, %ge3A : vector<16xi32>
          %lt3A_263 = vector.broadcast %min3A_186 : i32 to vector<16xi32>
          %lt3A_264 = arith.cmpi slt, %add3A_261, %lt3A_263 : vector<16xi32>
          %and3A_265 = arith.andi %ge3A_262, %lt3A_264 : vector<16xi1>
          %iota3A_266 = tpu.iota {dimensions = array<i32: 0>} : vector<16xi32>
          %jit3A_267 = arith.constant -1 : i32
          %broadcast_in_dim3A = vector.broadcast %jit3A_267 : i32 to vector<16xi32>
          %select_n3A_268 = arith.select %and3A_265, %get3A_256, %broadcast_in_dim3A : vector<16xi1>, vector<16xi32>
          %jit3A_269 = arith.constant 0.000000e+00 : f32
          %broadcast_in_dim3A_270 = vector.broadcast %jit3A_269 : f32 to vector<16xf32>
          %select_n3A_271 = arith.select %and3A_265, %get3A_258, %broadcast_in_dim3A_270 : vector<16xi1>, vector<16xf32>
          %swap3A = arith.constant 0 : index
          %swap3A_272 = tpu.vector_load %arg16[%swap3A] {strides = array<i32>} : memref<16xi32, #tpu.memory_space<vmem>>, vector<16xi32>,
          tpu.vector_store %arg16[%swap3A], %select_n3A_268 {strides = array<i32>} : memref<16xi32, #tpu.memory_space<vmem>>, vector<16xi32>,
          %add3A_273 = arith.constant 1 : i32
          %add3A_274 = vector.broadcast %add3A_273 : i32 to vector<16xi32>
          %add3A_275 = arith.addi %iota3A_266, %add3A_274 : vector<16xi32>
          %min3A_276 = arith.constant 15 : i32
          %min3A_277 = vector.broadcast %min3A_276 : i32 to vector<16xi32>
          %min3A_278 = arith.minsi %add3A_275, %min3A_277 : vector<16xi32>
          %gather3A = tpu.vector_load_idx %arg16[%min3A_278] : memref<16xi32, #tpu.memory_space<vmem>>[vector<16xi32>], vector<16xi32>,
          %sub3A_279 = arith.constant 1 : i32
          %sub3A_280 = vector.broadcast %sub3A_279 : i32 to vector<16xi32>
          %sub3A_281 = arith.subi %iota3A_266, %sub3A_280 : vector<16xi32>
          %max3A_282 = arith.constant 0 : i32
          %max3A_283 = vector.broadcast %max3A_282 : i32 to vector<16xi32>
          %max3A_284 = arith.maxsi %sub3A_281, %max3A_283 : vector<16xi32>
          %gather3A_285 = tpu.vector_load_idx %arg16[%max3A_284] : memref<16xi32, #tpu.memory_space<vmem>>[vector<16xi32>], vector<16xi32>,
          %eq3A = arith.constant 15 : i32
          %eq3A_286 = vector.broadcast %eq3A : i32 to vector<16xi32>
          %eq3A_287 = arith.cmpi eq, %iota3A_266, %eq3A_286 : vector<16xi32>
          %ne3A_288 = arith.cmpi ne, %gather3A, %select_n3A_268 : vector<16xi32>
          %or3A = arith.ori %eq3A_287, %ne3A_288 : vector<16xi1>
          %and3A_289 = arith.andi %and3A_265, %or3A : vector<16xi1>
          %eq3A_290 = arith.constant 0 : i32
          %eq3A_291 = vector.broadcast %eq3A_290 : i32 to vector<16xi32>
          %eq3A_292 = arith.cmpi eq, %iota3A_266, %eq3A_291 : vector<16xi32>
          %ne3A_293 = arith.cmpi ne, %gather3A_285, %select_n3A_268 : vector<16xi32>
          %or3A_294 = arith.ori %eq3A_292, %ne3A_293 : vector<16xi1>
          %and3A_295 = arith.andi %and3A_265, %or3A_294 : vector<16xi1>
          %broadcast_in_dim3A_296 = arith.constant true
          %broadcast_in_dim3A_297 = vector.broadcast %broadcast_in_dim3A_296 : i1 to vector<16xi1>
          %masked_cumsum3A = tpu.scan <sum>, %select_n3A_271 masked %broadcast_in_dim3A_297 : vector<16xf32>, vector<16xi1> -> vector<16xf32>
          %swap3A_298 = arith.constant 0 : index
          %swap3A_299 = tpu.vector_load %arg17[%swap3A_298] {strides = array<i32>} : memref<16xf32, #tpu.memory_space<vmem>>, vector<16xf32>,
          tpu.vector_store %arg17[%swap3A_298], %masked_cumsum3A {strides = array<i32>} : memref<16xf32, #tpu.memory_space<vmem>>, vector<16xf32>,
          %sub3A_300 = arith.constant 1 : i32
          %sub3A_301 = vector.broadcast %sub3A_300 : i32 to vector<16xi32>
          %sub3A_302 = arith.subi %iota3A_266, %sub3A_301 : vector<16xi32>
          %max3A_303 = arith.constant 0 : i32
          %max3A_304 = vector.broadcast %max3A_303 : i32 to vector<16xi32>
          %max3A_305 = arith.maxsi %sub3A_302, %max3A_304 : vector<16xi32>
          %gather3A_306 = tpu.vector_load_idx %arg17[%max3A_305] : memref<16xf32, #tpu.memory_space<vmem>>[vector<16xi32>], vector<16xf32>,
          %eq3A_307 = arith.constant 0 : i32
          %eq3A_308 = vector.broadcast %eq3A_307 : i32 to vector<16xi32>
          %eq3A_309 = arith.cmpi eq, %iota3A_266, %eq3A_308 : vector<16xi32>
          %jit3A_310 = arith.constant 0.000000e+00 : f32
          %broadcast_in_dim3A_311 = vector.broadcast %jit3A_310 : f32 to vector<16xf32>
          %select_n3A_312 = arith.select %eq3A_309, %broadcast_in_dim3A_311, %gather3A_306 : vector<16xi1>, vector<16xf32>
          %sub3A_313 = vector.broadcast %mul3A_62 : i32 to vector<16xi32>
          %sub3A_314 = arith.subi %select_n3A_268, %sub3A_313 : vector<16xi32>
          %jit3A_315 = arith.constant 11008 : i32
          %div3A_316 = vector.broadcast %jit3A_315 : i32 to vector<16xi32>
          %div3A_317 = arith.divsi %sub3A_314, %div3A_316 : vector<16xi32>
          %sign3A_318 = arith.constant 0 : i32
          %sign3A_319 = vector.broadcast %sign3A_318 : i32 to vector<16xi32>
          %sign3A_320 = arith.cmpi sgt, %sub3A_314, %sign3A_319 : vector<16xi32>
          %sign3A_321 = arith.extui %sign3A_320 : vector<16xi1> to vector<16xi32>
          %sign3A_322 = arith.constant 0 : i32
          %sign3A_323 = vector.broadcast %sign3A_322 : i32 to vector<16xi32>
          %sign3A_324 = arith.cmpi slt, %sub3A_314, %sign3A_323 : vector<16xi32>
          %sign3A_325 = arith.extui %sign3A_324 : vector<16xi1> to vector<16xi32>
          %sign3A_326 = arith.subi %sign3A_321, %sign3A_325 : vector<16xi32>
          %sign3A_327 = arith.constant 0 : i32
          %sign3A_328 = arith.cmpi sgt, %jit3A_315, %sign3A_327 : i32
          %sign3A_329 = arith.extui %sign3A_328 : i1 to i32
          %sign3A_330 = arith.constant 0 : i32
          %sign3A_331 = arith.cmpi slt, %jit3A_315, %sign3A_330 : i32
          %sign3A_332 = arith.extui %sign3A_331 : i1 to i32
          %sign3A_333 = arith.subi %sign3A_329, %sign3A_332 : i32
          %ne3A_334 = vector.broadcast %sign3A_333 : i32 to vector<16xi32>
          %ne3A_335 = arith.cmpi ne, %sign3A_326, %ne3A_334 : vector<16xi32>
          %rem3A_336 = vector.broadcast %jit3A_315 : i32 to vector<16xi32>
          %rem3A_337 = arith.remsi %sub3A_314, %rem3A_336 : vector<16xi32>
          %ne3A_338 = arith.constant 0 : i32
          %ne3A_339 = vector.broadcast %ne3A_338 : i32 to vector<16xi32>
          %ne3A_340 = arith.cmpi ne, %rem3A_337, %ne3A_339 : vector<16xi32>
          %and3A_341 = arith.andi %ne3A_335, %ne3A_340 : vector<16xi1>
          %sub3A_342 = arith.constant 1 : i32
          %sub3A_343 = vector.broadcast %sub3A_342 : i32 to vector<16xi32>
          %sub3A_344 = arith.subi %div3A_317, %sub3A_343 : vector<16xi32>
          %select_n3A_345 = arith.select %and3A_341, %sub3A_344, %div3A_317 : vector<16xi1>, vector<16xi32>
          %mul3A_346 = arith.constant 11008 : i32
          %mul3A_347 = vector.broadcast %mul3A_346 : i32 to vector<16xi32>
          %mul3A_348 = arith.muli %select_n3A_345, %mul3A_347 : vector<16xi32>
          %sub3A_349 = arith.subi %sub3A_314, %mul3A_348 : vector<16xi32>
          tpu.vector_store_idx %arg7[%select_n3A_345, %sub3A_349], %masked_cumsum3A masked %and3A_289 {add = true} : memref<4x11008xf32, #tpu.memory_space<vmem>>[vector<16xi32>, vector<16xi32>], vector<16xf32>, vector<16xi1>
          %neg3A = arith.constant 0.000000e+00 : f32
          %neg3A_350 = vector.broadcast %neg3A : f32 to vector<16xf32>
          %neg3A_351 = arith.subf %neg3A_350, %select_n3A_312 : vector<16xf32>
          tpu.vector_store_idx %arg7[%select_n3A_345, %sub3A_349], %neg3A_351 masked %and3A_295 {add = true} : memref<4x11008xf32, #tpu.memory_space<vmem>>[vector<16xi32>, vector<16xi32>], vector<16xf32>, vector<16xi1>
        }
        %while3A_251 = arith.constant 1 : i32
        scf.for %while3A_252 = %while3A_249 to %while3A_245 step %while3A_251  : i32 {
          %mul3A_253 = arith.constant 16 : i32
          %mul3A_254 = arith.muli %while3A_252, %mul3A_253 : i32
          %get3A_255 = arith.index_cast %mul3A_254 : i32 to index
          %get3A_256 = tpu.vector_load %arg13[%get3A_255] {strides = array<i32>} : memref<1552xi32, #tpu.memory_space<vmem>>, vector<16xi32>,
          %get3A_257 = arith.index_cast %mul3A_254 : i32 to index
          %get3A_258 = tpu.vector_load %arg14[%get3A_257] {strides = array<i32>} : memref<1552xf32, #tpu.memory_space<vmem>>, vector<16xf32>,
          %add3A_259 = arith.addi %min3A_214, %mul3A_254 : i32
          %iota3A = tpu.iota {dimensions = array<i32: 0>} : vector<16xi32>
          %add3A_260 = vector.broadcast %add3A_259 : i32 to vector<16xi32>
          %add3A_261 = arith.addi %add3A_260, %iota3A : vector<16xi32>
          %ge3A = vector.broadcast %add3A_183 : i32 to vector<16xi32>
          %ge3A_262 = arith.cmpi sge, %add3A_261, %ge3A : vector<16xi32>
          %lt3A_263 = vector.broadcast %min3A_186 : i32 to vector<16xi32>
          %lt3A_264 = arith.cmpi slt, %add3A_261, %lt3A_263 : vector<16xi32>
          %and3A_265 = arith.andi %ge3A_262, %lt3A_264 : vector<16xi1>
          %iota3A_266 = tpu.iota {dimensions = array<i32: 0>} : vector<16xi32>
          %jit3A_267 = arith.constant -1 : i32
          %broadcast_in_dim3A = vector.broadcast %jit3A_267 : i32 to vector<16xi32>
          %select_n3A_268 = arith.select %and3A_265, %get3A_256, %broadcast_in_dim3A : vector<16xi1>, vector<16xi32>
          %jit3A_269 = arith.constant 0.000000e+00 : f32
          %broadcast_in_dim3A_270 = vector.broadcast %jit3A_269 : f32 to vector<16xf32>
          %select_n3A_271 = arith.select %and3A_265, %get3A_258, %broadcast_in_dim3A_270 : vector<16xi1>, vector<16xf32>
          %swap3A = arith.constant 0 : index
          %swap3A_272 = tpu.vector_load %arg16[%swap3A] {strides = array<i32>} : memref<16xi32, #tpu.memory_space<vmem>>, vector<16xi32>,
          tpu.vector_store %arg16[%swap3A], %select_n3A_268 {strides = array<i32>} : memref<16xi32, #tpu.memory_space<vmem>>, vector<16xi32>,
          %add3A_273 = arith.constant 1 : i32
          %add3A_274 = vector.broadcast %add3A_273 : i32 to vector<16xi32>
          %add3A_275 = arith.addi %iota3A_266, %add3A_274 : vector<16xi32>
          %min3A_276 = arith.constant 15 : i32
          %min3A_277 = vector.broadcast %min3A_276 : i32 to vector<16xi32>
          %min3A_278 = arith.minsi %add3A_275, %min3A_277 : vector<16xi32>
          %gather3A = tpu.vector_load_idx %arg16[%min3A_278] : memref<16xi32, #tpu.memory_space<vmem>>[vector<16xi32>], vector<16xi32>,
          %sub3A_279 = arith.constant 1 : i32
          %sub3A_280 = vector.broadcast %sub3A_279 : i32 to vector<16xi32>
          %sub3A_281 = arith.subi %iota3A_266, %sub3A_280 : vector<16xi32>
          %max3A_282 = arith.constant 0 : i32
          %max3A_283 = vector.broadcast %max3A_282 : i32 to vector<16xi32>
          %max3A_284 = arith.maxsi %sub3A_281, %max3A_283 : vector<16xi32>
          %gather3A_285 = tpu.vector_load_idx %arg16[%max3A_284] : memref<16xi32, #tpu.memory_space<vmem>>[vector<16xi32>], vector<16xi32>,
          %eq3A = arith.constant 15 : i32
          %eq3A_286 = vector.broadcast %eq3A : i32 to vector<16xi32>
          %eq3A_287 = arith.cmpi eq, %iota3A_266, %eq3A_286 : vector<16xi32>
          %ne3A_288 = arith.cmpi ne, %gather3A, %select_n3A_268 : vector<16xi32>
          %or3A = arith.ori %eq3A_287, %ne3A_288 : vector<16xi1>
          %and3A_289 = arith.andi %and3A_265, %or3A : vector<16xi1>
          %eq3A_290 = arith.constant 0 : i32
          %eq3A_291 = vector.broadcast %eq3A_290 : i32 to vector<16xi32>
          %eq3A_292 = arith.cmpi eq, %iota3A_266, %eq3A_291 : vector<16xi32>
          %ne3A_293 = arith.cmpi ne, %gather3A_285, %select_n3A_268 : vector<16xi32>
          %or3A_294 = arith.ori %eq3A_292, %ne3A_293 : vector<16xi1>
          %and3A_295 = arith.andi %and3A_265, %or3A_294 : vector<16xi1>
          %broadcast_in_dim3A_296 = arith.constant true
          %broadcast_in_dim3A_297 = vector.broadcast %broadcast_in_dim3A_296 : i1 to vector<16xi1>
          %masked_cumsum3A = tpu.scan <sum>, %select_n3A_271 masked %broadcast_in_dim3A_297 : vector<16xf32>, vector<16xi1> -> vector<16xf32>
          %swap3A_298 = arith.constant 0 : index
          %swap3A_299 = tpu.vector_load %arg17[%swap3A_298] {strides = array<i32>} : memref<16xf32, #tpu.memory_space<vmem>>, vector<16xf32>,
          tpu.vector_store %arg17[%swap3A_298], %masked_cumsum3A {strides = array<i32>} : memref<16xf32, #tpu.memory_space<vmem>>, vector<16xf32>,
          %sub3A_300 = arith.constant 1 : i32
          %sub3A_301 = vector.broadcast %sub3A_300 : i32 to vector<16xi32>
          %sub3A_302 = arith.subi %iota3A_266, %sub3A_301 : vector<16xi32>
          %max3A_303 = arith.constant 0 : i32
          %max3A_304 = vector.broadcast %max3A_303 : i32 to vector<16xi32>
          %max3A_305 = arith.maxsi %sub3A_302, %max3A_304 : vector<16xi32>
          %gather3A_306 = tpu.vector_load_idx %arg17[%max3A_305] : memref<16xf32, #tpu.memory_space<vmem>>[vector<16xi32>], vector<16xf32>,
          %eq3A_307 = arith.constant 0 : i32
          %eq3A_308 = vector.broadcast %eq3A_307 : i32 to vector<16xi32>
          %eq3A_309 = arith.cmpi eq, %iota3A_266, %eq3A_308 : vector<16xi32>
          %jit3A_310 = arith.constant 0.000000e+00 : f32
          %broadcast_in_dim3A_311 = vector.broadcast %jit3A_310 : f32 to vector<16xf32>
          %select_n3A_312 = arith.select %eq3A_309, %broadcast_in_dim3A_311, %gather3A_306 : vector<16xi1>, vector<16xf32>
          %sub3A_313 = vector.broadcast %mul3A_62 : i32 to vector<16xi32>
          %sub3A_314 = arith.subi %select_n3A_268, %sub3A_313 : vector<16xi32>
          %jit3A_315 = arith.constant 11008 : i32
          %div3A_316 = vector.broadcast %jit3A_315 : i32 to vector<16xi32>
          %div3A_317 = arith.divsi %sub3A_314, %div3A_316 : vector<16xi32>
          %sign3A_318 = arith.constant 0 : i32
          %sign3A_319 = vector.broadcast %sign3A_318 : i32 to vector<16xi32>
          %sign3A_320 = arith.cmpi sgt, %sub3A_314, %sign3A_319 : vector<16xi32>
          %sign3A_321 = arith.extui %sign3A_320 : vector<16xi1> to vector<16xi32>
          %sign3A_322 = arith.constant 0 : i32
          %sign3A_323 = vector.broadcast %sign3A_322 : i32 to vector<16xi32>
          %sign3A_324 = arith.cmpi slt, %sub3A_314, %sign3A_323 : vector<16xi32>
          %sign3A_325 = arith.extui %sign3A_324 : vector<16xi1> to vector<16xi32>
          %sign3A_326 = arith.subi %sign3A_321, %sign3A_325 : vector<16xi32>
          %sign3A_327 = arith.constant 0 : i32
          %sign3A_328 = arith.cmpi sgt, %jit3A_315, %sign3A_327 : i32
          %sign3A_329 = arith.extui %sign3A_328 : i1 to i32
          %sign3A_330 = arith.constant 0 : i32
          %sign3A_331 = arith.cmpi slt, %jit3A_315, %sign3A_330 : i32
          %sign3A_332 = arith.extui %sign3A_331 : i1 to i32
          %sign3A_333 = arith.subi %sign3A_329, %sign3A_332 : i32
          %ne3A_334 = vector.broadcast %sign3A_333 : i32 to vector<16xi32>
          %ne3A_335 = arith.cmpi ne, %sign3A_326, %ne3A_334 : vector<16xi32>
          %rem3A_336 = vector.broadcast %jit3A_315 : i32 to vector<16xi32>
          %rem3A_337 = arith.remsi %sub3A_314, %rem3A_336 : vector<16xi32>
          %ne3A_338 = arith.constant 0 : i32
          %ne3A_339 = vector.broadcast %ne3A_338 : i32 to vector<16xi32>
          %ne3A_340 = arith.cmpi ne, %rem3A_337, %ne3A_339 : vector<16xi32>
          %and3A_341 = arith.andi %ne3A_335, %ne3A_340 : vector<16xi1>
          %sub3A_342 = arith.constant 1 : i32
          %sub3A_343 = vector.broadcast %sub3A_342 : i32 to vector<16xi32>
          %sub3A_344 = arith.subi %div3A_317, %sub3A_343 : vector<16xi32>
          %select_n3A_345 = arith.select %and3A_341, %sub3A_344, %div3A_317 : vector<16xi1>, vector<16xi32>
          %mul3A_346 = arith.constant 11008 : i32
          %mul3A_347 = vector.broadcast %mul3A_346 : i32 to vector<16xi32>
          %mul3A_348 = arith.muli %select_n3A_345, %mul3A_347 : vector<16xi32>
          %sub3A_349 = arith.subi %sub3A_314, %mul3A_348 : vector<16xi32>
          tpu.vector_store_idx %arg7[%select_n3A_345, %sub3A_349], %masked_cumsum3A masked %and3A_289 {add = true} : memref<4x11008xf32, #tpu.memory_space<vmem>>[vector<16xi32>, vector<16xi32>], vector<16xf32>, vector<16xi1>
          %neg3A = arith.constant 0.000000e+00 : f32
          %neg3A_350 = vector.broadcast %neg3A : f32 to vector<16xf32>
          %neg3A_351 = arith.subf %neg3A_350, %select_n3A_312 : vector<16xf32>
          tpu.vector_store_idx %arg7[%select_n3A_345, %sub3A_349], %neg3A_351 masked %and3A_295 {add = true} : memref<4x11008xf32, #tpu.memory_space<vmem>>[vector<16xi32>, vector<16xi32>], vector<16xf32>, vector<16xi1>
        }
      }
      %while3A_169 = arith.constant 1 : i32
      scf.for %while3A_180 = %while3A_167 to %while3A_163 step %while3A_169  : i32 {
        %mul3A_181 = arith.constant 1536 : i32
        %mul3A_182 = arith.muli %while3A_180, %mul3A_181 : i32
        %add3A_183 = arith.addi %squeeze3A_41, %mul3A_182 : i32
        %add3A_184 = arith.constant 1536 : i32
        %add3A_185 = arith.addi %add3A_183, %add3A_184 : i32
        %min3A_186 = arith.minsi %squeeze3A_43, %add3A_185 : i32
        %jit3A_187 = arith.constant 8 : i32
        %div3A_188 = arith.divsi %add3A_183, %jit3A_187 : i32
        %sign3A_189 = arith.constant 0 : i32
        %sign3A_190 = arith.cmpi sgt, %add3A_183, %sign3A_189 : i32
        %sign3A_191 = arith.extui %sign3A_190 : i1 to i32
        %sign3A_192 = arith.constant 0 : i32
        %sign3A_193 = arith.cmpi slt, %add3A_183, %sign3A_192 : i32
        %sign3A_194 = arith.extui %sign3A_193 : i1 to i32
        %sign3A_195 = arith.subi %sign3A_191, %sign3A_194 : i32
        %sign3A_196 = arith.constant 0 : i32
        %sign3A_197 = arith.cmpi sgt, %jit3A_187, %sign3A_196 : i32
        %sign3A_198 = arith.extui %sign3A_197 : i1 to i32
        %sign3A_199 = arith.constant 0 : i32
        %sign3A_200 = arith.cmpi slt, %jit3A_187, %sign3A_199 : i32
        %sign3A_201 = arith.extui %sign3A_200 : i1 to i32
        %sign3A_202 = arith.subi %sign3A_198, %sign3A_201 : i32
        %ne3A_203 = arith.cmpi ne, %sign3A_195, %sign3A_202 : i32
        %rem3A_204 = arith.remsi %add3A_183, %jit3A_187 : i32
        %ne3A_205 = arith.constant 0 : i32
        %ne3A_206 = arith.cmpi ne, %rem3A_204, %ne3A_205 : i32
        %and3A_207 = arith.andi %ne3A_203, %ne3A_206 : i1
        %sub3A_208 = arith.constant 1 : i32
        %sub3A_209 = arith.subi %div3A_188, %sub3A_208 : i32
        %select_n3A_210 = arith.select %and3A_207, %sub3A_209, %div3A_188 : i32
        %mul3A_211 = arith.constant 8 : i32
        %mul3A_212 = arith.muli %select_n3A_210, %mul3A_211 : i32
        %min3A_213 = arith.constant 998448 : i32
        %min3A_214 = arith.minsi %mul3A_212, %min3A_213 : i32
        "tpu.region"() ({
          %run_scoped3A = tpu.sem_alloc : memref<!tpu.dma_semaphore, #tpu.memory_space<semaphore_mem>>
          %dma_start3A_252 = tpu.memref_slice %arg3[%min3A_214] : memref<1000000xi32, #tpu.memory_space<hbm>> -> memref<1552xi32, #tpu.memory_space<hbm>>
          %dma_start3A_253 = tpu.memref_slice %arg3[%min3A_214] : memref<1000000xi32, #tpu.memory_space<hbm>> -> memref<1552xi32, #tpu.memory_space<hbm>>
          tpu.enqueue_dma source(%dma_start3A_253 : memref<1552xi32, #tpu.memory_space<hbm>>) target(%arg13 : memref<1552xi32, #tpu.memory_space<vmem>>) target_semaphore(%run_scoped3A : memref<!tpu.dma_semaphore, #tpu.memory_space<semaphore_mem>>)
          %dma_wait3A_254 = tpu.memref_slice %arg3[%min3A_214] : memref<1000000xi32, #tpu.memory_space<hbm>> -> memref<1552xi32, #tpu.memory_space<hbm>>
          %dma_wait3A_255 = tpu.memref_slice %arg3[%min3A_214] : memref<1000000xi32, #tpu.memory_space<hbm>> -> memref<1552xi32, #tpu.memory_space<hbm>>
          tpu.wait_dma2 semaphore(%run_scoped3A : memref<!tpu.dma_semaphore, #tpu.memory_space<semaphore_mem>>) src(%dma_wait3A_255 : memref<1552xi32, #tpu.memory_space<hbm>>) dst(%arg13 : memref<1552xi32, #tpu.memory_space<vmem>>)
          tpu.yield
        }) : () -> ()
        "tpu.region"() ({
          %run_scoped3A = tpu.sem_alloc : memref<!tpu.dma_semaphore, #tpu.memory_space<semaphore_mem>>
          %dma_start3A_252 = tpu.memref_slice %arg4[%min3A_214] : memref<1000000xf32, #tpu.memory_space<hbm>> -> memref<1552xf32, #tpu.memory_space<hbm>>
          %dma_start3A_253 = tpu.memref_slice %arg4[%min3A_214] : memref<1000000xf32, #tpu.memory_space<hbm>> -> memref<1552xf32, #tpu.memory_space<hbm>>
          tpu.enqueue_dma source(%dma_start3A_253 : memref<1552xf32, #tpu.memory_space<hbm>>) target(%arg14 : memref<1552xf32, #tpu.memory_space<vmem>>) target_semaphore(%run_scoped3A : memref<!tpu.dma_semaphore, #tpu.memory_space<semaphore_mem>>)
          %dma_wait3A_254 = tpu.memref_slice %arg4[%min3A_214] : memref<1000000xf32, #tpu.memory_space<hbm>> -> memref<1552xf32, #tpu.memory_space<hbm>>
          %dma_wait3A_255 = tpu.memref_slice %arg4[%min3A_214] : memref<1000000xf32, #tpu.memory_space<hbm>> -> memref<1552xf32, #tpu.memory_space<hbm>>
          tpu.wait_dma2 semaphore(%run_scoped3A : memref<!tpu.dma_semaphore, #tpu.memory_space<semaphore_mem>>) src(%dma_wait3A_255 : memref<1552xf32, #tpu.memory_space<hbm>>) dst(%arg14 : memref<1552xf32, #tpu.memory_space<vmem>>)
          tpu.yield
        }) : () -> ()
        %sub3A_215 = arith.subi %min3A_186, %min3A_214 : i32
        %add3A_216 = arith.constant 15 : i32
        %add3A_217 = arith.addi %sub3A_215, %add3A_216 : i32
        %jit3A_218 = arith.constant 16 : i32
        %div3A_219 = arith.divsi %add3A_217, %jit3A_218 : i32
        %sign3A_220 = arith.constant 0 : i32
        %sign3A_221 = arith.cmpi sgt, %add3A_217, %sign3A_220 : i32
        %sign3A_222 = arith.extui %sign3A_221 : i1 to i32
        %sign3A_223 = arith.constant 0 : i32
        %sign3A_224 = arith.cmpi slt, %add3A_217, %sign3A_223 : i32
        %sign3A_225 = arith.extui %sign3A_224 : i1 to i32
        %sign3A_226 = arith.subi %sign3A_222, %sign3A_225 : i32
        %sign3A_227 = arith.constant 0 : i32
        %sign3A_228 = arith.cmpi sgt, %jit3A_218, %sign3A_227 : i32
        %sign3A_229 = arith.extui %sign3A_228 : i1 to i32
        %sign3A_230 = arith.constant 0 : i32
        %sign3A_231 = arith.cmpi slt, %jit3A_218, %sign3A_230 : i32
        %sign3A_232 = arith.extui %sign3A_231 : i1 to i32
        %sign3A_233 = arith.subi %sign3A_229, %sign3A_232 : i32
        %ne3A_234 = arith.cmpi ne, %sign3A_226, %sign3A_233 : i32
        %rem3A_235 = arith.remsi %add3A_217, %jit3A_218 : i32
        %ne3A_236 = arith.constant 0 : i32
        %ne3A_237 = arith.cmpi ne, %rem3A_235, %ne3A_236 : i32
        %and3A_238 = arith.andi %ne3A_234, %ne3A_237 : i1
        %sub3A_239 = arith.constant 1 : i32
        %sub3A_240 = arith.subi %div3A_219, %sub3A_239 : i32
        %select_n3A_241 = arith.select %and3A_238, %sub3A_240, %div3A_219 : i32
        %while3A_242 = arith.constant 0 : i32
        %while3A_243 = arith.constant 0 : i32
        %while3A_244 = arith.subi %select_n3A_241, %while3A_243 : i32
        %while3A_245 = arith.addi %while3A_243, %while3A_244 : i32
        %while3A_246 = arith.constant 1 : i32
        %while3A_247 = arith.divsi %while3A_244, %while3A_246 : i32
        %while3A_248 = arith.muli %while3A_247, %while3A_246 : i32
        %while3A_249 = arith.addi %while3A_243, %while3A_248 : i32
        %while3A_250 = arith.constant 1 : i32
        scf.for %while3A_252 = %while3A_243 to %while3A_249 step %while3A_250  : i32 {
          %mul3A_253 = arith.constant 16 : i32
          %mul3A_254 = arith.muli %while3A_252, %mul3A_253 : i32
          %get3A_255 = arith.index_cast %mul3A_254 : i32 to index
          %get3A_256 = tpu.vector_load %arg13[%get3A_255] {strides = array<i32>} : memref<1552xi32, #tpu.memory_space<vmem>>, vector<16xi32>,
          %get3A_257 = arith.index_cast %mul3A_254 : i32 to index
          %get3A_258 = tpu.vector_load %arg14[%get3A_257] {strides = array<i32>} : memref<1552xf32, #tpu.memory_space<vmem>>, vector<16xf32>,
          %add3A_259 = arith.addi %min3A_214, %mul3A_254 : i32
          %iota3A = tpu.iota {dimensions = array<i32: 0>} : vector<16xi32>
          %add3A_260 = vector.broadcast %add3A_259 : i32 to vector<16xi32>
          %add3A_261 = arith.addi %add3A_260, %iota3A : vector<16xi32>
          %ge3A = vector.broadcast %add3A_183 : i32 to vector<16xi32>
          %ge3A_262 = arith.cmpi sge, %add3A_261, %ge3A : vector<16xi32>
          %lt3A_263 = vector.broadcast %min3A_186 : i32 to vector<16xi32>
          %lt3A_264 = arith.cmpi slt, %add3A_261, %lt3A_263 : vector<16xi32>
          %and3A_265 = arith.andi %ge3A_262, %lt3A_264 : vector<16xi1>
          %iota3A_266 = tpu.iota {dimensions = array<i32: 0>} : vector<16xi32>
          %jit3A_267 = arith.constant -1 : i32
          %broadcast_in_dim3A = vector.broadcast %jit3A_267 : i32 to vector<16xi32>
          %select_n3A_268 = arith.select %and3A_265, %get3A_256, %broadcast_in_dim3A : vector<16xi1>, vector<16xi32>
          %jit3A_269 = arith.constant 0.000000e+00 : f32
          %broadcast_in_dim3A_270 = vector.broadcast %jit3A_269 : f32 to vector<16xf32>
          %select_n3A_271 = arith.select %and3A_265, %get3A_258, %broadcast_in_dim3A_270 : vector<16xi1>, vector<16xf32>
          %swap3A = arith.constant 0 : index
          %swap3A_272 = tpu.vector_load %arg16[%swap3A] {strides = array<i32>} : memref<16xi32, #tpu.memory_space<vmem>>, vector<16xi32>,
          tpu.vector_store %arg16[%swap3A], %select_n3A_268 {strides = array<i32>} : memref<16xi32, #tpu.memory_space<vmem>>, vector<16xi32>,
          %add3A_273 = arith.constant 1 : i32
          %add3A_274 = vector.broadcast %add3A_273 : i32 to vector<16xi32>
          %add3A_275 = arith.addi %iota3A_266, %add3A_274 : vector<16xi32>
          %min3A_276 = arith.constant 15 : i32
          %min3A_277 = vector.broadcast %min3A_276 : i32 to vector<16xi32>
          %min3A_278 = arith.minsi %add3A_275, %min3A_277 : vector<16xi32>
          %gather3A = tpu.vector_load_idx %arg16[%min3A_278] : memref<16xi32, #tpu.memory_space<vmem>>[vector<16xi32>], vector<16xi32>,
          %sub3A_279 = arith.constant 1 : i32
          %sub3A_280 = vector.broadcast %sub3A_279 : i32 to vector<16xi32>
          %sub3A_281 = arith.subi %iota3A_266, %sub3A_280 : vector<16xi32>
          %max3A_282 = arith.constant 0 : i32
          %max3A_283 = vector.broadcast %max3A_282 : i32 to vector<16xi32>
          %max3A_284 = arith.maxsi %sub3A_281, %max3A_283 : vector<16xi32>
          %gather3A_285 = tpu.vector_load_idx %arg16[%max3A_284] : memref<16xi32, #tpu.memory_space<vmem>>[vector<16xi32>], vector<16xi32>,
          %eq3A = arith.constant 15 : i32
          %eq3A_286 = vector.broadcast %eq3A : i32 to vector<16xi32>
          %eq3A_287 = arith.cmpi eq, %iota3A_266, %eq3A_286 : vector<16xi32>
          %ne3A_288 = arith.cmpi ne, %gather3A, %select_n3A_268 : vector<16xi32>
          %or3A = arith.ori %eq3A_287, %ne3A_288 : vector<16xi1>
          %and3A_289 = arith.andi %and3A_265, %or3A : vector<16xi1>
          %eq3A_290 = arith.constant 0 : i32
          %eq3A_291 = vector.broadcast %eq3A_290 : i32 to vector<16xi32>
          %eq3A_292 = arith.cmpi eq, %iota3A_266, %eq3A_291 : vector<16xi32>
          %ne3A_293 = arith.cmpi ne, %gather3A_285, %select_n3A_268 : vector<16xi32>
          %or3A_294 = arith.ori %eq3A_292, %ne3A_293 : vector<16xi1>
          %and3A_295 = arith.andi %and3A_265, %or3A_294 : vector<16xi1>
          %broadcast_in_dim3A_296 = arith.constant true
          %broadcast_in_dim3A_297 = vector.broadcast %broadcast_in_dim3A_296 : i1 to vector<16xi1>
          %masked_cumsum3A = tpu.scan <sum>, %select_n3A_271 masked %broadcast_in_dim3A_297 : vector<16xf32>, vector<16xi1> -> vector<16xf32>
          %swap3A_298 = arith.constant 0 : index
          %swap3A_299 = tpu.vector_load %arg17[%swap3A_298] {strides = array<i32>} : memref<16xf32, #tpu.memory_space<vmem>>, vector<16xf32>,
          tpu.vector_store %arg17[%swap3A_298], %masked_cumsum3A {strides = array<i32>} : memref<16xf32, #tpu.memory_space<vmem>>, vector<16xf32>,
          %sub3A_300 = arith.constant 1 : i32
          %sub3A_301 = vector.broadcast %sub3A_300 : i32 to vector<16xi32>
          %sub3A_302 = arith.subi %iota3A_266, %sub3A_301 : vector<16xi32>
          %max3A_303 = arith.constant 0 : i32
          %max3A_304 = vector.broadcast %max3A_303 : i32 to vector<16xi32>
          %max3A_305 = arith.maxsi %sub3A_302, %max3A_304 : vector<16xi32>
          %gather3A_306 = tpu.vector_load_idx %arg17[%max3A_305] : memref<16xf32, #tpu.memory_space<vmem>>[vector<16xi32>], vector<16xf32>,
          %eq3A_307 = arith.constant 0 : i32
          %eq3A_308 = vector.broadcast %eq3A_307 : i32 to vector<16xi32>
          %eq3A_309 = arith.cmpi eq, %iota3A_266, %eq3A_308 : vector<16xi32>
          %jit3A_310 = arith.constant 0.000000e+00 : f32
          %broadcast_in_dim3A_311 = vector.broadcast %jit3A_310 : f32 to vector<16xf32>
          %select_n3A_312 = arith.select %eq3A_309, %broadcast_in_dim3A_311, %gather3A_306 : vector<16xi1>, vector<16xf32>
          %sub3A_313 = vector.broadcast %mul3A_62 : i32 to vector<16xi32>
          %sub3A_314 = arith.subi %select_n3A_268, %sub3A_313 : vector<16xi32>
          %jit3A_315 = arith.constant 11008 : i32
          %div3A_316 = vector.broadcast %jit3A_315 : i32 to vector<16xi32>
          %div3A_317 = arith.divsi %sub3A_314, %div3A_316 : vector<16xi32>
          %sign3A_318 = arith.constant 0 : i32
          %sign3A_319 = vector.broadcast %sign3A_318 : i32 to vector<16xi32>
          %sign3A_320 = arith.cmpi sgt, %sub3A_314, %sign3A_319 : vector<16xi32>
          %sign3A_321 = arith.extui %sign3A_320 : vector<16xi1> to vector<16xi32>
          %sign3A_322 = arith.constant 0 : i32
          %sign3A_323 = vector.broadcast %sign3A_322 : i32 to vector<16xi32>
          %sign3A_324 = arith.cmpi slt, %sub3A_314, %sign3A_323 : vector<16xi32>
          %sign3A_325 = arith.extui %sign3A_324 : vector<16xi1> to vector<16xi32>
          %sign3A_326 = arith.subi %sign3A_321, %sign3A_325 : vector<16xi32>
          %sign3A_327 = arith.constant 0 : i32
          %sign3A_328 = arith.cmpi sgt, %jit3A_315, %sign3A_327 : i32
          %sign3A_329 = arith.extui %sign3A_328 : i1 to i32
          %sign3A_330 = arith.constant 0 : i32
          %sign3A_331 = arith.cmpi slt, %jit3A_315, %sign3A_330 : i32
          %sign3A_332 = arith.extui %sign3A_331 : i1 to i32
          %sign3A_333 = arith.subi %sign3A_329, %sign3A_332 : i32
          %ne3A_334 = vector.broadcast %sign3A_333 : i32 to vector<16xi32>
          %ne3A_335 = arith.cmpi ne, %sign3A_326, %ne3A_334 : vector<16xi32>
          %rem3A_336 = vector.broadcast %jit3A_315 : i32 to vector<16xi32>
          %rem3A_337 = arith.remsi %sub3A_314, %rem3A_336 : vector<16xi32>
          %ne3A_338 = arith.constant 0 : i32
          %ne3A_339 = vector.broadcast %ne3A_338 : i32 to vector<16xi32>
          %ne3A_340 = arith.cmpi ne, %rem3A_337, %ne3A_339 : vector<16xi32>
          %and3A_341 = arith.andi %ne3A_335, %ne3A_340 : vector<16xi1>
          %sub3A_342 = arith.constant 1 : i32
          %sub3A_343 = vector.broadcast %sub3A_342 : i32 to vector<16xi32>
          %sub3A_344 = arith.subi %div3A_317, %sub3A_343 : vector<16xi32>
          %select_n3A_345 = arith.select %and3A_341, %sub3A_344, %div3A_317 : vector<16xi1>, vector<16xi32>
          %mul3A_346 = arith.constant 11008 : i32
          %mul3A_347 = vector.broadcast %mul3A_346 : i32 to vector<16xi32>
          %mul3A_348 = arith.muli %select_n3A_345, %mul3A_347 : vector<16xi32>
          %sub3A_349 = arith.subi %sub3A_314, %mul3A_348 : vector<16xi32>
          tpu.vector_store_idx %arg7[%select_n3A_345, %sub3A_349], %masked_cumsum3A masked %and3A_289 {add = true} : memref<4x11008xf32, #tpu.memory_space<vmem>>[vector<16xi32>, vector<16xi32>], vector<16xf32>, vector<16xi1>
          %neg3A = arith.constant 0.000000e+00 : f32
          %neg3A_350 = vector.broadcast %neg3A : f32 to vector<16xf32>
          %neg3A_351 = arith.subf %neg3A_350, %select_n3A_312 : vector<16xf32>
          tpu.vector_store_idx %arg7[%select_n3A_345, %sub3A_349], %neg3A_351 masked %and3A_295 {add = true} : memref<4x11008xf32, #tpu.memory_space<vmem>>[vector<16xi32>, vector<16xi32>], vector<16xf32>, vector<16xi1>
        }
        %while3A_251 = arith.constant 1 : i32
        scf.for %while3A_252 = %while3A_249 to %while3A_245 step %while3A_251  : i32 {
          %mul3A_253 = arith.constant 16 : i32
          %mul3A_254 = arith.muli %while3A_252, %mul3A_253 : i32
          %get3A_255 = arith.index_cast %mul3A_254 : i32 to index
          %get3A_256 = tpu.vector_load %arg13[%get3A_255] {strides = array<i32>} : memref<1552xi32, #tpu.memory_space<vmem>>, vector<16xi32>,
          %get3A_257 = arith.index_cast %mul3A_254 : i32 to index
          %get3A_258 = tpu.vector_load %arg14[%get3A_257] {strides = array<i32>} : memref<1552xf32, #tpu.memory_space<vmem>>, vector<16xf32>,
          %add3A_259 = arith.addi %min3A_214, %mul3A_254 : i32
          %iota3A = tpu.iota {dimensions = array<i32: 0>} : vector<16xi32>
          %add3A_260 = vector.broadcast %add3A_259 : i32 to vector<16xi32>
          %add3A_261 = arith.addi %add3A_260, %iota3A : vector<16xi32>
          %ge3A = vector.broadcast %add3A_183 : i32 to vector<16xi32>
          %ge3A_262 = arith.cmpi sge, %add3A_261, %ge3A : vector<16xi32>
          %lt3A_263 = vector.broadcast %min3A_186 : i32 to vector<16xi32>
          %lt3A_264 = arith.cmpi slt, %add3A_261, %lt3A_263 : vector<16xi32>
          %and3A_265 = arith.andi %ge3A_262, %lt3A_264 : vector<16xi1>
          %iota3A_266 = tpu.iota {dimensions = array<i32: 0>} : vector<16xi32>
          %jit3A_267 = arith.constant -1 : i32
          %broadcast_in_dim3A = vector.broadcast %jit3A_267 : i32 to vector<16xi32>
          %select_n3A_268 = arith.select %and3A_265, %get3A_256, %broadcast_in_dim3A : vector<16xi1>, vector<16xi32>
          %jit3A_269 = arith.constant 0.000000e+00 : f32
          %broadcast_in_dim3A_270 = vector.broadcast %jit3A_269 : f32 to vector<16xf32>
          %select_n3A_271 = arith.select %and3A_265, %get3A_258, %broadcast_in_dim3A_270 : vector<16xi1>, vector<16xf32>
          %swap3A = arith.constant 0 : index
          %swap3A_272 = tpu.vector_load %arg16[%swap3A] {strides = array<i32>} : memref<16xi32, #tpu.memory_space<vmem>>, vector<16xi32>,
          tpu.vector_store %arg16[%swap3A], %select_n3A_268 {strides = array<i32>} : memref<16xi32, #tpu.memory_space<vmem>>, vector<16xi32>,
          %add3A_273 = arith.constant 1 : i32
          %add3A_274 = vector.broadcast %add3A_273 : i32 to vector<16xi32>
          %add3A_275 = arith.addi %iota3A_266, %add3A_274 : vector<16xi32>
          %min3A_276 = arith.constant 15 : i32
          %min3A_277 = vector.broadcast %min3A_276 : i32 to vector<16xi32>
          %min3A_278 = arith.minsi %add3A_275, %min3A_277 : vector<16xi32>
          %gather3A = tpu.vector_load_idx %arg16[%min3A_278] : memref<16xi32, #tpu.memory_space<vmem>>[vector<16xi32>], vector<16xi32>,
          %sub3A_279 = arith.constant 1 : i32
          %sub3A_280 = vector.broadcast %sub3A_279 : i32 to vector<16xi32>
          %sub3A_281 = arith.subi %iota3A_266, %sub3A_280 : vector<16xi32>
          %max3A_282 = arith.constant 0 : i32
          %max3A_283 = vector.broadcast %max3A_282 : i32 to vector<16xi32>
          %max3A_284 = arith.maxsi %sub3A_281, %max3A_283 : vector<16xi32>
          %gather3A_285 = tpu.vector_load_idx %arg16[%max3A_284] : memref<16xi32, #tpu.memory_space<vmem>>[vector<16xi32>], vector<16xi32>,
          %eq3A = arith.constant 15 : i32
          %eq3A_286 = vector.broadcast %eq3A : i32 to vector<16xi32>
          %eq3A_287 = arith.cmpi eq, %iota3A_266, %eq3A_286 : vector<16xi32>
          %ne3A_288 = arith.cmpi ne, %gather3A, %select_n3A_268 : vector<16xi32>
          %or3A = arith.ori %eq3A_287, %ne3A_288 : vector<16xi1>
          %and3A_289 = arith.andi %and3A_265, %or3A : vector<16xi1>
          %eq3A_290 = arith.constant 0 : i32
          %eq3A_291 = vector.broadcast %eq3A_290 : i32 to vector<16xi32>
          %eq3A_292 = arith.cmpi eq, %iota3A_266, %eq3A_291 : vector<16xi32>
          %ne3A_293 = arith.cmpi ne, %gather3A_285, %select_n3A_268 : vector<16xi32>
          %or3A_294 = arith.ori %eq3A_292, %ne3A_293 : vector<16xi1>
          %and3A_295 = arith.andi %and3A_265, %or3A_294 : vector<16xi1>
          %broadcast_in_dim3A_296 = arith.constant true
          %broadcast_in_dim3A_297 = vector.broadcast %broadcast_in_dim3A_296 : i1 to vector<16xi1>
          %masked_cumsum3A = tpu.scan <sum>, %select_n3A_271 masked %broadcast_in_dim3A_297 : vector<16xf32>, vector<16xi1> -> vector<16xf32>
          %swap3A_298 = arith.constant 0 : index
          %swap3A_299 = tpu.vector_load %arg17[%swap3A_298] {strides = array<i32>} : memref<16xf32, #tpu.memory_space<vmem>>, vector<16xf32>,
          tpu.vector_store %arg17[%swap3A_298], %masked_cumsum3A {strides = array<i32>} : memref<16xf32, #tpu.memory_space<vmem>>, vector<16xf32>,
          %sub3A_300 = arith.constant 1 : i32
          %sub3A_301 = vector.broadcast %sub3A_300 : i32 to vector<16xi32>
          %sub3A_302 = arith.subi %iota3A_266, %sub3A_301 : vector<16xi32>
          %max3A_303 = arith.constant 0 : i32
          %max3A_304 = vector.broadcast %max3A_303 : i32 to vector<16xi32>
          %max3A_305 = arith.maxsi %sub3A_302, %max3A_304 : vector<16xi32>
          %gather3A_306 = tpu.vector_load_idx %arg17[%max3A_305] : memref<16xf32, #tpu.memory_space<vmem>>[vector<16xi32>], vector<16xf32>,
          %eq3A_307 = arith.constant 0 : i32
          %eq3A_308 = vector.broadcast %eq3A_307 : i32 to vector<16xi32>
          %eq3A_309 = arith.cmpi eq, %iota3A_266, %eq3A_308 : vector<16xi32>
          %jit3A_310 = arith.constant 0.000000e+00 : f32
          %broadcast_in_dim3A_311 = vector.broadcast %jit3A_310 : f32 to vector<16xf32>
          %select_n3A_312 = arith.select %eq3A_309, %broadcast_in_dim3A_311, %gather3A_306 : vector<16xi1>, vector<16xf32>
          %sub3A_313 = vector.broadcast %mul3A_62 : i32 to vector<16xi32>
          %sub3A_314 = arith.subi %select_n3A_268, %sub3A_313 : vector<16xi32>
          %jit3A_315 = arith.constant 11008 : i32
          %div3A_316 = vector.broadcast %jit3A_315 : i32 to vector<16xi32>
          %div3A_317 = arith.divsi %sub3A_314, %div3A_316 : vector<16xi32>
          %sign3A_318 = arith.constant 0 : i32
          %sign3A_319 = vector.broadcast %sign3A_318 : i32 to vector<16xi32>
          %sign3A_320 = arith.cmpi sgt, %sub3A_314, %sign3A_319 : vector<16xi32>
          %sign3A_321 = arith.extui %sign3A_320 : vector<16xi1> to vector<16xi32>
          %sign3A_322 = arith.constant 0 : i32
          %sign3A_323 = vector.broadcast %sign3A_322 : i32 to vector<16xi32>
          %sign3A_324 = arith.cmpi slt, %sub3A_314, %sign3A_323 : vector<16xi32>
          %sign3A_325 = arith.extui %sign3A_324 : vector<16xi1> to vector<16xi32>
          %sign3A_326 = arith.subi %sign3A_321, %sign3A_325 : vector<16xi32>
          %sign3A_327 = arith.constant 0 : i32
          %sign3A_328 = arith.cmpi sgt, %jit3A_315, %sign3A_327 : i32
          %sign3A_329 = arith.extui %sign3A_328 : i1 to i32
          %sign3A_330 = arith.constant 0 : i32
          %sign3A_331 = arith.cmpi slt, %jit3A_315, %sign3A_330 : i32
          %sign3A_332 = arith.extui %sign3A_331 : i1 to i32
          %sign3A_333 = arith.subi %sign3A_329, %sign3A_332 : i32
          %ne3A_334 = vector.broadcast %sign3A_333 : i32 to vector<16xi32>
          %ne3A_335 = arith.cmpi ne, %sign3A_326, %ne3A_334 : vector<16xi32>
          %rem3A_336 = vector.broadcast %jit3A_315 : i32 to vector<16xi32>
          %rem3A_337 = arith.remsi %sub3A_314, %rem3A_336 : vector<16xi32>
          %ne3A_338 = arith.constant 0 : i32
          %ne3A_339 = vector.broadcast %ne3A_338 : i32 to vector<16xi32>
          %ne3A_340 = arith.cmpi ne, %rem3A_337, %ne3A_339 : vector<16xi32>
          %and3A_341 = arith.andi %ne3A_335, %ne3A_340 : vector<16xi1>
          %sub3A_342 = arith.constant 1 : i32
          %sub3A_343 = vector.broadcast %sub3A_342 : i32 to vector<16xi32>
          %sub3A_344 = arith.subi %div3A_317, %sub3A_343 : vector<16xi32>
          %select_n3A_345 = arith.select %and3A_341, %sub3A_344, %div3A_317 : vector<16xi1>, vector<16xi32>
          %mul3A_346 = arith.constant 11008 : i32
          %mul3A_347 = vector.broadcast %mul3A_346 : i32 to vector<16xi32>
          %mul3A_348 = arith.muli %select_n3A_345, %mul3A_347 : vector<16xi32>
          %sub3A_349 = arith.subi %sub3A_314, %mul3A_348 : vector<16xi32>
          tpu.vector_store_idx %arg7[%select_n3A_345, %sub3A_349], %masked_cumsum3A masked %and3A_289 {add = true} : memref<4x11008xf32, #tpu.memory_space<vmem>>[vector<16xi32>, vector<16xi32>], vector<16xf32>, vector<16xi1>
          %neg3A = arith.constant 0.000000e+00 : f32
          %neg3A_350 = vector.broadcast %neg3A : f32 to vector<16xf32>
          %neg3A_351 = arith.subf %neg3A_350, %select_n3A_312 : vector<16xf32>
          tpu.vector_store_idx %arg7[%select_n3A_345, %sub3A_349], %neg3A_351 masked %and3A_295 {add = true} : memref<4x11008xf32, #tpu.memory_space<vmem>>[vector<16xi32>, vector<16xi32>], vector<16xf32>, vector<16xi1>
        }
      }
      %mul3A_170 = arith.constant 4 : i32
      %mul3A_171 = arith.muli %mul3A_35, %mul3A_170 : i32
      %add3A_172 = arith.addi %mul3A_2, %mul3A_171 : i32
      "tpu.region"() ({
        %run_scoped3A = tpu.sem_alloc : memref<!tpu.dma_semaphore, #tpu.memory_space<semaphore_mem>>
        %dma_start3A_180 = arith.constant 0 : i32
        %dma_start3A_181 = tpu.memref_slice %arg6[%add3A_172, %dma_start3A_180] : memref<4096x11008xf32, #tpu.memory_space<hbm>> -> memref<4x11008xf32, #tpu.memory_space<hbm>>
        %dma_start3A_182 = arith.constant 0 : i32
        %dma_start3A_183 = tpu.memref_slice %arg6[%add3A_172, %dma_start3A_182] : memref<4096x11008xf32, #tpu.memory_space<hbm>> -> memref<4x11008xf32, #tpu.memory_space<hbm>>
        tpu.enqueue_dma source(%arg7 : memref<4x11008xf32, #tpu.memory_space<vmem>>) target(%dma_start3A_183 : memref<4x11008xf32, #tpu.memory_space<hbm>>) target_semaphore(%run_scoped3A : memref<!tpu.dma_semaphore, #tpu.memory_space<semaphore_mem>>)
        %dma_wait3A_184 = arith.constant 0 : i32
        %dma_wait3A_185 = tpu.memref_slice %arg6[%add3A_172, %dma_wait3A_184] : memref<4096x11008xf32, #tpu.memory_space<hbm>> -> memref<4x11008xf32, #tpu.memory_space<hbm>>
        %dma_wait3A_186 = arith.constant 0 : i32
        %dma_wait3A_187 = tpu.memref_slice %arg6[%add3A_172, %dma_wait3A_186] : memref<4096x11008xf32, #tpu.memory_space<hbm>> -> memref<4x11008xf32, #tpu.memory_space<hbm>>
        tpu.wait_dma2 semaphore(%run_scoped3A : memref<!tpu.dma_semaphore, #tpu.memory_space<semaphore_mem>>) src(%arg7 : memref<4x11008xf32, #tpu.memory_space<vmem>>) dst(%dma_wait3A_187 : memref<4x11008xf32, #tpu.memory_space<hbm>>)
        tpu.yield
      }) : () -> ()
      %add3A_173 = arith.constant 1 : i32
      %add3A_174 = arith.addi %mul3A_35, %add3A_173 : i32
      %lt3A_175 = arith.constant 32 : i32
      %lt3A_176 = arith.cmpi slt, %add3A_174, %lt3A_175 : i32
      %convert_element_type3A_177 = arith.extui %lt3A_176 : i1 to i32
      %cond3A_178 = arith.constant 0 : i32
      %cond3A_179 = arith.cmpi ne, %convert_element_type3A_177, %cond3A_178 : i32
      scf.if %cond3A_179 {
        %add3A_180 = arith.constant 1 : i32
        %add3A_181 = arith.addi %mul3A_35, %add3A_180 : i32
        %mul3A_182 = arith.constant 16 : i32
        %mul3A_183 = arith.muli %add3A_181, %mul3A_182 : i32
        %get3A_184 = arith.index_cast %mul3A_183 : i32 to index
        %get3A_185 = tpu.vector_load %arg15[%get3A_184] {strides = array<i32>} : memref<512xi32, #tpu.memory_space<vmem>>, vector<16xi32>,
        %slice3A_186 = vector.extract_strided_slice %get3A_185 {offsets = [0], sizes = [1], strides = [1]} : vector<16xi32> to vector<1xi32>
        %squeeze3A_187 = vector.extract %slice3A_186[0] : i32 from vector<1xi32>
        %slice3A_188 = vector.extract_strided_slice %get3A_185 {offsets = [1], sizes = [1], strides = [1]} : vector<16xi32> to vector<1xi32>
        %squeeze3A_189 = vector.extract %slice3A_188[0] : i32 from vector<1xi32>
        %add3A_190 = arith.constant 1 : i32
        %add3A_191 = arith.addi %add3A_181, %add3A_190 : i32
        %lt3A_192 = arith.constant 32 : i32
        %lt3A_193 = arith.cmpi slt, %add3A_191, %lt3A_192 : i32
        %convert_element_type3A_194 = arith.extui %lt3A_193 : i1 to i32
        %cond3A_195 = arith.constant 0 : i32
        %cond3A_196 = arith.cmpi ne, %convert_element_type3A_194, %cond3A_195 : i32
        scf.if %cond3A_196 {
          %add3A_325 = arith.constant 1 : i32
          %add3A_326 = arith.addi %add3A_181, %add3A_325 : i32
          %mul3A_327 = arith.constant 16 : i32
          %mul3A_328 = arith.muli %add3A_326, %mul3A_327 : i32
          %get3A_329 = arith.index_cast %mul3A_328 : i32 to index
          %get3A_330 = tpu.vector_load %arg15[%get3A_329] {strides = array<i32>} : memref<512xi32, #tpu.memory_space<vmem>>, vector<16xi32>,
          %slice3A_331 = vector.extract_strided_slice %get3A_330 {offsets = [0], sizes = [1], strides = [1]} : vector<16xi32> to vector<1xi32>
          %squeeze3A_332 = vector.extract %slice3A_331[0] : i32 from vector<1xi32>
          %slice3A_333 = vector.extract_strided_slice %get3A_330 {offsets = [1], sizes = [1], strides = [1]} : vector<16xi32> to vector<1xi32>
          %squeeze3A_334 = vector.extract %slice3A_333[0] : i32 from vector<1xi32>
          %jit3A_335 = arith.constant 8 : i32
          %div3A_336 = arith.divsi %squeeze3A_332, %jit3A_335 : i32
          %sign3A_337 = arith.constant 0 : i32
          %sign3A_338 = arith.cmpi sgt, %squeeze3A_332, %sign3A_337 : i32
          %sign3A_339 = arith.extui %sign3A_338 : i1 to i32
          %sign3A_340 = arith.constant 0 : i32
          %sign3A_341 = arith.cmpi slt, %squeeze3A_332, %sign3A_340 : i32
          %sign3A_342 = arith.extui %sign3A_341 : i1 to i32
          %sign3A_343 = arith.subi %sign3A_339, %sign3A_342 : i32
          %sign3A_344 = arith.constant 0 : i32
          %sign3A_345 = arith.cmpi sgt, %jit3A_335, %sign3A_344 : i32
          %sign3A_346 = arith.extui %sign3A_345 : i1 to i32
          %sign3A_347 = arith.constant 0 : i32
          %sign3A_348 = arith.cmpi slt, %jit3A_335, %sign3A_347 : i32
          %sign3A_349 = arith.extui %sign3A_348 : i1 to i32
          %sign3A_350 = arith.subi %sign3A_346, %sign3A_349 : i32
          %ne3A_351 = arith.cmpi ne, %sign3A_343, %sign3A_350 : i32
          %rem3A_352 = arith.remsi %squeeze3A_332, %jit3A_335 : i32
          %ne3A_353 = arith.constant 0 : i32
          %ne3A_354 = arith.cmpi ne, %rem3A_352, %ne3A_353 : i32
          %and3A_355 = arith.andi %ne3A_351, %ne3A_354 : i1
          %sub3A_356 = arith.constant 1 : i32
          %sub3A_357 = arith.subi %div3A_336, %sub3A_356 : i32
          %select_n3A_358 = arith.select %and3A_355, %sub3A_357, %div3A_336 : i32
          %mul3A_359 = arith.constant 8 : i32
          %mul3A_360 = arith.muli %select_n3A_358, %mul3A_359 : i32
          %min3A_361 = arith.constant 998448 : i32
          %min3A_362 = arith.minsi %mul3A_360, %min3A_361 : i32
          %dma_start3A_363 = tpu.memref_slice %arg3[%min3A_362] : memref<1000000xi32, #tpu.memory_space<hbm>> -> memref<1552xi32, #tpu.memory_space<hbm>>
          %dma_start3A_364 = tpu.memref_slice %arg3[%min3A_362] : memref<1000000xi32, #tpu.memory_space<hbm>> -> memref<1552xi32, #tpu.memory_space<hbm>>
          tpu.enqueue_dma source(%dma_start3A_364 : memref<1552xi32, #tpu.memory_space<hbm>>) target(%arg9 : memref<1552xi32, #tpu.memory_space<vmem>>) target_semaphore(%arg22 : memref<!tpu.dma_semaphore, #tpu.memory_space<semaphore_mem>>)
          %dma_start3A_365 = tpu.memref_slice %arg4[%min3A_362] : memref<1000000xf32, #tpu.memory_space<hbm>> -> memref<1552xf32, #tpu.memory_space<hbm>>
          %dma_start3A_366 = tpu.memref_slice %arg4[%min3A_362] : memref<1000000xf32, #tpu.memory_space<hbm>> -> memref<1552xf32, #tpu.memory_space<hbm>>
          tpu.enqueue_dma source(%dma_start3A_366 : memref<1552xf32, #tpu.memory_space<hbm>>) target(%arg10 : memref<1552xf32, #tpu.memory_space<vmem>>) target_semaphore(%arg24 : memref<!tpu.dma_semaphore, #tpu.memory_space<semaphore_mem>>)
        } else {
        }
        %dma_wait3A_197 = arith.constant 0 : i32
        %dma_wait3A_198 = tpu.memref_slice %arg3[%dma_wait3A_197] : memref<1000000xi32, #tpu.memory_space<hbm>> -> memref<1552xi32, #tpu.memory_space<hbm>>
        %dma_wait3A_199 = arith.constant 0 : i32
        %dma_wait3A_200 = tpu.memref_slice %arg3[%dma_wait3A_199] : memref<1000000xi32, #tpu.memory_space<hbm>> -> memref<1552xi32, #tpu.memory_space<hbm>>
        tpu.wait_dma2 semaphore(%arg23 : memref<!tpu.dma_semaphore, #tpu.memory_space<semaphore_mem>>) src(%dma_wait3A_200 : memref<1552xi32, #tpu.memory_space<hbm>>) dst(%arg11 : memref<1552xi32, #tpu.memory_space<vmem>>)
        %dma_wait3A_201 = arith.constant 0 : i32
        %dma_wait3A_202 = tpu.memref_slice %arg4[%dma_wait3A_201] : memref<1000000xf32, #tpu.memory_space<hbm>> -> memref<1552xf32, #tpu.memory_space<hbm>>
        %dma_wait3A_203 = arith.constant 0 : i32
        %dma_wait3A_204 = tpu.memref_slice %arg4[%dma_wait3A_203] : memref<1000000xf32, #tpu.memory_space<hbm>> -> memref<1552xf32, #tpu.memory_space<hbm>>
        tpu.wait_dma2 semaphore(%arg25 : memref<!tpu.dma_semaphore, #tpu.memory_space<semaphore_mem>>) src(%dma_wait3A_204 : memref<1552xf32, #tpu.memory_space<hbm>>) dst(%arg12 : memref<1552xf32, #tpu.memory_space<vmem>>)
        %mul3A_205 = arith.constant 4 : i32
        %mul3A_206 = arith.muli %add3A_181, %mul3A_205 : i32
        %add3A_207 = arith.addi %mul3A_2, %mul3A_206 : i32
        "tpu.region"() ({
          %run_scoped3A = tpu.sem_alloc : memref<!tpu.dma_semaphore, #tpu.memory_space<semaphore_mem>>
          %dma_start3A_325 = arith.constant 0 : i32
          %dma_start3A_326 = tpu.memref_slice %arg2[%add3A_207, %dma_start3A_325] : memref<4096x11008xf32, #tpu.memory_space<hbm>> -> memref<4x11008xf32, #tpu.memory_space<hbm>>
          %dma_start3A_327 = arith.constant 0 : i32
          %dma_start3A_328 = tpu.memref_slice %arg2[%add3A_207, %dma_start3A_327] : memref<4096x11008xf32, #tpu.memory_space<hbm>> -> memref<4x11008xf32, #tpu.memory_space<hbm>>
          tpu.enqueue_dma source(%dma_start3A_328 : memref<4x11008xf32, #tpu.memory_space<hbm>>) target(%arg8 : memref<4x11008xf32, #tpu.memory_space<vmem>>) target_semaphore(%run_scoped3A : memref<!tpu.dma_semaphore, #tpu.memory_space<semaphore_mem>>)
          %dma_wait3A_329 = arith.constant 0 : i32
          %dma_wait3A_330 = tpu.memref_slice %arg2[%add3A_207, %dma_wait3A_329] : memref<4096x11008xf32, #tpu.memory_space<hbm>> -> memref<4x11008xf32, #tpu.memory_space<hbm>>
          %dma_wait3A_331 = arith.constant 0 : i32
          %dma_wait3A_332 = tpu.memref_slice %arg2[%add3A_207, %dma_wait3A_331] : memref<4096x11008xf32, #tpu.memory_space<hbm>> -> memref<4x11008xf32, #tpu.memory_space<hbm>>
          tpu.wait_dma2 semaphore(%run_scoped3A : memref<!tpu.dma_semaphore, #tpu.memory_space<semaphore_mem>>) src(%dma_wait3A_332 : memref<4x11008xf32, #tpu.memory_space<hbm>>) dst(%arg8 : memref<4x11008xf32, #tpu.memory_space<vmem>>)
          tpu.yield
        }) : () -> ()
        %mul3A_208 = arith.constant 4 : i32
        %mul3A_209 = arith.muli %add3A_181, %mul3A_208 : i32
        %add3A_210 = arith.addi %mul3A_2, %mul3A_209 : i32
        %mul3A_211 = arith.constant 11008 : i32
        %mul3A_212 = arith.muli %add3A_210, %mul3A_211 : i32
        %jit3A_213 = arith.constant 8 : i32
        %div3A_214 = arith.divsi %squeeze3A_187, %jit3A_213 : i32
        %sign3A_215 = arith.constant 0 : i32
        %sign3A_216 = arith.cmpi sgt, %squeeze3A_187, %sign3A_215 : i32
        %sign3A_217 = arith.extui %sign3A_216 : i1 to i32
        %sign3A_218 = arith.constant 0 : i32
        %sign3A_219 = arith.cmpi slt, %squeeze3A_187, %sign3A_218 : i32
        %sign3A_220 = arith.extui %sign3A_219 : i1 to i32
        %sign3A_221 = arith.subi %sign3A_217, %sign3A_220 : i32
        %sign3A_222 = arith.constant 0 : i32
        %sign3A_223 = arith.cmpi sgt, %jit3A_213, %sign3A_222 : i32
        %sign3A_224 = arith.extui %sign3A_223 : i1 to i32
        %sign3A_225 = arith.constant 0 : i32
        %sign3A_226 = arith.cmpi slt, %jit3A_213, %sign3A_225 : i32
        %sign3A_227 = arith.extui %sign3A_226 : i1 to i32
        %sign3A_228 = arith.subi %sign3A_224, %sign3A_227 : i32
        %ne3A_229 = arith.cmpi ne, %sign3A_221, %sign3A_228 : i32
        %rem3A_230 = arith.remsi %squeeze3A_187, %jit3A_213 : i32
        %ne3A_231 = arith.constant 0 : i32
        %ne3A_232 = arith.cmpi ne, %rem3A_230, %ne3A_231 : i32
        %and3A_233 = arith.andi %ne3A_229, %ne3A_232 : i1
        %sub3A_234 = arith.constant 1 : i32
        %sub3A_235 = arith.subi %div3A_214, %sub3A_234 : i32
        %select_n3A_236 = arith.select %and3A_233, %sub3A_235, %div3A_214 : i32
        %mul3A_237 = arith.constant 8 : i32
        %mul3A_238 = arith.muli %select_n3A_236, %mul3A_237 : i32
        %min3A_239 = arith.constant 998448 : i32
        %min3A_240 = arith.minsi %mul3A_238, %min3A_239 : i32
        %add3A_241 = arith.constant 1536 : i32
        %add3A_242 = arith.addi %squeeze3A_187, %add3A_241 : i32
        %min3A_243 = arith.minsi %squeeze3A_189, %add3A_242 : i32
        %sub3A_244 = arith.subi %min3A_243, %min3A_240 : i32
        %add3A_245 = arith.constant 15 : i32
        %add3A_246 = arith.addi %sub3A_244, %add3A_245 : i32
        %jit3A_247 = arith.constant 16 : i32
        %div3A_248 = arith.divsi %add3A_246, %jit3A_247 : i32
        %sign3A_249 = arith.constant 0 : i32
        %sign3A_250 = arith.cmpi sgt, %add3A_246, %sign3A_249 : i32
        %sign3A_251 = arith.extui %sign3A_250 : i1 to i32
        %sign3A_252 = arith.constant 0 : i32
        %sign3A_253 = arith.cmpi slt, %add3A_246, %sign3A_252 : i32
        %sign3A_254 = arith.extui %sign3A_253 : i1 to i32
        %sign3A_255 = arith.subi %sign3A_251, %sign3A_254 : i32
        %sign3A_256 = arith.constant 0 : i32
        %sign3A_257 = arith.cmpi sgt, %jit3A_247, %sign3A_256 : i32
        %sign3A_258 = arith.extui %sign3A_257 : i1 to i32
        %sign3A_259 = arith.constant 0 : i32
        %sign3A_260 = arith.cmpi slt, %jit3A_247, %sign3A_259 : i32
        %sign3A_261 = arith.extui %sign3A_260 : i1 to i32
        %sign3A_262 = arith.subi %sign3A_258, %sign3A_261 : i32
        %ne3A_263 = arith.cmpi ne, %sign3A_255, %sign3A_262 : i32
        %rem3A_264 = arith.remsi %add3A_246, %jit3A_247 : i32
        %ne3A_265 = arith.constant 0 : i32
        %ne3A_266 = arith.cmpi ne, %rem3A_264, %ne3A_265 : i32
        %and3A_267 = arith.andi %ne3A_263, %ne3A_266 : i1
        %sub3A_268 = arith.constant 1 : i32
        %sub3A_269 = arith.subi %div3A_248, %sub3A_268 : i32
        %select_n3A_270 = arith.select %and3A_267, %sub3A_269, %div3A_248 : i32
        %while3A_271 = arith.constant 0 : i32
        %while3A_272 = arith.constant 0 : i32
        %while3A_273 = arith.subi %select_n3A_270, %while3A_272 : i32
        %while3A_274 = arith.addi %while3A_272, %while3A_273 : i32
        %while3A_275 = arith.constant 1 : i32
        %while3A_276 = arith.divsi %while3A_273, %while3A_275 : i32
        %while3A_277 = arith.muli %while3A_276, %while3A_275 : i32
        %while3A_278 = arith.addi %while3A_272, %while3A_277 : i32
        %while3A_279 = arith.constant 1 : i32
        scf.for %while3A_325 = %while3A_272 to %while3A_278 step %while3A_279  : i32 {
          %mul3A_326 = arith.constant 16 : i32
          %mul3A_327 = arith.muli %while3A_325, %mul3A_326 : i32
          %get3A_328 = arith.index_cast %mul3A_327 : i32 to index
          %get3A_329 = tpu.vector_load %arg11[%get3A_328] {strides = array<i32>} : memref<1552xi32, #tpu.memory_space<vmem>>, vector<16xi32>,
          %get3A_330 = arith.index_cast %mul3A_327 : i32 to index
          %get3A_331 = tpu.vector_load %arg12[%get3A_330] {strides = array<i32>} : memref<1552xf32, #tpu.memory_space<vmem>>, vector<16xf32>,
          %add3A_332 = arith.addi %min3A_240, %mul3A_327 : i32
          %iota3A = tpu.iota {dimensions = array<i32: 0>} : vector<16xi32>
          %add3A_333 = vector.broadcast %add3A_332 : i32 to vector<16xi32>
          %add3A_334 = arith.addi %add3A_333, %iota3A : vector<16xi32>
          %ge3A = vector.broadcast %squeeze3A_187 : i32 to vector<16xi32>
          %ge3A_335 = arith.cmpi sge, %add3A_334, %ge3A : vector<16xi32>
          %lt3A_336 = vector.broadcast %min3A_243 : i32 to vector<16xi32>
          %lt3A_337 = arith.cmpi slt, %add3A_334, %lt3A_336 : vector<16xi32>
          %and3A_338 = arith.andi %ge3A_335, %lt3A_337 : vector<16xi1>
          %iota3A_339 = tpu.iota {dimensions = array<i32: 0>} : vector<16xi32>
          %jit3A_340 = arith.constant -1 : i32
          %broadcast_in_dim3A = vector.broadcast %jit3A_340 : i32 to vector<16xi32>
          %select_n3A_341 = arith.select %and3A_338, %get3A_329, %broadcast_in_dim3A : vector<16xi1>, vector<16xi32>
          %jit3A_342 = arith.constant 0.000000e+00 : f32
          %broadcast_in_dim3A_343 = vector.broadcast %jit3A_342 : f32 to vector<16xf32>
          %select_n3A_344 = arith.select %and3A_338, %get3A_331, %broadcast_in_dim3A_343 : vector<16xi1>, vector<16xf32>
          %swap3A = arith.constant 0 : index
          %swap3A_345 = tpu.vector_load %arg16[%swap3A] {strides = array<i32>} : memref<16xi32, #tpu.memory_space<vmem>>, vector<16xi32>,
          tpu.vector_store %arg16[%swap3A], %select_n3A_341 {strides = array<i32>} : memref<16xi32, #tpu.memory_space<vmem>>, vector<16xi32>,
          %add3A_346 = arith.constant 1 : i32
          %add3A_347 = vector.broadcast %add3A_346 : i32 to vector<16xi32>
          %add3A_348 = arith.addi %iota3A_339, %add3A_347 : vector<16xi32>
          %min3A_349 = arith.constant 15 : i32
          %min3A_350 = vector.broadcast %min3A_349 : i32 to vector<16xi32>
          %min3A_351 = arith.minsi %add3A_348, %min3A_350 : vector<16xi32>
          %gather3A = tpu.vector_load_idx %arg16[%min3A_351] : memref<16xi32, #tpu.memory_space<vmem>>[vector<16xi32>], vector<16xi32>,
          %sub3A_352 = arith.constant 1 : i32
          %sub3A_353 = vector.broadcast %sub3A_352 : i32 to vector<16xi32>
          %sub3A_354 = arith.subi %iota3A_339, %sub3A_353 : vector<16xi32>
          %max3A_355 = arith.constant 0 : i32
          %max3A_356 = vector.broadcast %max3A_355 : i32 to vector<16xi32>
          %max3A_357 = arith.maxsi %sub3A_354, %max3A_356 : vector<16xi32>
          %gather3A_358 = tpu.vector_load_idx %arg16[%max3A_357] : memref<16xi32, #tpu.memory_space<vmem>>[vector<16xi32>], vector<16xi32>,
          %eq3A = arith.constant 15 : i32
          %eq3A_359 = vector.broadcast %eq3A : i32 to vector<16xi32>
          %eq3A_360 = arith.cmpi eq, %iota3A_339, %eq3A_359 : vector<16xi32>
          %ne3A_361 = arith.cmpi ne, %gather3A, %select_n3A_341 : vector<16xi32>
          %or3A = arith.ori %eq3A_360, %ne3A_361 : vector<16xi1>
          %and3A_362 = arith.andi %and3A_338, %or3A : vector<16xi1>
          %eq3A_363 = arith.constant 0 : i32
          %eq3A_364 = vector.broadcast %eq3A_363 : i32 to vector<16xi32>
          %eq3A_365 = arith.cmpi eq, %iota3A_339, %eq3A_364 : vector<16xi32>
          %ne3A_366 = arith.cmpi ne, %gather3A_358, %select_n3A_341 : vector<16xi32>
          %or3A_367 = arith.ori %eq3A_365, %ne3A_366 : vector<16xi1>
          %and3A_368 = arith.andi %and3A_338, %or3A_367 : vector<16xi1>
          %broadcast_in_dim3A_369 = arith.constant true
          %broadcast_in_dim3A_370 = vector.broadcast %broadcast_in_dim3A_369 : i1 to vector<16xi1>
          %masked_cumsum3A = tpu.scan <sum>, %select_n3A_344 masked %broadcast_in_dim3A_370 : vector<16xf32>, vector<16xi1> -> vector<16xf32>
          %swap3A_371 = arith.constant 0 : index
          %swap3A_372 = tpu.vector_load %arg17[%swap3A_371] {strides = array<i32>} : memref<16xf32, #tpu.memory_space<vmem>>, vector<16xf32>,
          tpu.vector_store %arg17[%swap3A_371], %masked_cumsum3A {strides = array<i32>} : memref<16xf32, #tpu.memory_space<vmem>>, vector<16xf32>,
          %sub3A_373 = arith.constant 1 : i32
          %sub3A_374 = vector.broadcast %sub3A_373 : i32 to vector<16xi32>
          %sub3A_375 = arith.subi %iota3A_339, %sub3A_374 : vector<16xi32>
          %max3A_376 = arith.constant 0 : i32
          %max3A_377 = vector.broadcast %max3A_376 : i32 to vector<16xi32>
          %max3A_378 = arith.maxsi %sub3A_375, %max3A_377 : vector<16xi32>
          %gather3A_379 = tpu.vector_load_idx %arg17[%max3A_378] : memref<16xf32, #tpu.memory_space<vmem>>[vector<16xi32>], vector<16xf32>,
          %eq3A_380 = arith.constant 0 : i32
          %eq3A_381 = vector.broadcast %eq3A_380 : i32 to vector<16xi32>
          %eq3A_382 = arith.cmpi eq, %iota3A_339, %eq3A_381 : vector<16xi32>
          %jit3A_383 = arith.constant 0.000000e+00 : f32
          %broadcast_in_dim3A_384 = vector.broadcast %jit3A_383 : f32 to vector<16xf32>
          %select_n3A_385 = arith.select %eq3A_382, %broadcast_in_dim3A_384, %gather3A_379 : vector<16xi1>, vector<16xf32>
          %sub3A_386 = vector.broadcast %mul3A_212 : i32 to vector<16xi32>
          %sub3A_387 = arith.subi %select_n3A_341, %sub3A_386 : vector<16xi32>
          %jit3A_388 = arith.constant 11008 : i32
          %div3A_389 = vector.broadcast %jit3A_388 : i32 to vector<16xi32>
          %div3A_390 = arith.divsi %sub3A_387, %div3A_389 : vector<16xi32>
          %sign3A_391 = arith.constant 0 : i32
          %sign3A_392 = vector.broadcast %sign3A_391 : i32 to vector<16xi32>
          %sign3A_393 = arith.cmpi sgt, %sub3A_387, %sign3A_392 : vector<16xi32>
          %sign3A_394 = arith.extui %sign3A_393 : vector<16xi1> to vector<16xi32>
          %sign3A_395 = arith.constant 0 : i32
          %sign3A_396 = vector.broadcast %sign3A_395 : i32 to vector<16xi32>
          %sign3A_397 = arith.cmpi slt, %sub3A_387, %sign3A_396 : vector<16xi32>
          %sign3A_398 = arith.extui %sign3A_397 : vector<16xi1> to vector<16xi32>
          %sign3A_399 = arith.subi %sign3A_394, %sign3A_398 : vector<16xi32>
          %sign3A_400 = arith.constant 0 : i32
          %sign3A_401 = arith.cmpi sgt, %jit3A_388, %sign3A_400 : i32
          %sign3A_402 = arith.extui %sign3A_401 : i1 to i32
          %sign3A_403 = arith.constant 0 : i32
          %sign3A_404 = arith.cmpi slt, %jit3A_388, %sign3A_403 : i32
          %sign3A_405 = arith.extui %sign3A_404 : i1 to i32
          %sign3A_406 = arith.subi %sign3A_402, %sign3A_405 : i32
          %ne3A_407 = vector.broadcast %sign3A_406 : i32 to vector<16xi32>
          %ne3A_408 = arith.cmpi ne, %sign3A_399, %ne3A_407 : vector<16xi32>
          %rem3A_409 = vector.broadcast %jit3A_388 : i32 to vector<16xi32>
          %rem3A_410 = arith.remsi %sub3A_387, %rem3A_409 : vector<16xi32>
          %ne3A_411 = arith.constant 0 : i32
          %ne3A_412 = vector.broadcast %ne3A_411 : i32 to vector<16xi32>
          %ne3A_413 = arith.cmpi ne, %rem3A_410, %ne3A_412 : vector<16xi32>
          %and3A_414 = arith.andi %ne3A_408, %ne3A_413 : vector<16xi1>
          %sub3A_415 = arith.constant 1 : i32
          %sub3A_416 = vector.broadcast %sub3A_415 : i32 to vector<16xi32>
          %sub3A_417 = arith.subi %div3A_390, %sub3A_416 : vector<16xi32>
          %select_n3A_418 = arith.select %and3A_414, %sub3A_417, %div3A_390 : vector<16xi1>, vector<16xi32>
          %mul3A_419 = arith.constant 11008 : i32
          %mul3A_420 = vector.broadcast %mul3A_419 : i32 to vector<16xi32>
          %mul3A_421 = arith.muli %select_n3A_418, %mul3A_420 : vector<16xi32>
          %sub3A_422 = arith.subi %sub3A_387, %mul3A_421 : vector<16xi32>
          tpu.vector_store_idx %arg8[%select_n3A_418, %sub3A_422], %masked_cumsum3A masked %and3A_362 {add = true} : memref<4x11008xf32, #tpu.memory_space<vmem>>[vector<16xi32>, vector<16xi32>], vector<16xf32>, vector<16xi1>
          %neg3A = arith.constant 0.000000e+00 : f32
          %neg3A_423 = vector.broadcast %neg3A : f32 to vector<16xf32>
          %neg3A_424 = arith.subf %neg3A_423, %select_n3A_385 : vector<16xf32>
          tpu.vector_store_idx %arg8[%select_n3A_418, %sub3A_422], %neg3A_424 masked %and3A_368 {add = true} : memref<4x11008xf32, #tpu.memory_space<vmem>>[vector<16xi32>, vector<16xi32>], vector<16xf32>, vector<16xi1>
        }
        %while3A_280 = arith.constant 1 : i32
        scf.for %while3A_325 = %while3A_278 to %while3A_274 step %while3A_280  : i32 {
          %mul3A_326 = arith.constant 16 : i32
          %mul3A_327 = arith.muli %while3A_325, %mul3A_326 : i32
          %get3A_328 = arith.index_cast %mul3A_327 : i32 to index
          %get3A_329 = tpu.vector_load %arg11[%get3A_328] {strides = array<i32>} : memref<1552xi32, #tpu.memory_space<vmem>>, vector<16xi32>,
          %get3A_330 = arith.index_cast %mul3A_327 : i32 to index
          %get3A_331 = tpu.vector_load %arg12[%get3A_330] {strides = array<i32>} : memref<1552xf32, #tpu.memory_space<vmem>>, vector<16xf32>,
          %add3A_332 = arith.addi %min3A_240, %mul3A_327 : i32
          %iota3A = tpu.iota {dimensions = array<i32: 0>} : vector<16xi32>
          %add3A_333 = vector.broadcast %add3A_332 : i32 to vector<16xi32>
          %add3A_334 = arith.addi %add3A_333, %iota3A : vector<16xi32>
          %ge3A = vector.broadcast %squeeze3A_187 : i32 to vector<16xi32>
          %ge3A_335 = arith.cmpi sge, %add3A_334, %ge3A : vector<16xi32>
          %lt3A_336 = vector.broadcast %min3A_243 : i32 to vector<16xi32>
          %lt3A_337 = arith.cmpi slt, %add3A_334, %lt3A_336 : vector<16xi32>
          %and3A_338 = arith.andi %ge3A_335, %lt3A_337 : vector<16xi1>
          %iota3A_339 = tpu.iota {dimensions = array<i32: 0>} : vector<16xi32>
          %jit3A_340 = arith.constant -1 : i32
          %broadcast_in_dim3A = vector.broadcast %jit3A_340 : i32 to vector<16xi32>
          %select_n3A_341 = arith.select %and3A_338, %get3A_329, %broadcast_in_dim3A : vector<16xi1>, vector<16xi32>
          %jit3A_342 = arith.constant 0.000000e+00 : f32
          %broadcast_in_dim3A_343 = vector.broadcast %jit3A_342 : f32 to vector<16xf32>
          %select_n3A_344 = arith.select %and3A_338, %get3A_331, %broadcast_in_dim3A_343 : vector<16xi1>, vector<16xf32>
          %swap3A = arith.constant 0 : index
          %swap3A_345 = tpu.vector_load %arg16[%swap3A] {strides = array<i32>} : memref<16xi32, #tpu.memory_space<vmem>>, vector<16xi32>,
          tpu.vector_store %arg16[%swap3A], %select_n3A_341 {strides = array<i32>} : memref<16xi32, #tpu.memory_space<vmem>>, vector<16xi32>,
          %add3A_346 = arith.constant 1 : i32
          %add3A_347 = vector.broadcast %add3A_346 : i32 to vector<16xi32>
          %add3A_348 = arith.addi %iota3A_339, %add3A_347 : vector<16xi32>
          %min3A_349 = arith.constant 15 : i32
          %min3A_350 = vector.broadcast %min3A_349 : i32 to vector<16xi32>
          %min3A_351 = arith.minsi %add3A_348, %min3A_350 : vector<16xi32>
          %gather3A = tpu.vector_load_idx %arg16[%min3A_351] : memref<16xi32, #tpu.memory_space<vmem>>[vector<16xi32>], vector<16xi32>,
          %sub3A_352 = arith.constant 1 : i32
          %sub3A_353 = vector.broadcast %sub3A_352 : i32 to vector<16xi32>
          %sub3A_354 = arith.subi %iota3A_339, %sub3A_353 : vector<16xi32>
          %max3A_355 = arith.constant 0 : i32
          %max3A_356 = vector.broadcast %max3A_355 : i32 to vector<16xi32>
          %max3A_357 = arith.maxsi %sub3A_354, %max3A_356 : vector<16xi32>
          %gather3A_358 = tpu.vector_load_idx %arg16[%max3A_357] : memref<16xi32, #tpu.memory_space<vmem>>[vector<16xi32>], vector<16xi32>,
          %eq3A = arith.constant 15 : i32
          %eq3A_359 = vector.broadcast %eq3A : i32 to vector<16xi32>
          %eq3A_360 = arith.cmpi eq, %iota3A_339, %eq3A_359 : vector<16xi32>
          %ne3A_361 = arith.cmpi ne, %gather3A, %select_n3A_341 : vector<16xi32>
          %or3A = arith.ori %eq3A_360, %ne3A_361 : vector<16xi1>
          %and3A_362 = arith.andi %and3A_338, %or3A : vector<16xi1>
          %eq3A_363 = arith.constant 0 : i32
          %eq3A_364 = vector.broadcast %eq3A_363 : i32 to vector<16xi32>
          %eq3A_365 = arith.cmpi eq, %iota3A_339, %eq3A_364 : vector<16xi32>
          %ne3A_366 = arith.cmpi ne, %gather3A_358, %select_n3A_341 : vector<16xi32>
          %or3A_367 = arith.ori %eq3A_365, %ne3A_366 : vector<16xi1>
          %and3A_368 = arith.andi %and3A_338, %or3A_367 : vector<16xi1>
          %broadcast_in_dim3A_369 = arith.constant true
          %broadcast_in_dim3A_370 = vector.broadcast %broadcast_in_dim3A_369 : i1 to vector<16xi1>
          %masked_cumsum3A = tpu.scan <sum>, %select_n3A_344 masked %broadcast_in_dim3A_370 : vector<16xf32>, vector<16xi1> -> vector<16xf32>
          %swap3A_371 = arith.constant 0 : index
          %swap3A_372 = tpu.vector_load %arg17[%swap3A_371] {strides = array<i32>} : memref<16xf32, #tpu.memory_space<vmem>>, vector<16xf32>,
          tpu.vector_store %arg17[%swap3A_371], %masked_cumsum3A {strides = array<i32>} : memref<16xf32, #tpu.memory_space<vmem>>, vector<16xf32>,
          %sub3A_373 = arith.constant 1 : i32
          %sub3A_374 = vector.broadcast %sub3A_373 : i32 to vector<16xi32>
          %sub3A_375 = arith.subi %iota3A_339, %sub3A_374 : vector<16xi32>
          %max3A_376 = arith.constant 0 : i32
          %max3A_377 = vector.broadcast %max3A_376 : i32 to vector<16xi32>
          %max3A_378 = arith.maxsi %sub3A_375, %max3A_377 : vector<16xi32>
          %gather3A_379 = tpu.vector_load_idx %arg17[%max3A_378] : memref<16xf32, #tpu.memory_space<vmem>>[vector<16xi32>], vector<16xf32>,
          %eq3A_380 = arith.constant 0 : i32
          %eq3A_381 = vector.broadcast %eq3A_380 : i32 to vector<16xi32>
          %eq3A_382 = arith.cmpi eq, %iota3A_339, %eq3A_381 : vector<16xi32>
          %jit3A_383 = arith.constant 0.000000e+00 : f32
          %broadcast_in_dim3A_384 = vector.broadcast %jit3A_383 : f32 to vector<16xf32>
          %select_n3A_385 = arith.select %eq3A_382, %broadcast_in_dim3A_384, %gather3A_379 : vector<16xi1>, vector<16xf32>
          %sub3A_386 = vector.broadcast %mul3A_212 : i32 to vector<16xi32>
          %sub3A_387 = arith.subi %select_n3A_341, %sub3A_386 : vector<16xi32>
          %jit3A_388 = arith.constant 11008 : i32
          %div3A_389 = vector.broadcast %jit3A_388 : i32 to vector<16xi32>
          %div3A_390 = arith.divsi %sub3A_387, %div3A_389 : vector<16xi32>
          %sign3A_391 = arith.constant 0 : i32
          %sign3A_392 = vector.broadcast %sign3A_391 : i32 to vector<16xi32>
          %sign3A_393 = arith.cmpi sgt, %sub3A_387, %sign3A_392 : vector<16xi32>
          %sign3A_394 = arith.extui %sign3A_393 : vector<16xi1> to vector<16xi32>
          %sign3A_395 = arith.constant 0 : i32
          %sign3A_396 = vector.broadcast %sign3A_395 : i32 to vector<16xi32>
          %sign3A_397 = arith.cmpi slt, %sub3A_387, %sign3A_396 : vector<16xi32>
          %sign3A_398 = arith.extui %sign3A_397 : vector<16xi1> to vector<16xi32>
          %sign3A_399 = arith.subi %sign3A_394, %sign3A_398 : vector<16xi32>
          %sign3A_400 = arith.constant 0 : i32
          %sign3A_401 = arith.cmpi sgt, %jit3A_388, %sign3A_400 : i32
          %sign3A_402 = arith.extui %sign3A_401 : i1 to i32
          %sign3A_403 = arith.constant 0 : i32
          %sign3A_404 = arith.cmpi slt, %jit3A_388, %sign3A_403 : i32
          %sign3A_405 = arith.extui %sign3A_404 : i1 to i32
          %sign3A_406 = arith.subi %sign3A_402, %sign3A_405 : i32
          %ne3A_407 = vector.broadcast %sign3A_406 : i32 to vector<16xi32>
          %ne3A_408 = arith.cmpi ne, %sign3A_399, %ne3A_407 : vector<16xi32>
          %rem3A_409 = vector.broadcast %jit3A_388 : i32 to vector<16xi32>
          %rem3A_410 = arith.remsi %sub3A_387, %rem3A_409 : vector<16xi32>
          %ne3A_411 = arith.constant 0 : i32
          %ne3A_412 = vector.broadcast %ne3A_411 : i32 to vector<16xi32>
          %ne3A_413 = arith.cmpi ne, %rem3A_410, %ne3A_412 : vector<16xi32>
          %and3A_414 = arith.andi %ne3A_408, %ne3A_413 : vector<16xi1>
          %sub3A_415 = arith.constant 1 : i32
          %sub3A_416 = vector.broadcast %sub3A_415 : i32 to vector<16xi32>
          %sub3A_417 = arith.subi %div3A_390, %sub3A_416 : vector<16xi32>
          %select_n3A_418 = arith.select %and3A_414, %sub3A_417, %div3A_390 : vector<16xi1>, vector<16xi32>
          %mul3A_419 = arith.constant 11008 : i32
          %mul3A_420 = vector.broadcast %mul3A_419 : i32 to vector<16xi32>
          %mul3A_421 = arith.muli %select_n3A_418, %mul3A_420 : vector<16xi32>
          %sub3A_422 = arith.subi %sub3A_387, %mul3A_421 : vector<16xi32>
          tpu.vector_store_idx %arg8[%select_n3A_418, %sub3A_422], %masked_cumsum3A masked %and3A_362 {add = true} : memref<4x11008xf32, #tpu.memory_space<vmem>>[vector<16xi32>, vector<16xi32>], vector<16xf32>, vector<16xi1>
          %neg3A = arith.constant 0.000000e+00 : f32
          %neg3A_423 = vector.broadcast %neg3A : f32 to vector<16xf32>
          %neg3A_424 = arith.subf %neg3A_423, %select_n3A_385 : vector<16xf32>
          tpu.vector_store_idx %arg8[%select_n3A_418, %sub3A_422], %neg3A_424 masked %and3A_368 {add = true} : memref<4x11008xf32, #tpu.memory_space<vmem>>[vector<16xi32>, vector<16xi32>], vector<16xf32>, vector<16xi1>
        }
        %sub3A_281 = arith.subi %squeeze3A_189, %squeeze3A_187 : i32
        %add3A_282 = arith.constant 1536 : i32
        %add3A_283 = arith.addi %sub3A_281, %add3A_282 : i32
        %sub3A_284 = arith.constant 1 : i32
        %sub3A_285 = arith.subi %add3A_283, %sub3A_284 : i32
        %jit3A_286 = arith.constant 1536 : i32
        %div3A_287 = arith.divsi %sub3A_285, %jit3A_286 : i32
        %sign3A_288 = arith.constant 0 : i32
        %sign3A_289 = arith.cmpi sgt, %sub3A_285, %sign3A_288 : i32
        %sign3A_290 = arith.extui %sign3A_289 : i1 to i32
        %sign3A_291 = arith.constant 0 : i32
        %sign3A_292 = arith.cmpi slt, %sub3A_285, %sign3A_291 : i32
        %sign3A_293 = arith.extui %sign3A_292 : i1 to i32
        %sign3A_294 = arith.subi %sign3A_290, %sign3A_293 : i32
        %sign3A_295 = arith.constant 0 : i32
        %sign3A_296 = arith.cmpi sgt, %jit3A_286, %sign3A_295 : i32
        %sign3A_297 = arith.extui %sign3A_296 : i1 to i32
        %sign3A_298 = arith.constant 0 : i32
        %sign3A_299 = arith.cmpi slt, %jit3A_286, %sign3A_298 : i32
        %sign3A_300 = arith.extui %sign3A_299 : i1 to i32
        %sign3A_301 = arith.subi %sign3A_297, %sign3A_300 : i32
        %ne3A_302 = arith.cmpi ne, %sign3A_294, %sign3A_301 : i32
        %rem3A_303 = arith.remsi %sub3A_285, %jit3A_286 : i32
        %ne3A_304 = arith.constant 0 : i32
        %ne3A_305 = arith.cmpi ne, %rem3A_303, %ne3A_304 : i32
        %and3A_306 = arith.andi %ne3A_302, %ne3A_305 : i1
        %sub3A_307 = arith.constant 1 : i32
        %sub3A_308 = arith.subi %div3A_287, %sub3A_307 : i32
        %select_n3A_309 = arith.select %and3A_306, %sub3A_308, %div3A_287 : i32
        %max3A_310 = arith.constant 1 : i32
        %max3A_311 = arith.maxsi %select_n3A_309, %max3A_310 : i32
        %while3A_312 = arith.constant 0 : i32
        %while3A_313 = arith.constant 1 : i32
        %while3A_314 = arith.subi %max3A_311, %while3A_313 : i32
        %while3A_315 = arith.addi %while3A_313, %while3A_314 : i32
        %while3A_316 = arith.constant 1 : i32
        %while3A_317 = arith.divsi %while3A_314, %while3A_316 : i32
        %while3A_318 = arith.muli %while3A_317, %while3A_316 : i32
        %while3A_319 = arith.addi %while3A_313, %while3A_318 : i32
        %while3A_320 = arith.constant 1 : i32
        scf.for %while3A_325 = %while3A_313 to %while3A_319 step %while3A_320  : i32 {
          %mul3A_326 = arith.constant 1536 : i32
          %mul3A_327 = arith.muli %while3A_325, %mul3A_326 : i32
          %add3A_328 = arith.addi %squeeze3A_187, %mul3A_327 : i32
          %add3A_329 = arith.constant 1536 : i32
          %add3A_330 = arith.addi %add3A_328, %add3A_329 : i32
          %min3A_331 = arith.minsi %squeeze3A_189, %add3A_330 : i32
          %jit3A_332 = arith.constant 8 : i32
          %div3A_333 = arith.divsi %add3A_328, %jit3A_332 : i32
          %sign3A_334 = arith.constant 0 : i32
          %sign3A_335 = arith.cmpi sgt, %add3A_328, %sign3A_334 : i32
          %sign3A_336 = arith.extui %sign3A_335 : i1 to i32
          %sign3A_337 = arith.constant 0 : i32
          %sign3A_338 = arith.cmpi slt, %add3A_328, %sign3A_337 : i32
          %sign3A_339 = arith.extui %sign3A_338 : i1 to i32
          %sign3A_340 = arith.subi %sign3A_336, %sign3A_339 : i32
          %sign3A_341 = arith.constant 0 : i32
          %sign3A_342 = arith.cmpi sgt, %jit3A_332, %sign3A_341 : i32
          %sign3A_343 = arith.extui %sign3A_342 : i1 to i32
          %sign3A_344 = arith.constant 0 : i32
          %sign3A_345 = arith.cmpi slt, %jit3A_332, %sign3A_344 : i32
          %sign3A_346 = arith.extui %sign3A_345 : i1 to i32
          %sign3A_347 = arith.subi %sign3A_343, %sign3A_346 : i32
          %ne3A_348 = arith.cmpi ne, %sign3A_340, %sign3A_347 : i32
          %rem3A_349 = arith.remsi %add3A_328, %jit3A_332 : i32
          %ne3A_350 = arith.constant 0 : i32
          %ne3A_351 = arith.cmpi ne, %rem3A_349, %ne3A_350 : i32
          %and3A_352 = arith.andi %ne3A_348, %ne3A_351 : i1
          %sub3A_353 = arith.constant 1 : i32
          %sub3A_354 = arith.subi %div3A_333, %sub3A_353 : i32
          %select_n3A_355 = arith.select %and3A_352, %sub3A_354, %div3A_333 : i32
          %mul3A_356 = arith.constant 8 : i32
          %mul3A_357 = arith.muli %select_n3A_355, %mul3A_356 : i32
          %min3A_358 = arith.constant 998448 : i32
          %min3A_359 = arith.minsi %mul3A_357, %min3A_358 : i32
          "tpu.region"() ({
            %run_scoped3A = tpu.sem_alloc : memref<!tpu.dma_semaphore, #tpu.memory_space<semaphore_mem>>
            %dma_start3A_397 = tpu.memref_slice %arg3[%min3A_359] : memref<1000000xi32, #tpu.memory_space<hbm>> -> memref<1552xi32, #tpu.memory_space<hbm>>
            %dma_start3A_398 = tpu.memref_slice %arg3[%min3A_359] : memref<1000000xi32, #tpu.memory_space<hbm>> -> memref<1552xi32, #tpu.memory_space<hbm>>
            tpu.enqueue_dma source(%dma_start3A_398 : memref<1552xi32, #tpu.memory_space<hbm>>) target(%arg13 : memref<1552xi32, #tpu.memory_space<vmem>>) target_semaphore(%run_scoped3A : memref<!tpu.dma_semaphore, #tpu.memory_space<semaphore_mem>>)
            %dma_wait3A_399 = tpu.memref_slice %arg3[%min3A_359] : memref<1000000xi32, #tpu.memory_space<hbm>> -> memref<1552xi32, #tpu.memory_space<hbm>>
            %dma_wait3A_400 = tpu.memref_slice %arg3[%min3A_359] : memref<1000000xi32, #tpu.memory_space<hbm>> -> memref<1552xi32, #tpu.memory_space<hbm>>
            tpu.wait_dma2 semaphore(%run_scoped3A : memref<!tpu.dma_semaphore, #tpu.memory_space<semaphore_mem>>) src(%dma_wait3A_400 : memref<1552xi32, #tpu.memory_space<hbm>>) dst(%arg13 : memref<1552xi32, #tpu.memory_space<vmem>>)
            tpu.yield
          }) : () -> ()
          "tpu.region"() ({
            %run_scoped3A = tpu.sem_alloc : memref<!tpu.dma_semaphore, #tpu.memory_space<semaphore_mem>>
            %dma_start3A_397 = tpu.memref_slice %arg4[%min3A_359] : memref<1000000xf32, #tpu.memory_space<hbm>> -> memref<1552xf32, #tpu.memory_space<hbm>>
            %dma_start3A_398 = tpu.memref_slice %arg4[%min3A_359] : memref<1000000xf32, #tpu.memory_space<hbm>> -> memref<1552xf32, #tpu.memory_space<hbm>>
            tpu.enqueue_dma source(%dma_start3A_398 : memref<1552xf32, #tpu.memory_space<hbm>>) target(%arg14 : memref<1552xf32, #tpu.memory_space<vmem>>) target_semaphore(%run_scoped3A : memref<!tpu.dma_semaphore, #tpu.memory_space<semaphore_mem>>)
            %dma_wait3A_399 = tpu.memref_slice %arg4[%min3A_359] : memref<1000000xf32, #tpu.memory_space<hbm>> -> memref<1552xf32, #tpu.memory_space<hbm>>
            %dma_wait3A_400 = tpu.memref_slice %arg4[%min3A_359] : memref<1000000xf32, #tpu.memory_space<hbm>> -> memref<1552xf32, #tpu.memory_space<hbm>>
            tpu.wait_dma2 semaphore(%run_scoped3A : memref<!tpu.dma_semaphore, #tpu.memory_space<semaphore_mem>>) src(%dma_wait3A_400 : memref<1552xf32, #tpu.memory_space<hbm>>) dst(%arg14 : memref<1552xf32, #tpu.memory_space<vmem>>)
            tpu.yield
          }) : () -> ()
          %sub3A_360 = arith.subi %min3A_331, %min3A_359 : i32
          %add3A_361 = arith.constant 15 : i32
          %add3A_362 = arith.addi %sub3A_360, %add3A_361 : i32
          %jit3A_363 = arith.constant 16 : i32
          %div3A_364 = arith.divsi %add3A_362, %jit3A_363 : i32
          %sign3A_365 = arith.constant 0 : i32
          %sign3A_366 = arith.cmpi sgt, %add3A_362, %sign3A_365 : i32
          %sign3A_367 = arith.extui %sign3A_366 : i1 to i32
          %sign3A_368 = arith.constant 0 : i32
          %sign3A_369 = arith.cmpi slt, %add3A_362, %sign3A_368 : i32
          %sign3A_370 = arith.extui %sign3A_369 : i1 to i32
          %sign3A_371 = arith.subi %sign3A_367, %sign3A_370 : i32
          %sign3A_372 = arith.constant 0 : i32
          %sign3A_373 = arith.cmpi sgt, %jit3A_363, %sign3A_372 : i32
          %sign3A_374 = arith.extui %sign3A_373 : i1 to i32
          %sign3A_375 = arith.constant 0 : i32
          %sign3A_376 = arith.cmpi slt, %jit3A_363, %sign3A_375 : i32
          %sign3A_377 = arith.extui %sign3A_376 : i1 to i32
          %sign3A_378 = arith.subi %sign3A_374, %sign3A_377 : i32
          %ne3A_379 = arith.cmpi ne, %sign3A_371, %sign3A_378 : i32
          %rem3A_380 = arith.remsi %add3A_362, %jit3A_363 : i32
          %ne3A_381 = arith.constant 0 : i32
          %ne3A_382 = arith.cmpi ne, %rem3A_380, %ne3A_381 : i32
          %and3A_383 = arith.andi %ne3A_379, %ne3A_382 : i1
          %sub3A_384 = arith.constant 1 : i32
          %sub3A_385 = arith.subi %div3A_364, %sub3A_384 : i32
          %select_n3A_386 = arith.select %and3A_383, %sub3A_385, %div3A_364 : i32
          %while3A_387 = arith.constant 0 : i32
          %while3A_388 = arith.constant 0 : i32
          %while3A_389 = arith.subi %select_n3A_386, %while3A_388 : i32
          %while3A_390 = arith.addi %while3A_388, %while3A_389 : i32
          %while3A_391 = arith.constant 1 : i32
          %while3A_392 = arith.divsi %while3A_389, %while3A_391 : i32
          %while3A_393 = arith.muli %while3A_392, %while3A_391 : i32
          %while3A_394 = arith.addi %while3A_388, %while3A_393 : i32
          %while3A_395 = arith.constant 1 : i32
          scf.for %while3A_397 = %while3A_388 to %while3A_394 step %while3A_395  : i32 {
            %mul3A_398 = arith.constant 16 : i32
            %mul3A_399 = arith.muli %while3A_397, %mul3A_398 : i32
            %get3A_400 = arith.index_cast %mul3A_399 : i32 to index
            %get3A_401 = tpu.vector_load %arg13[%get3A_400] {strides = array<i32>} : memref<1552xi32, #tpu.memory_space<vmem>>, vector<16xi32>,
            %get3A_402 = arith.index_cast %mul3A_399 : i32 to index
            %get3A_403 = tpu.vector_load %arg14[%get3A_402] {strides = array<i32>} : memref<1552xf32, #tpu.memory_space<vmem>>, vector<16xf32>,
            %add3A_404 = arith.addi %min3A_359, %mul3A_399 : i32
            %iota3A = tpu.iota {dimensions = array<i32: 0>} : vector<16xi32>
            %add3A_405 = vector.broadcast %add3A_404 : i32 to vector<16xi32>
            %add3A_406 = arith.addi %add3A_405, %iota3A : vector<16xi32>
            %ge3A = vector.broadcast %add3A_328 : i32 to vector<16xi32>
            %ge3A_407 = arith.cmpi sge, %add3A_406, %ge3A : vector<16xi32>
            %lt3A_408 = vector.broadcast %min3A_331 : i32 to vector<16xi32>
            %lt3A_409 = arith.cmpi slt, %add3A_406, %lt3A_408 : vector<16xi32>
            %and3A_410 = arith.andi %ge3A_407, %lt3A_409 : vector<16xi1>
            %iota3A_411 = tpu.iota {dimensions = array<i32: 0>} : vector<16xi32>
            %jit3A_412 = arith.constant -1 : i32
            %broadcast_in_dim3A = vector.broadcast %jit3A_412 : i32 to vector<16xi32>
            %select_n3A_413 = arith.select %and3A_410, %get3A_401, %broadcast_in_dim3A : vector<16xi1>, vector<16xi32>
            %jit3A_414 = arith.constant 0.000000e+00 : f32
            %broadcast_in_dim3A_415 = vector.broadcast %jit3A_414 : f32 to vector<16xf32>
            %select_n3A_416 = arith.select %and3A_410, %get3A_403, %broadcast_in_dim3A_415 : vector<16xi1>, vector<16xf32>
            %swap3A = arith.constant 0 : index
            %swap3A_417 = tpu.vector_load %arg16[%swap3A] {strides = array<i32>} : memref<16xi32, #tpu.memory_space<vmem>>, vector<16xi32>,
            tpu.vector_store %arg16[%swap3A], %select_n3A_413 {strides = array<i32>} : memref<16xi32, #tpu.memory_space<vmem>>, vector<16xi32>,
            %add3A_418 = arith.constant 1 : i32
            %add3A_419 = vector.broadcast %add3A_418 : i32 to vector<16xi32>
            %add3A_420 = arith.addi %iota3A_411, %add3A_419 : vector<16xi32>
            %min3A_421 = arith.constant 15 : i32
            %min3A_422 = vector.broadcast %min3A_421 : i32 to vector<16xi32>
            %min3A_423 = arith.minsi %add3A_420, %min3A_422 : vector<16xi32>
            %gather3A = tpu.vector_load_idx %arg16[%min3A_423] : memref<16xi32, #tpu.memory_space<vmem>>[vector<16xi32>], vector<16xi32>,
            %sub3A_424 = arith.constant 1 : i32
            %sub3A_425 = vector.broadcast %sub3A_424 : i32 to vector<16xi32>
            %sub3A_426 = arith.subi %iota3A_411, %sub3A_425 : vector<16xi32>
            %max3A_427 = arith.constant 0 : i32
            %max3A_428 = vector.broadcast %max3A_427 : i32 to vector<16xi32>
            %max3A_429 = arith.maxsi %sub3A_426, %max3A_428 : vector<16xi32>
            %gather3A_430 = tpu.vector_load_idx %arg16[%max3A_429] : memref<16xi32, #tpu.memory_space<vmem>>[vector<16xi32>], vector<16xi32>,
            %eq3A = arith.constant 15 : i32
            %eq3A_431 = vector.broadcast %eq3A : i32 to vector<16xi32>
            %eq3A_432 = arith.cmpi eq, %iota3A_411, %eq3A_431 : vector<16xi32>
            %ne3A_433 = arith.cmpi ne, %gather3A, %select_n3A_413 : vector<16xi32>
            %or3A = arith.ori %eq3A_432, %ne3A_433 : vector<16xi1>
            %and3A_434 = arith.andi %and3A_410, %or3A : vector<16xi1>
            %eq3A_435 = arith.constant 0 : i32
            %eq3A_436 = vector.broadcast %eq3A_435 : i32 to vector<16xi32>
            %eq3A_437 = arith.cmpi eq, %iota3A_411, %eq3A_436 : vector<16xi32>
            %ne3A_438 = arith.cmpi ne, %gather3A_430, %select_n3A_413 : vector<16xi32>
            %or3A_439 = arith.ori %eq3A_437, %ne3A_438 : vector<16xi1>
            %and3A_440 = arith.andi %and3A_410, %or3A_439 : vector<16xi1>
            %broadcast_in_dim3A_441 = arith.constant true
            %broadcast_in_dim3A_442 = vector.broadcast %broadcast_in_dim3A_441 : i1 to vector<16xi1>
            %masked_cumsum3A = tpu.scan <sum>, %select_n3A_416 masked %broadcast_in_dim3A_442 : vector<16xf32>, vector<16xi1> -> vector<16xf32>
            %swap3A_443 = arith.constant 0 : index
            %swap3A_444 = tpu.vector_load %arg17[%swap3A_443] {strides = array<i32>} : memref<16xf32, #tpu.memory_space<vmem>>, vector<16xf32>,
            tpu.vector_store %arg17[%swap3A_443], %masked_cumsum3A {strides = array<i32>} : memref<16xf32, #tpu.memory_space<vmem>>, vector<16xf32>,
            %sub3A_445 = arith.constant 1 : i32
            %sub3A_446 = vector.broadcast %sub3A_445 : i32 to vector<16xi32>
            %sub3A_447 = arith.subi %iota3A_411, %sub3A_446 : vector<16xi32>
            %max3A_448 = arith.constant 0 : i32
            %max3A_449 = vector.broadcast %max3A_448 : i32 to vector<16xi32>
            %max3A_450 = arith.maxsi %sub3A_447, %max3A_449 : vector<16xi32>
            %gather3A_451 = tpu.vector_load_idx %arg17[%max3A_450] : memref<16xf32, #tpu.memory_space<vmem>>[vector<16xi32>], vector<16xf32>,
            %eq3A_452 = arith.constant 0 : i32
            %eq3A_453 = vector.broadcast %eq3A_452 : i32 to vector<16xi32>
            %eq3A_454 = arith.cmpi eq, %iota3A_411, %eq3A_453 : vector<16xi32>
            %jit3A_455 = arith.constant 0.000000e+00 : f32
            %broadcast_in_dim3A_456 = vector.broadcast %jit3A_455 : f32 to vector<16xf32>
            %select_n3A_457 = arith.select %eq3A_454, %broadcast_in_dim3A_456, %gather3A_451 : vector<16xi1>, vector<16xf32>
            %sub3A_458 = vector.broadcast %mul3A_212 : i32 to vector<16xi32>
            %sub3A_459 = arith.subi %select_n3A_413, %sub3A_458 : vector<16xi32>
            %jit3A_460 = arith.constant 11008 : i32
            %div3A_461 = vector.broadcast %jit3A_460 : i32 to vector<16xi32>
            %div3A_462 = arith.divsi %sub3A_459, %div3A_461 : vector<16xi32>
            %sign3A_463 = arith.constant 0 : i32
            %sign3A_464 = vector.broadcast %sign3A_463 : i32 to vector<16xi32>
            %sign3A_465 = arith.cmpi sgt, %sub3A_459, %sign3A_464 : vector<16xi32>
            %sign3A_466 = arith.extui %sign3A_465 : vector<16xi1> to vector<16xi32>
            %sign3A_467 = arith.constant 0 : i32
            %sign3A_468 = vector.broadcast %sign3A_467 : i32 to vector<16xi32>
            %sign3A_469 = arith.cmpi slt, %sub3A_459, %sign3A_468 : vector<16xi32>
            %sign3A_470 = arith.extui %sign3A_469 : vector<16xi1> to vector<16xi32>
            %sign3A_471 = arith.subi %sign3A_466, %sign3A_470 : vector<16xi32>
            %sign3A_472 = arith.constant 0 : i32
            %sign3A_473 = arith.cmpi sgt, %jit3A_460, %sign3A_472 : i32
            %sign3A_474 = arith.extui %sign3A_473 : i1 to i32
            %sign3A_475 = arith.constant 0 : i32
            %sign3A_476 = arith.cmpi slt, %jit3A_460, %sign3A_475 : i32
            %sign3A_477 = arith.extui %sign3A_476 : i1 to i32
            %sign3A_478 = arith.subi %sign3A_474, %sign3A_477 : i32
            %ne3A_479 = vector.broadcast %sign3A_478 : i32 to vector<16xi32>
            %ne3A_480 = arith.cmpi ne, %sign3A_471, %ne3A_479 : vector<16xi32>
            %rem3A_481 = vector.broadcast %jit3A_460 : i32 to vector<16xi32>
            %rem3A_482 = arith.remsi %sub3A_459, %rem3A_481 : vector<16xi32>
            %ne3A_483 = arith.constant 0 : i32
            %ne3A_484 = vector.broadcast %ne3A_483 : i32 to vector<16xi32>
            %ne3A_485 = arith.cmpi ne, %rem3A_482, %ne3A_484 : vector<16xi32>
            %and3A_486 = arith.andi %ne3A_480, %ne3A_485 : vector<16xi1>
            %sub3A_487 = arith.constant 1 : i32
            %sub3A_488 = vector.broadcast %sub3A_487 : i32 to vector<16xi32>
            %sub3A_489 = arith.subi %div3A_462, %sub3A_488 : vector<16xi32>
            %select_n3A_490 = arith.select %and3A_486, %sub3A_489, %div3A_462 : vector<16xi1>, vector<16xi32>
            %mul3A_491 = arith.constant 11008 : i32
            %mul3A_492 = vector.broadcast %mul3A_491 : i32 to vector<16xi32>
            %mul3A_493 = arith.muli %select_n3A_490, %mul3A_492 : vector<16xi32>
            %sub3A_494 = arith.subi %sub3A_459, %mul3A_493 : vector<16xi32>
            tpu.vector_store_idx %arg8[%select_n3A_490, %sub3A_494], %masked_cumsum3A masked %and3A_434 {add = true} : memref<4x11008xf32, #tpu.memory_space<vmem>>[vector<16xi32>, vector<16xi32>], vector<16xf32>, vector<16xi1>
            %neg3A = arith.constant 0.000000e+00 : f32
            %neg3A_495 = vector.broadcast %neg3A : f32 to vector<16xf32>
            %neg3A_496 = arith.subf %neg3A_495, %select_n3A_457 : vector<16xf32>
            tpu.vector_store_idx %arg8[%select_n3A_490, %sub3A_494], %neg3A_496 masked %and3A_440 {add = true} : memref<4x11008xf32, #tpu.memory_space<vmem>>[vector<16xi32>, vector<16xi32>], vector<16xf32>, vector<16xi1>
          }
          %while3A_396 = arith.constant 1 : i32
          scf.for %while3A_397 = %while3A_394 to %while3A_390 step %while3A_396  : i32 {
            %mul3A_398 = arith.constant 16 : i32
            %mul3A_399 = arith.muli %while3A_397, %mul3A_398 : i32
            %get3A_400 = arith.index_cast %mul3A_399 : i32 to index
            %get3A_401 = tpu.vector_load %arg13[%get3A_400] {strides = array<i32>} : memref<1552xi32, #tpu.memory_space<vmem>>, vector<16xi32>,
            %get3A_402 = arith.index_cast %mul3A_399 : i32 to index
            %get3A_403 = tpu.vector_load %arg14[%get3A_402] {strides = array<i32>} : memref<1552xf32, #tpu.memory_space<vmem>>, vector<16xf32>,
            %add3A_404 = arith.addi %min3A_359, %mul3A_399 : i32
            %iota3A = tpu.iota {dimensions = array<i32: 0>} : vector<16xi32>
            %add3A_405 = vector.broadcast %add3A_404 : i32 to vector<16xi32>
            %add3A_406 = arith.addi %add3A_405, %iota3A : vector<16xi32>
            %ge3A = vector.broadcast %add3A_328 : i32 to vector<16xi32>
            %ge3A_407 = arith.cmpi sge, %add3A_406, %ge3A : vector<16xi32>
            %lt3A_408 = vector.broadcast %min3A_331 : i32 to vector<16xi32>
            %lt3A_409 = arith.cmpi slt, %add3A_406, %lt3A_408 : vector<16xi32>
            %and3A_410 = arith.andi %ge3A_407, %lt3A_409 : vector<16xi1>
            %iota3A_411 = tpu.iota {dimensions = array<i32: 0>} : vector<16xi32>
            %jit3A_412 = arith.constant -1 : i32
            %broadcast_in_dim3A = vector.broadcast %jit3A_412 : i32 to vector<16xi32>
            %select_n3A_413 = arith.select %and3A_410, %get3A_401, %broadcast_in_dim3A : vector<16xi1>, vector<16xi32>
            %jit3A_414 = arith.constant 0.000000e+00 : f32
            %broadcast_in_dim3A_415 = vector.broadcast %jit3A_414 : f32 to vector<16xf32>
            %select_n3A_416 = arith.select %and3A_410, %get3A_403, %broadcast_in_dim3A_415 : vector<16xi1>, vector<16xf32>
            %swap3A = arith.constant 0 : index
            %swap3A_417 = tpu.vector_load %arg16[%swap3A] {strides = array<i32>} : memref<16xi32, #tpu.memory_space<vmem>>, vector<16xi32>,
            tpu.vector_store %arg16[%swap3A], %select_n3A_413 {strides = array<i32>} : memref<16xi32, #tpu.memory_space<vmem>>, vector<16xi32>,
            %add3A_418 = arith.constant 1 : i32
            %add3A_419 = vector.broadcast %add3A_418 : i32 to vector<16xi32>
            %add3A_420 = arith.addi %iota3A_411, %add3A_419 : vector<16xi32>
            %min3A_421 = arith.constant 15 : i32
            %min3A_422 = vector.broadcast %min3A_421 : i32 to vector<16xi32>
            %min3A_423 = arith.minsi %add3A_420, %min3A_422 : vector<16xi32>
            %gather3A = tpu.vector_load_idx %arg16[%min3A_423] : memref<16xi32, #tpu.memory_space<vmem>>[vector<16xi32>], vector<16xi32>,
            %sub3A_424 = arith.constant 1 : i32
            %sub3A_425 = vector.broadcast %sub3A_424 : i32 to vector<16xi32>
            %sub3A_426 = arith.subi %iota3A_411, %sub3A_425 : vector<16xi32>
            %max3A_427 = arith.constant 0 : i32
            %max3A_428 = vector.broadcast %max3A_427 : i32 to vector<16xi32>
            %max3A_429 = arith.maxsi %sub3A_426, %max3A_428 : vector<16xi32>
            %gather3A_430 = tpu.vector_load_idx %arg16[%max3A_429] : memref<16xi32, #tpu.memory_space<vmem>>[vector<16xi32>], vector<16xi32>,
            %eq3A = arith.constant 15 : i32
            %eq3A_431 = vector.broadcast %eq3A : i32 to vector<16xi32>
            %eq3A_432 = arith.cmpi eq, %iota3A_411, %eq3A_431 : vector<16xi32>
            %ne3A_433 = arith.cmpi ne, %gather3A, %select_n3A_413 : vector<16xi32>
            %or3A = arith.ori %eq3A_432, %ne3A_433 : vector<16xi1>
            %and3A_434 = arith.andi %and3A_410, %or3A : vector<16xi1>
            %eq3A_435 = arith.constant 0 : i32
            %eq3A_436 = vector.broadcast %eq3A_435 : i32 to vector<16xi32>
            %eq3A_437 = arith.cmpi eq, %iota3A_411, %eq3A_436 : vector<16xi32>
            %ne3A_438 = arith.cmpi ne, %gather3A_430, %select_n3A_413 : vector<16xi32>
            %or3A_439 = arith.ori %eq3A_437, %ne3A_438 : vector<16xi1>
            %and3A_440 = arith.andi %and3A_410, %or3A_439 : vector<16xi1>
            %broadcast_in_dim3A_441 = arith.constant true
            %broadcast_in_dim3A_442 = vector.broadcast %broadcast_in_dim3A_441 : i1 to vector<16xi1>
            %masked_cumsum3A = tpu.scan <sum>, %select_n3A_416 masked %broadcast_in_dim3A_442 : vector<16xf32>, vector<16xi1> -> vector<16xf32>
            %swap3A_443 = arith.constant 0 : index
            %swap3A_444 = tpu.vector_load %arg17[%swap3A_443] {strides = array<i32>} : memref<16xf32, #tpu.memory_space<vmem>>, vector<16xf32>,
            tpu.vector_store %arg17[%swap3A_443], %masked_cumsum3A {strides = array<i32>} : memref<16xf32, #tpu.memory_space<vmem>>, vector<16xf32>,
            %sub3A_445 = arith.constant 1 : i32
            %sub3A_446 = vector.broadcast %sub3A_445 : i32 to vector<16xi32>
            %sub3A_447 = arith.subi %iota3A_411, %sub3A_446 : vector<16xi32>
            %max3A_448 = arith.constant 0 : i32
            %max3A_449 = vector.broadcast %max3A_448 : i32 to vector<16xi32>
            %max3A_450 = arith.maxsi %sub3A_447, %max3A_449 : vector<16xi32>
            %gather3A_451 = tpu.vector_load_idx %arg17[%max3A_450] : memref<16xf32, #tpu.memory_space<vmem>>[vector<16xi32>], vector<16xf32>,
            %eq3A_452 = arith.constant 0 : i32
            %eq3A_453 = vector.broadcast %eq3A_452 : i32 to vector<16xi32>
            %eq3A_454 = arith.cmpi eq, %iota3A_411, %eq3A_453 : vector<16xi32>
            %jit3A_455 = arith.constant 0.000000e+00 : f32
            %broadcast_in_dim3A_456 = vector.broadcast %jit3A_455 : f32 to vector<16xf32>
            %select_n3A_457 = arith.select %eq3A_454, %broadcast_in_dim3A_456, %gather3A_451 : vector<16xi1>, vector<16xf32>
            %sub3A_458 = vector.broadcast %mul3A_212 : i32 to vector<16xi32>
            %sub3A_459 = arith.subi %select_n3A_413, %sub3A_458 : vector<16xi32>
            %jit3A_460 = arith.constant 11008 : i32
            %div3A_461 = vector.broadcast %jit3A_460 : i32 to vector<16xi32>
            %div3A_462 = arith.divsi %sub3A_459, %div3A_461 : vector<16xi32>
            %sign3A_463 = arith.constant 0 : i32
            %sign3A_464 = vector.broadcast %sign3A_463 : i32 to vector<16xi32>
            %sign3A_465 = arith.cmpi sgt, %sub3A_459, %sign3A_464 : vector<16xi32>
            %sign3A_466 = arith.extui %sign3A_465 : vector<16xi1> to vector<16xi32>
            %sign3A_467 = arith.constant 0 : i32
            %sign3A_468 = vector.broadcast %sign3A_467 : i32 to vector<16xi32>
            %sign3A_469 = arith.cmpi slt, %sub3A_459, %sign3A_468 : vector<16xi32>
            %sign3A_470 = arith.extui %sign3A_469 : vector<16xi1> to vector<16xi32>
            %sign3A_471 = arith.subi %sign3A_466, %sign3A_470 : vector<16xi32>
            %sign3A_472 = arith.constant 0 : i32
            %sign3A_473 = arith.cmpi sgt, %jit3A_460, %sign3A_472 : i32
            %sign3A_474 = arith.extui %sign3A_473 : i1 to i32
            %sign3A_475 = arith.constant 0 : i32
            %sign3A_476 = arith.cmpi slt, %jit3A_460, %sign3A_475 : i32
            %sign3A_477 = arith.extui %sign3A_476 : i1 to i32
            %sign3A_478 = arith.subi %sign3A_474, %sign3A_477 : i32
            %ne3A_479 = vector.broadcast %sign3A_478 : i32 to vector<16xi32>
            %ne3A_480 = arith.cmpi ne, %sign3A_471, %ne3A_479 : vector<16xi32>
            %rem3A_481 = vector.broadcast %jit3A_460 : i32 to vector<16xi32>
            %rem3A_482 = arith.remsi %sub3A_459, %rem3A_481 : vector<16xi32>
            %ne3A_483 = arith.constant 0 : i32
            %ne3A_484 = vector.broadcast %ne3A_483 : i32 to vector<16xi32>
            %ne3A_485 = arith.cmpi ne, %rem3A_482, %ne3A_484 : vector<16xi32>
            %and3A_486 = arith.andi %ne3A_480, %ne3A_485 : vector<16xi1>
            %sub3A_487 = arith.constant 1 : i32
            %sub3A_488 = vector.broadcast %sub3A_487 : i32 to vector<16xi32>
            %sub3A_489 = arith.subi %div3A_462, %sub3A_488 : vector<16xi32>
            %select_n3A_490 = arith.select %and3A_486, %sub3A_489, %div3A_462 : vector<16xi1>, vector<16xi32>
            %mul3A_491 = arith.constant 11008 : i32
            %mul3A_492 = vector.broadcast %mul3A_491 : i32 to vector<16xi32>
            %mul3A_493 = arith.muli %select_n3A_490, %mul3A_492 : vector<16xi32>
            %sub3A_494 = arith.subi %sub3A_459, %mul3A_493 : vector<16xi32>
            tpu.vector_store_idx %arg8[%select_n3A_490, %sub3A_494], %masked_cumsum3A masked %and3A_434 {add = true} : memref<4x11008xf32, #tpu.memory_space<vmem>>[vector<16xi32>, vector<16xi32>], vector<16xf32>, vector<16xi1>
            %neg3A = arith.constant 0.000000e+00 : f32
            %neg3A_495 = vector.broadcast %neg3A : f32 to vector<16xf32>
            %neg3A_496 = arith.subf %neg3A_495, %select_n3A_457 : vector<16xf32>
            tpu.vector_store_idx %arg8[%select_n3A_490, %sub3A_494], %neg3A_496 masked %and3A_440 {add = true} : memref<4x11008xf32, #tpu.memory_space<vmem>>[vector<16xi32>, vector<16xi32>], vector<16xf32>, vector<16xi1>
          }
        }
        %while3A_321 = arith.constant 1 : i32
        scf.for %while3A_325 = %while3A_319 to %while3A_315 step %while3A_321  : i32 {
          %mul3A_326 = arith.constant 1536 : i32
          %mul3A_327 = arith.muli %while3A_325, %mul3A_326 : i32
          %add3A_328 = arith.addi %squeeze3A_187, %mul3A_327 : i32
          %add3A_329 = arith.constant 1536 : i32
          %add3A_330 = arith.addi %add3A_328, %add3A_329 : i32
          %min3A_331 = arith.minsi %squeeze3A_189, %add3A_330 : i32
          %jit3A_332 = arith.constant 8 : i32
          %div3A_333 = arith.divsi %add3A_328, %jit3A_332 : i32
          %sign3A_334 = arith.constant 0 : i32
          %sign3A_335 = arith.cmpi sgt, %add3A_328, %sign3A_334 : i32
          %sign3A_336 = arith.extui %sign3A_335 : i1 to i32
          %sign3A_337 = arith.constant 0 : i32
          %sign3A_338 = arith.cmpi slt, %add3A_328, %sign3A_337 : i32
          %sign3A_339 = arith.extui %sign3A_338 : i1 to i32
          %sign3A_340 = arith.subi %sign3A_336, %sign3A_339 : i32
          %sign3A_341 = arith.constant 0 : i32
          %sign3A_342 = arith.cmpi sgt, %jit3A_332, %sign3A_341 : i32
          %sign3A_343 = arith.extui %sign3A_342 : i1 to i32
          %sign3A_344 = arith.constant 0 : i32
          %sign3A_345 = arith.cmpi slt, %jit3A_332, %sign3A_344 : i32
          %sign3A_346 = arith.extui %sign3A_345 : i1 to i32
          %sign3A_347 = arith.subi %sign3A_343, %sign3A_346 : i32
          %ne3A_348 = arith.cmpi ne, %sign3A_340, %sign3A_347 : i32
          %rem3A_349 = arith.remsi %add3A_328, %jit3A_332 : i32
          %ne3A_350 = arith.constant 0 : i32
          %ne3A_351 = arith.cmpi ne, %rem3A_349, %ne3A_350 : i32
          %and3A_352 = arith.andi %ne3A_348, %ne3A_351 : i1
          %sub3A_353 = arith.constant 1 : i32
          %sub3A_354 = arith.subi %div3A_333, %sub3A_353 : i32
          %select_n3A_355 = arith.select %and3A_352, %sub3A_354, %div3A_333 : i32
          %mul3A_356 = arith.constant 8 : i32
          %mul3A_357 = arith.muli %select_n3A_355, %mul3A_356 : i32
          %min3A_358 = arith.constant 998448 : i32
          %min3A_359 = arith.minsi %mul3A_357, %min3A_358 : i32
          "tpu.region"() ({
            %run_scoped3A = tpu.sem_alloc : memref<!tpu.dma_semaphore, #tpu.memory_space<semaphore_mem>>
            %dma_start3A_397 = tpu.memref_slice %arg3[%min3A_359] : memref<1000000xi32, #tpu.memory_space<hbm>> -> memref<1552xi32, #tpu.memory_space<hbm>>
            %dma_start3A_398 = tpu.memref_slice %arg3[%min3A_359] : memref<1000000xi32, #tpu.memory_space<hbm>> -> memref<1552xi32, #tpu.memory_space<hbm>>
            tpu.enqueue_dma source(%dma_start3A_398 : memref<1552xi32, #tpu.memory_space<hbm>>) target(%arg13 : memref<1552xi32, #tpu.memory_space<vmem>>) target_semaphore(%run_scoped3A : memref<!tpu.dma_semaphore, #tpu.memory_space<semaphore_mem>>)
            %dma_wait3A_399 = tpu.memref_slice %arg3[%min3A_359] : memref<1000000xi32, #tpu.memory_space<hbm>> -> memref<1552xi32, #tpu.memory_space<hbm>>
            %dma_wait3A_400 = tpu.memref_slice %arg3[%min3A_359] : memref<1000000xi32, #tpu.memory_space<hbm>> -> memref<1552xi32, #tpu.memory_space<hbm>>
            tpu.wait_dma2 semaphore(%run_scoped3A : memref<!tpu.dma_semaphore, #tpu.memory_space<semaphore_mem>>) src(%dma_wait3A_400 : memref<1552xi32, #tpu.memory_space<hbm>>) dst(%arg13 : memref<1552xi32, #tpu.memory_space<vmem>>)
            tpu.yield
          }) : () -> ()
          "tpu.region"() ({
            %run_scoped3A = tpu.sem_alloc : memref<!tpu.dma_semaphore, #tpu.memory_space<semaphore_mem>>
            %dma_start3A_397 = tpu.memref_slice %arg4[%min3A_359] : memref<1000000xf32, #tpu.memory_space<hbm>> -> memref<1552xf32, #tpu.memory_space<hbm>>
            %dma_start3A_398 = tpu.memref_slice %arg4[%min3A_359] : memref<1000000xf32, #tpu.memory_space<hbm>> -> memref<1552xf32, #tpu.memory_space<hbm>>
            tpu.enqueue_dma source(%dma_start3A_398 : memref<1552xf32, #tpu.memory_space<hbm>>) target(%arg14 : memref<1552xf32, #tpu.memory_space<vmem>>) target_semaphore(%run_scoped3A : memref<!tpu.dma_semaphore, #tpu.memory_space<semaphore_mem>>)
            %dma_wait3A_399 = tpu.memref_slice %arg4[%min3A_359] : memref<1000000xf32, #tpu.memory_space<hbm>> -> memref<1552xf32, #tpu.memory_space<hbm>>
            %dma_wait3A_400 = tpu.memref_slice %arg4[%min3A_359] : memref<1000000xf32, #tpu.memory_space<hbm>> -> memref<1552xf32, #tpu.memory_space<hbm>>
            tpu.wait_dma2 semaphore(%run_scoped3A : memref<!tpu.dma_semaphore, #tpu.memory_space<semaphore_mem>>) src(%dma_wait3A_400 : memref<1552xf32, #tpu.memory_space<hbm>>) dst(%arg14 : memref<1552xf32, #tpu.memory_space<vmem>>)
            tpu.yield
          }) : () -> ()
          %sub3A_360 = arith.subi %min3A_331, %min3A_359 : i32
          %add3A_361 = arith.constant 15 : i32
          %add3A_362 = arith.addi %sub3A_360, %add3A_361 : i32
          %jit3A_363 = arith.constant 16 : i32
          %div3A_364 = arith.divsi %add3A_362, %jit3A_363 : i32
          %sign3A_365 = arith.constant 0 : i32
          %sign3A_366 = arith.cmpi sgt, %add3A_362, %sign3A_365 : i32
          %sign3A_367 = arith.extui %sign3A_366 : i1 to i32
          %sign3A_368 = arith.constant 0 : i32
          %sign3A_369 = arith.cmpi slt, %add3A_362, %sign3A_368 : i32
          %sign3A_370 = arith.extui %sign3A_369 : i1 to i32
          %sign3A_371 = arith.subi %sign3A_367, %sign3A_370 : i32
          %sign3A_372 = arith.constant 0 : i32
          %sign3A_373 = arith.cmpi sgt, %jit3A_363, %sign3A_372 : i32
          %sign3A_374 = arith.extui %sign3A_373 : i1 to i32
          %sign3A_375 = arith.constant 0 : i32
          %sign3A_376 = arith.cmpi slt, %jit3A_363, %sign3A_375 : i32
          %sign3A_377 = arith.extui %sign3A_376 : i1 to i32
          %sign3A_378 = arith.subi %sign3A_374, %sign3A_377 : i32
          %ne3A_379 = arith.cmpi ne, %sign3A_371, %sign3A_378 : i32
          %rem3A_380 = arith.remsi %add3A_362, %jit3A_363 : i32
          %ne3A_381 = arith.constant 0 : i32
          %ne3A_382 = arith.cmpi ne, %rem3A_380, %ne3A_381 : i32
          %and3A_383 = arith.andi %ne3A_379, %ne3A_382 : i1
          %sub3A_384 = arith.constant 1 : i32
          %sub3A_385 = arith.subi %div3A_364, %sub3A_384 : i32
          %select_n3A_386 = arith.select %and3A_383, %sub3A_385, %div3A_364 : i32
          %while3A_387 = arith.constant 0 : i32
          %while3A_388 = arith.constant 0 : i32
          %while3A_389 = arith.subi %select_n3A_386, %while3A_388 : i32
          %while3A_390 = arith.addi %while3A_388, %while3A_389 : i32
          %while3A_391 = arith.constant 1 : i32
          %while3A_392 = arith.divsi %while3A_389, %while3A_391 : i32
          %while3A_393 = arith.muli %while3A_392, %while3A_391 : i32
          %while3A_394 = arith.addi %while3A_388, %while3A_393 : i32
          %while3A_395 = arith.constant 1 : i32
          scf.for %while3A_397 = %while3A_388 to %while3A_394 step %while3A_395  : i32 {
            %mul3A_398 = arith.constant 16 : i32
            %mul3A_399 = arith.muli %while3A_397, %mul3A_398 : i32
            %get3A_400 = arith.index_cast %mul3A_399 : i32 to index
            %get3A_401 = tpu.vector_load %arg13[%get3A_400] {strides = array<i32>} : memref<1552xi32, #tpu.memory_space<vmem>>, vector<16xi32>,
            %get3A_402 = arith.index_cast %mul3A_399 : i32 to index
            %get3A_403 = tpu.vector_load %arg14[%get3A_402] {strides = array<i32>} : memref<1552xf32, #tpu.memory_space<vmem>>, vector<16xf32>,
            %add3A_404 = arith.addi %min3A_359, %mul3A_399 : i32
            %iota3A = tpu.iota {dimensions = array<i32: 0>} : vector<16xi32>
            %add3A_405 = vector.broadcast %add3A_404 : i32 to vector<16xi32>
            %add3A_406 = arith.addi %add3A_405, %iota3A : vector<16xi32>
            %ge3A = vector.broadcast %add3A_328 : i32 to vector<16xi32>
            %ge3A_407 = arith.cmpi sge, %add3A_406, %ge3A : vector<16xi32>
            %lt3A_408 = vector.broadcast %min3A_331 : i32 to vector<16xi32>
            %lt3A_409 = arith.cmpi slt, %add3A_406, %lt3A_408 : vector<16xi32>
            %and3A_410 = arith.andi %ge3A_407, %lt3A_409 : vector<16xi1>
            %iota3A_411 = tpu.iota {dimensions = array<i32: 0>} : vector<16xi32>
            %jit3A_412 = arith.constant -1 : i32
            %broadcast_in_dim3A = vector.broadcast %jit3A_412 : i32 to vector<16xi32>
            %select_n3A_413 = arith.select %and3A_410, %get3A_401, %broadcast_in_dim3A : vector<16xi1>, vector<16xi32>
            %jit3A_414 = arith.constant 0.000000e+00 : f32
            %broadcast_in_dim3A_415 = vector.broadcast %jit3A_414 : f32 to vector<16xf32>
            %select_n3A_416 = arith.select %and3A_410, %get3A_403, %broadcast_in_dim3A_415 : vector<16xi1>, vector<16xf32>
            %swap3A = arith.constant 0 : index
            %swap3A_417 = tpu.vector_load %arg16[%swap3A] {strides = array<i32>} : memref<16xi32, #tpu.memory_space<vmem>>, vector<16xi32>,
            tpu.vector_store %arg16[%swap3A], %select_n3A_413 {strides = array<i32>} : memref<16xi32, #tpu.memory_space<vmem>>, vector<16xi32>,
            %add3A_418 = arith.constant 1 : i32
            %add3A_419 = vector.broadcast %add3A_418 : i32 to vector<16xi32>
            %add3A_420 = arith.addi %iota3A_411, %add3A_419 : vector<16xi32>
            %min3A_421 = arith.constant 15 : i32
            %min3A_422 = vector.broadcast %min3A_421 : i32 to vector<16xi32>
            %min3A_423 = arith.minsi %add3A_420, %min3A_422 : vector<16xi32>
            %gather3A = tpu.vector_load_idx %arg16[%min3A_423] : memref<16xi32, #tpu.memory_space<vmem>>[vector<16xi32>], vector<16xi32>,
            %sub3A_424 = arith.constant 1 : i32
            %sub3A_425 = vector.broadcast %sub3A_424 : i32 to vector<16xi32>
            %sub3A_426 = arith.subi %iota3A_411, %sub3A_425 : vector<16xi32>
            %max3A_427 = arith.constant 0 : i32
            %max3A_428 = vector.broadcast %max3A_427 : i32 to vector<16xi32>
            %max3A_429 = arith.maxsi %sub3A_426, %max3A_428 : vector<16xi32>
            %gather3A_430 = tpu.vector_load_idx %arg16[%max3A_429] : memref<16xi32, #tpu.memory_space<vmem>>[vector<16xi32>], vector<16xi32>,
            %eq3A = arith.constant 15 : i32
            %eq3A_431 = vector.broadcast %eq3A : i32 to vector<16xi32>
            %eq3A_432 = arith.cmpi eq, %iota3A_411, %eq3A_431 : vector<16xi32>
            %ne3A_433 = arith.cmpi ne, %gather3A, %select_n3A_413 : vector<16xi32>
            %or3A = arith.ori %eq3A_432, %ne3A_433 : vector<16xi1>
            %and3A_434 = arith.andi %and3A_410, %or3A : vector<16xi1>
            %eq3A_435 = arith.constant 0 : i32
            %eq3A_436 = vector.broadcast %eq3A_435 : i32 to vector<16xi32>
            %eq3A_437 = arith.cmpi eq, %iota3A_411, %eq3A_436 : vector<16xi32>
            %ne3A_438 = arith.cmpi ne, %gather3A_430, %select_n3A_413 : vector<16xi32>
            %or3A_439 = arith.ori %eq3A_437, %ne3A_438 : vector<16xi1>
            %and3A_440 = arith.andi %and3A_410, %or3A_439 : vector<16xi1>
            %broadcast_in_dim3A_441 = arith.constant true
            %broadcast_in_dim3A_442 = vector.broadcast %broadcast_in_dim3A_441 : i1 to vector<16xi1>
            %masked_cumsum3A = tpu.scan <sum>, %select_n3A_416 masked %broadcast_in_dim3A_442 : vector<16xf32>, vector<16xi1> -> vector<16xf32>
            %swap3A_443 = arith.constant 0 : index
            %swap3A_444 = tpu.vector_load %arg17[%swap3A_443] {strides = array<i32>} : memref<16xf32, #tpu.memory_space<vmem>>, vector<16xf32>,
            tpu.vector_store %arg17[%swap3A_443], %masked_cumsum3A {strides = array<i32>} : memref<16xf32, #tpu.memory_space<vmem>>, vector<16xf32>,
            %sub3A_445 = arith.constant 1 : i32
            %sub3A_446 = vector.broadcast %sub3A_445 : i32 to vector<16xi32>
            %sub3A_447 = arith.subi %iota3A_411, %sub3A_446 : vector<16xi32>
            %max3A_448 = arith.constant 0 : i32
            %max3A_449 = vector.broadcast %max3A_448 : i32 to vector<16xi32>
            %max3A_450 = arith.maxsi %sub3A_447, %max3A_449 : vector<16xi32>
            %gather3A_451 = tpu.vector_load_idx %arg17[%max3A_450] : memref<16xf32, #tpu.memory_space<vmem>>[vector<16xi32>], vector<16xf32>,
            %eq3A_452 = arith.constant 0 : i32
            %eq3A_453 = vector.broadcast %eq3A_452 : i32 to vector<16xi32>
            %eq3A_454 = arith.cmpi eq, %iota3A_411, %eq3A_453 : vector<16xi32>
            %jit3A_455 = arith.constant 0.000000e+00 : f32
            %broadcast_in_dim3A_456 = vector.broadcast %jit3A_455 : f32 to vector<16xf32>
            %select_n3A_457 = arith.select %eq3A_454, %broadcast_in_dim3A_456, %gather3A_451 : vector<16xi1>, vector<16xf32>
            %sub3A_458 = vector.broadcast %mul3A_212 : i32 to vector<16xi32>
            %sub3A_459 = arith.subi %select_n3A_413, %sub3A_458 : vector<16xi32>
            %jit3A_460 = arith.constant 11008 : i32
            %div3A_461 = vector.broadcast %jit3A_460 : i32 to vector<16xi32>
            %div3A_462 = arith.divsi %sub3A_459, %div3A_461 : vector<16xi32>
            %sign3A_463 = arith.constant 0 : i32
            %sign3A_464 = vector.broadcast %sign3A_463 : i32 to vector<16xi32>
            %sign3A_465 = arith.cmpi sgt, %sub3A_459, %sign3A_464 : vector<16xi32>
            %sign3A_466 = arith.extui %sign3A_465 : vector<16xi1> to vector<16xi32>
            %sign3A_467 = arith.constant 0 : i32
            %sign3A_468 = vector.broadcast %sign3A_467 : i32 to vector<16xi32>
            %sign3A_469 = arith.cmpi slt, %sub3A_459, %sign3A_468 : vector<16xi32>
            %sign3A_470 = arith.extui %sign3A_469 : vector<16xi1> to vector<16xi32>
            %sign3A_471 = arith.subi %sign3A_466, %sign3A_470 : vector<16xi32>
            %sign3A_472 = arith.constant 0 : i32
            %sign3A_473 = arith.cmpi sgt, %jit3A_460, %sign3A_472 : i32
            %sign3A_474 = arith.extui %sign3A_473 : i1 to i32
            %sign3A_475 = arith.constant 0 : i32
            %sign3A_476 = arith.cmpi slt, %jit3A_460, %sign3A_475 : i32
            %sign3A_477 = arith.extui %sign3A_476 : i1 to i32
            %sign3A_478 = arith.subi %sign3A_474, %sign3A_477 : i32
            %ne3A_479 = vector.broadcast %sign3A_478 : i32 to vector<16xi32>
            %ne3A_480 = arith.cmpi ne, %sign3A_471, %ne3A_479 : vector<16xi32>
            %rem3A_481 = vector.broadcast %jit3A_460 : i32 to vector<16xi32>
            %rem3A_482 = arith.remsi %sub3A_459, %rem3A_481 : vector<16xi32>
            %ne3A_483 = arith.constant 0 : i32
            %ne3A_484 = vector.broadcast %ne3A_483 : i32 to vector<16xi32>
            %ne3A_485 = arith.cmpi ne, %rem3A_482, %ne3A_484 : vector<16xi32>
            %and3A_486 = arith.andi %ne3A_480, %ne3A_485 : vector<16xi1>
            %sub3A_487 = arith.constant 1 : i32
            %sub3A_488 = vector.broadcast %sub3A_487 : i32 to vector<16xi32>
            %sub3A_489 = arith.subi %div3A_462, %sub3A_488 : vector<16xi32>
            %select_n3A_490 = arith.select %and3A_486, %sub3A_489, %div3A_462 : vector<16xi1>, vector<16xi32>
            %mul3A_491 = arith.constant 11008 : i32
            %mul3A_492 = vector.broadcast %mul3A_491 : i32 to vector<16xi32>
            %mul3A_493 = arith.muli %select_n3A_490, %mul3A_492 : vector<16xi32>
            %sub3A_494 = arith.subi %sub3A_459, %mul3A_493 : vector<16xi32>
            tpu.vector_store_idx %arg8[%select_n3A_490, %sub3A_494], %masked_cumsum3A masked %and3A_434 {add = true} : memref<4x11008xf32, #tpu.memory_space<vmem>>[vector<16xi32>, vector<16xi32>], vector<16xf32>, vector<16xi1>
            %neg3A = arith.constant 0.000000e+00 : f32
            %neg3A_495 = vector.broadcast %neg3A : f32 to vector<16xf32>
            %neg3A_496 = arith.subf %neg3A_495, %select_n3A_457 : vector<16xf32>
            tpu.vector_store_idx %arg8[%select_n3A_490, %sub3A_494], %neg3A_496 masked %and3A_440 {add = true} : memref<4x11008xf32, #tpu.memory_space<vmem>>[vector<16xi32>, vector<16xi32>], vector<16xf32>, vector<16xi1>
          }
          %while3A_396 = arith.constant 1 : i32
          scf.for %while3A_397 = %while3A_394 to %while3A_390 step %while3A_396  : i32 {
            %mul3A_398 = arith.constant 16 : i32
            %mul3A_399 = arith.muli %while3A_397, %mul3A_398 : i32
            %get3A_400 = arith.index_cast %mul3A_399 : i32 to index
            %get3A_401 = tpu.vector_load %arg13[%get3A_400] {strides = array<i32>} : memref<1552xi32, #tpu.memory_space<vmem>>, vector<16xi32>,
            %get3A_402 = arith.index_cast %mul3A_399 : i32 to index
            %get3A_403 = tpu.vector_load %arg14[%get3A_402] {strides = array<i32>} : memref<1552xf32, #tpu.memory_space<vmem>>, vector<16xf32>,
            %add3A_404 = arith.addi %min3A_359, %mul3A_399 : i32
            %iota3A = tpu.iota {dimensions = array<i32: 0>} : vector<16xi32>
            %add3A_405 = vector.broadcast %add3A_404 : i32 to vector<16xi32>
            %add3A_406 = arith.addi %add3A_405, %iota3A : vector<16xi32>
            %ge3A = vector.broadcast %add3A_328 : i32 to vector<16xi32>
            %ge3A_407 = arith.cmpi sge, %add3A_406, %ge3A : vector<16xi32>
            %lt3A_408 = vector.broadcast %min3A_331 : i32 to vector<16xi32>
            %lt3A_409 = arith.cmpi slt, %add3A_406, %lt3A_408 : vector<16xi32>
            %and3A_410 = arith.andi %ge3A_407, %lt3A_409 : vector<16xi1>
            %iota3A_411 = tpu.iota {dimensions = array<i32: 0>} : vector<16xi32>
            %jit3A_412 = arith.constant -1 : i32
            %broadcast_in_dim3A = vector.broadcast %jit3A_412 : i32 to vector<16xi32>
            %select_n3A_413 = arith.select %and3A_410, %get3A_401, %broadcast_in_dim3A : vector<16xi1>, vector<16xi32>
            %jit3A_414 = arith.constant 0.000000e+00 : f32
            %broadcast_in_dim3A_415 = vector.broadcast %jit3A_414 : f32 to vector<16xf32>
            %select_n3A_416 = arith.select %and3A_410, %get3A_403, %broadcast_in_dim3A_415 : vector<16xi1>, vector<16xf32>
            %swap3A = arith.constant 0 : index
            %swap3A_417 = tpu.vector_load %arg16[%swap3A] {strides = array<i32>} : memref<16xi32, #tpu.memory_space<vmem>>, vector<16xi32>,
            tpu.vector_store %arg16[%swap3A], %select_n3A_413 {strides = array<i32>} : memref<16xi32, #tpu.memory_space<vmem>>, vector<16xi32>,
            %add3A_418 = arith.constant 1 : i32
            %add3A_419 = vector.broadcast %add3A_418 : i32 to vector<16xi32>
            %add3A_420 = arith.addi %iota3A_411, %add3A_419 : vector<16xi32>
            %min3A_421 = arith.constant 15 : i32
            %min3A_422 = vector.broadcast %min3A_421 : i32 to vector<16xi32>
            %min3A_423 = arith.minsi %add3A_420, %min3A_422 : vector<16xi32>
            %gather3A = tpu.vector_load_idx %arg16[%min3A_423] : memref<16xi32, #tpu.memory_space<vmem>>[vector<16xi32>], vector<16xi32>,
            %sub3A_424 = arith.constant 1 : i32
            %sub3A_425 = vector.broadcast %sub3A_424 : i32 to vector<16xi32>
            %sub3A_426 = arith.subi %iota3A_411, %sub3A_425 : vector<16xi32>
            %max3A_427 = arith.constant 0 : i32
            %max3A_428 = vector.broadcast %max3A_427 : i32 to vector<16xi32>
            %max3A_429 = arith.maxsi %sub3A_426, %max3A_428 : vector<16xi32>
            %gather3A_430 = tpu.vector_load_idx %arg16[%max3A_429] : memref<16xi32, #tpu.memory_space<vmem>>[vector<16xi32>], vector<16xi32>,
            %eq3A = arith.constant 15 : i32
            %eq3A_431 = vector.broadcast %eq3A : i32 to vector<16xi32>
            %eq3A_432 = arith.cmpi eq, %iota3A_411, %eq3A_431 : vector<16xi32>
            %ne3A_433 = arith.cmpi ne, %gather3A, %select_n3A_413 : vector<16xi32>
            %or3A = arith.ori %eq3A_432, %ne3A_433 : vector<16xi1>
            %and3A_434 = arith.andi %and3A_410, %or3A : vector<16xi1>
            %eq3A_435 = arith.constant 0 : i32
            %eq3A_436 = vector.broadcast %eq3A_435 : i32 to vector<16xi32>
            %eq3A_437 = arith.cmpi eq, %iota3A_411, %eq3A_436 : vector<16xi32>
            %ne3A_438 = arith.cmpi ne, %gather3A_430, %select_n3A_413 : vector<16xi32>
            %or3A_439 = arith.ori %eq3A_437, %ne3A_438 : vector<16xi1>
            %and3A_440 = arith.andi %and3A_410, %or3A_439 : vector<16xi1>
            %broadcast_in_dim3A_441 = arith.constant true
            %broadcast_in_dim3A_442 = vector.broadcast %broadcast_in_dim3A_441 : i1 to vector<16xi1>
            %masked_cumsum3A = tpu.scan <sum>, %select_n3A_416 masked %broadcast_in_dim3A_442 : vector<16xf32>, vector<16xi1> -> vector<16xf32>
            %swap3A_443 = arith.constant 0 : index
            %swap3A_444 = tpu.vector_load %arg17[%swap3A_443] {strides = array<i32>} : memref<16xf32, #tpu.memory_space<vmem>>, vector<16xf32>,
            tpu.vector_store %arg17[%swap3A_443], %masked_cumsum3A {strides = array<i32>} : memref<16xf32, #tpu.memory_space<vmem>>, vector<16xf32>,
            %sub3A_445 = arith.constant 1 : i32
            %sub3A_446 = vector.broadcast %sub3A_445 : i32 to vector<16xi32>
            %sub3A_447 = arith.subi %iota3A_411, %sub3A_446 : vector<16xi32>
            %max3A_448 = arith.constant 0 : i32
            %max3A_449 = vector.broadcast %max3A_448 : i32 to vector<16xi32>
            %max3A_450 = arith.maxsi %sub3A_447, %max3A_449 : vector<16xi32>
            %gather3A_451 = tpu.vector_load_idx %arg17[%max3A_450] : memref<16xf32, #tpu.memory_space<vmem>>[vector<16xi32>], vector<16xf32>,
            %eq3A_452 = arith.constant 0 : i32
            %eq3A_453 = vector.broadcast %eq3A_452 : i32 to vector<16xi32>
            %eq3A_454 = arith.cmpi eq, %iota3A_411, %eq3A_453 : vector<16xi32>
            %jit3A_455 = arith.constant 0.000000e+00 : f32
            %broadcast_in_dim3A_456 = vector.broadcast %jit3A_455 : f32 to vector<16xf32>
            %select_n3A_457 = arith.select %eq3A_454, %broadcast_in_dim3A_456, %gather3A_451 : vector<16xi1>, vector<16xf32>
            %sub3A_458 = vector.broadcast %mul3A_212 : i32 to vector<16xi32>
            %sub3A_459 = arith.subi %select_n3A_413, %sub3A_458 : vector<16xi32>
            %jit3A_460 = arith.constant 11008 : i32
            %div3A_461 = vector.broadcast %jit3A_460 : i32 to vector<16xi32>
            %div3A_462 = arith.divsi %sub3A_459, %div3A_461 : vector<16xi32>
            %sign3A_463 = arith.constant 0 : i32
            %sign3A_464 = vector.broadcast %sign3A_463 : i32 to vector<16xi32>
            %sign3A_465 = arith.cmpi sgt, %sub3A_459, %sign3A_464 : vector<16xi32>
            %sign3A_466 = arith.extui %sign3A_465 : vector<16xi1> to vector<16xi32>
            %sign3A_467 = arith.constant 0 : i32
            %sign3A_468 = vector.broadcast %sign3A_467 : i32 to vector<16xi32>
            %sign3A_469 = arith.cmpi slt, %sub3A_459, %sign3A_468 : vector<16xi32>
            %sign3A_470 = arith.extui %sign3A_469 : vector<16xi1> to vector<16xi32>
            %sign3A_471 = arith.subi %sign3A_466, %sign3A_470 : vector<16xi32>
            %sign3A_472 = arith.constant 0 : i32
            %sign3A_473 = arith.cmpi sgt, %jit3A_460, %sign3A_472 : i32
            %sign3A_474 = arith.extui %sign3A_473 : i1 to i32
            %sign3A_475 = arith.constant 0 : i32
            %sign3A_476 = arith.cmpi slt, %jit3A_460, %sign3A_475 : i32
            %sign3A_477 = arith.extui %sign3A_476 : i1 to i32
            %sign3A_478 = arith.subi %sign3A_474, %sign3A_477 : i32
            %ne3A_479 = vector.broadcast %sign3A_478 : i32 to vector<16xi32>
            %ne3A_480 = arith.cmpi ne, %sign3A_471, %ne3A_479 : vector<16xi32>
            %rem3A_481 = vector.broadcast %jit3A_460 : i32 to vector<16xi32>
            %rem3A_482 = arith.remsi %sub3A_459, %rem3A_481 : vector<16xi32>
            %ne3A_483 = arith.constant 0 : i32
            %ne3A_484 = vector.broadcast %ne3A_483 : i32 to vector<16xi32>
            %ne3A_485 = arith.cmpi ne, %rem3A_482, %ne3A_484 : vector<16xi32>
            %and3A_486 = arith.andi %ne3A_480, %ne3A_485 : vector<16xi1>
            %sub3A_487 = arith.constant 1 : i32
            %sub3A_488 = vector.broadcast %sub3A_487 : i32 to vector<16xi32>
            %sub3A_489 = arith.subi %div3A_462, %sub3A_488 : vector<16xi32>
            %select_n3A_490 = arith.select %and3A_486, %sub3A_489, %div3A_462 : vector<16xi1>, vector<16xi32>
            %mul3A_491 = arith.constant 11008 : i32
            %mul3A_492 = vector.broadcast %mul3A_491 : i32 to vector<16xi32>
            %mul3A_493 = arith.muli %select_n3A_490, %mul3A_492 : vector<16xi32>
            %sub3A_494 = arith.subi %sub3A_459, %mul3A_493 : vector<16xi32>
            tpu.vector_store_idx %arg8[%select_n3A_490, %sub3A_494], %masked_cumsum3A masked %and3A_434 {add = true} : memref<4x11008xf32, #tpu.memory_space<vmem>>[vector<16xi32>, vector<16xi32>], vector<16xf32>, vector<16xi1>
            %neg3A = arith.constant 0.000000e+00 : f32
            %neg3A_495 = vector.broadcast %neg3A : f32 to vector<16xf32>
            %neg3A_496 = arith.subf %neg3A_495, %select_n3A_457 : vector<16xf32>
            tpu.vector_store_idx %arg8[%select_n3A_490, %sub3A_494], %neg3A_496 masked %and3A_440 {add = true} : memref<4x11008xf32, #tpu.memory_space<vmem>>[vector<16xi32>, vector<16xi32>], vector<16xf32>, vector<16xi1>
          }
        }
        %mul3A_322 = arith.constant 4 : i32
        %mul3A_323 = arith.muli %add3A_181, %mul3A_322 : i32
        %add3A_324 = arith.addi %mul3A_2, %mul3A_323 : i32
        "tpu.region"() ({
          %run_scoped3A = tpu.sem_alloc : memref<!tpu.dma_semaphore, #tpu.memory_space<semaphore_mem>>
          %dma_start3A_325 = arith.constant 0 : i32
          %dma_start3A_326 = tpu.memref_slice %arg6[%add3A_324, %dma_start3A_325] : memref<4096x11008xf32, #tpu.memory_space<hbm>> -> memref<4x11008xf32, #tpu.memory_space<hbm>>
          %dma_start3A_327 = arith.constant 0 : i32
          %dma_start3A_328 = tpu.memref_slice %arg6[%add3A_324, %dma_start3A_327] : memref<4096x11008xf32, #tpu.memory_space<hbm>> -> memref<4x11008xf32, #tpu.memory_space<hbm>>
          tpu.enqueue_dma source(%arg8 : memref<4x11008xf32, #tpu.memory_space<vmem>>) target(%dma_start3A_328 : memref<4x11008xf32, #tpu.memory_space<hbm>>) target_semaphore(%run_scoped3A : memref<!tpu.dma_semaphore, #tpu.memory_space<semaphore_mem>>)
          %dma_wait3A_329 = arith.constant 0 : i32
          %dma_wait3A_330 = tpu.memref_slice %arg6[%add3A_324, %dma_wait3A_329] : memref<4096x11008xf32, #tpu.memory_space<hbm>> -> memref<4x11008xf32, #tpu.memory_space<hbm>>
          %dma_wait3A_331 = arith.constant 0 : i32
          %dma_wait3A_332 = tpu.memref_slice %arg6[%add3A_324, %dma_wait3A_331] : memref<4096x11008xf32, #tpu.memory_space<hbm>> -> memref<4x11008xf32, #tpu.memory_space<hbm>>
          tpu.wait_dma2 semaphore(%run_scoped3A : memref<!tpu.dma_semaphore, #tpu.memory_space<semaphore_mem>>) src(%arg8 : memref<4x11008xf32, #tpu.memory_space<vmem>>) dst(%dma_wait3A_332 : memref<4x11008xf32, #tpu.memory_space<hbm>>)
          tpu.yield
        }) : () -> ()
      } else {
      }
    }
    %scan3A_32 = arith.constant 16 : i32
    return
  }
}

</mosaic_0001>

<sc_bundles>
// kernel: kernel.3.cloned.1.call-start
scs
__scs_entry_jumppad:
0x0: {  	(pc) =	sbr.rel $0x88, $3  }
0x1: {  	(tag) =	ssettag $0x0;
	lr =	simm.s32 $0x1  }
0x2: {  	[smem:$0x3F9E] =	sst lr;
	_ =	strace $0xD0000000  }
0x3: {  	_ = 	snop  }
0x4: {  	_ = 	snop  }
0x5: {  	_ = 	snop  }
0x6: {  	_ = 	snop  }
0x7: {  	_ = 	snop  }
__scs_overlays_trampoline_lowered:
0x8: {  	[smem:$0x3FAD] =	sst s0  }
0x9: {  	[smem:$0x3FAE] =	sst s1  }
0xa: {  	[smem:$0x3FAF] =	sst s2  }
0xb: {  	[smem:$0x3FB0] =	sst s3  }
0xc: {  	[smem:$0x3FB1] =	sst s4  }
0xd: {  	[smem:$0x3FB2] =	sst s5  }
0xe: {  	[smem:$0x3FB3] =	sst s6  }
0xf: {  	[smem:$0x3FB4] =	sst s7  }
0x10: {  	[smem:$0x3FB5] =	sst s8  }
0x11: {  	[smem:$0x3FB6] =	sst s9;
	s0 =	simm.s32 @!p0 $0x0  }
0x12: {  	s1 =	sld [smem:$0x3F9C];
	s0 =	simm.s32 @p0 $0x1  }
0x13: {  	[smem:$0x3FB7] =	sst s0;
	s0 =	simm.s32 @!p1 $0x0  }
0x14: {  	s2 =	sld [smem:$0x3F9B];
	s0 =	simm.s32 @p1 $0x1  }
0x15: {  	[smem:$0x3FB8] =	sst s0;
	s0 =	simm.s32 @!p2 $0x0  }
0x16: {  	s3 =	sld [smem:$0x3FDB];
	s0 =	simm.s32 @p2 $0x1  }
0x17: {  	s4 =	simm.s32 $0x1BF5;
	[smem:$0x3FBA] =	sst s0  }
0x18: {  	s0 =	sld [smem:$0x3F9D];
	_ =	swait.ge [sflag:s4], $0x0  }
0x19: {  	s7 =	sld [smem:$0x3F9E]  }
0x1a: {  	s8 =	sadd.s32 $0xFFFFE003, lr  }
0x1b: {  	s9 =	sadd.s32 $0xFFFFFEF7, lr;
	s5 =	simm.s32 $0xFFFFFFFF;
	p2 =	slt.u32 s8, $0xFFFFF086  }
0x1c: {  	p1 =	slt.u32 s9, $0xF7A;
	s5 =	simm.s32 @!p2 $0x0  }
0x1d: {  	s5 =	simm.s32 @p1 $0x1;
	p0 =	seq.s32 s7, s2  }
0x1e: {  	s7 =	smul.u32 @!p0 $0xF7A, s2;
	p2 =	seq.s32 @!p0 s5, $0x0  }
0x1f: {  	s9 =	smul.u32 $0xF7A, s1;
	s8 =	simm.s32 @!p0 $0x1BF5;
	p2 =	por !p2, p0  }
0x20: {  	[sflag:s8] =	ssyncset.s32 @!p0 $0xFFFFF086;
	s6 =	sadd.s32 @!p0 s3, s7;
	s7 =	simm.s32 @!p0 $0x108  }
0x21: {  	s3 =	sadd.s32 s3, s9;
	s6 =	sadd.s32 @!p0 $0x88, s6;
	s7 =	simm.s32 @p2 $0x1082  }
0x22: {  	[simem:s7], [sflag:s8] =	dma.local @!p0 [hbm:s6], $0xF7A  }
0x23: {  	s9 =	sor.u32 $0xD0000000, s2;
	s6 =	simm.s32 $0x108;
	_ =	swait.ge @!p0 [sflag:s8], $0x0  }
0x24: {  	s3 =	sadd.s32 $0x88, s3;
	s6 =	simm.s32 @!p1 $0x1082;
	[sflag:s4] =	ssyncset.s32 $0xFFFFF086  }
0x25: {  	[simem:s6], [sflag:s4] =	dma.local [hbm:s3], $0xF7A  }
0x26: {  	[smem:$0x3F9E] =	sst s1;
	(tag) =	ssettag s2;
	_ =	strace s9  }
0x27: {  	s1 =	sld [smem:$0x3FAE]  }
0x28: {  	s2 =	sld [smem:$0x3FAF]  }
0x29: {  	s4 =	sld [smem:$0x3FB1]  }
0x2a: {  	p0 =	seq.s32 s5, $0x0;
	s5 =	sld [smem:$0x3FB2]  }
0x2b: {  	s6 =	sld [smem:$0x3FB3]  }
0x2c: {  	s7 =	sld [smem:$0x3FB4]  }
0x2d: {  	s3 =	simm.s32 $0x108;
	s8 =	sld [smem:$0x3FB5]  }
0x2e: {  	s3 =	simm.s32 @!p0 $0x1082;
	s9 =	sld [smem:$0x3FB6]  }
0x2f: {  	lr =	sadd.s32 s0, s3;
	s0 =	sld [smem:$0x3FAD]  }
0x30: {  	s3 =	sld [smem:$0x3FB0]  }
0x31: {  	[smem:$0x3FB9] =	sst s10  }
0x32: {  	s10 =	sld [smem:$0x3FB7];
	_ =	sdelay $0x3  }
0x33: {  	p0 =	seq.s32 s10, $0x1;
	s10 =	sld [smem:$0x3FB9];
	_ =	sdelay $0x3  }
0x34: {  	[smem:$0x3FB9] =	sst s10  }
0x35: {  	s10 =	sld [smem:$0x3FB8];
	_ =	sdelay $0x3  }
0x36: {  	p1 =	seq.s32 s10, $0x1;
	s10 =	sld [smem:$0x3FB9];
	_ =	sdelay $0x3  }
0x37: {  	[smem:$0x3FB9] =	sst s10  }
0x38: {  	s10 =	sld [smem:$0x3FBA]  }
0x39: {  	_ = 	snop;
	(pc) =	sbr.ind lr, $3  }
0x3a: {  	_ = 	snop  }
0x3b: {  	_ = 	snop  }
0x3c: {  	p2 =	seq.s32 s10, $0x1;
	s10 =	sld [smem:$0x3FB9]  }
0x3d: {  	_ =	shalt  }
0x3e: {  	_ =	shalt  }
0x3f: {  	_ =	shalt  }
0x40: {  	_ =	shalt  }
0x41: {  	_ =	shalt  }
0x42: {  	_ =	shalt  }
0x43: {  	_ =	shalt  }
0x44: {  	_ =	shalt  }
0x45: {  	_ =	shalt  }
0x46: {  	_ =	shalt  }
0x47: {  	_ =	shalt  }
0x48: {  	_ =	shalt  }
0x49: {  	_ =	shalt  }
0x4a: {  	_ =	shalt  }
0x4b: {  	_ =	shalt  }
0x4c: {  	_ =	shalt  }
0x4d: {  	_ =	shalt  }
0x4e: {  	_ =	shalt  }
0x4f: {  	_ =	shalt  }
0x50: {  	_ =	shalt  }
0x51: {  	_ =	shalt  }
0x52: {  	_ =	shalt  }
0x53: {  	_ =	shalt  }
0x54: {  	_ =	shalt  }
0x55: {  	_ =	shalt  }
0x56: {  	_ =	shalt  }
0x57: {  	_ =	shalt  }
0x58: {  	_ =	shalt  }
0x59: {  	_ =	shalt  }
0x5a: {  	_ =	shalt  }
0x5b: {  	_ =	shalt  }
0x5c: {  	_ =	shalt  }
0x5d: {  	_ =	shalt  }
0x5e: {  	_ =	shalt  }
0x5f: {  	_ =	shalt  }
0x60: {  	_ =	shalt  }
0x61: {  	_ =	shalt  }
0x62: {  	_ =	shalt  }
0x63: {  	_ =	shalt  }
0x64: {  	_ =	shalt  }
0x65: {  	_ =	shalt  }
0x66: {  	_ =	shalt  }
0x67: {  	_ =	shalt  }
0x68: {  	_ =	shalt  }
0x69: {  	_ =	shalt  }
0x6a: {  	_ =	shalt  }
0x6b: {  	_ =	shalt  }
0x6c: {  	_ =	shalt  }
0x6d: {  	_ =	shalt  }
0x6e: {  	_ =	shalt  }
0x6f: {  	_ =	shalt  }
0x70: {  	_ =	shalt  }
0x71: {  	_ =	shalt  }
0x72: {  	_ =	shalt  }
0x73: {  	_ =	shalt  }
0x74: {  	_ =	shalt  }
0x75: {  	_ =	shalt  }
0x76: {  	_ =	shalt  }
0x77: {  	_ =	shalt  }
0x78: {  	_ =	shalt  }
0x79: {  	_ =	shalt  }
0x7a: {  	_ =	shalt  }
0x7b: {  	_ =	shalt  }
0x7c: {  	_ =	shalt  }
0x7d: {  	_ =	shalt  }
0x7e: {  	_ =	shalt  }
0x7f: {  	_ =	shalt  }
0x80: {  	_ =	shalt  }
0x81: {  	_ =	shalt  }
0x82: {  	_ =	shalt  }
0x83: {  	_ =	shalt  }
0x84: {  	_ =	shalt  }
0x85: {  	_ =	shalt  }
0x86: {  	_ =	shalt  }
0x87: {  	_ =	shalt  }
.Lfunc_end0:
.L_simem_size_0:
called_computation_lowered:
.L_overlay_start_0:
0x88: {  	s2 =	sld [smem:$0x3FD9]  }
0x89: {  	s3 =	sld [smem:$0x3FFE];
	_ =	sdelay $0x1  }
0x8a: {  	s1 =	srdreg.scid  }
0x8b: {  	s0 =	sand.u32 $0x1, s1  }
0x8c: {  	s17 =	sshll.u32 s0, $0xA;
	s2 =	sadd.s32 s3, s2  }
0x8d: {  	s2 =	sadd.s32 s2, s17  }
0x8e: {  	[smem:$0x3FC5] =	sst s2  }
0x8f: {  	_ = 	snop  }
0x90: {  	s2 =	sld [smem:$0x3FC9]  }
0x91: {  	s18 =	sld [smem:$0x3FC8]  }
0x92: {  	s4 =	sld [smem:$0x3FC7]  }
0x93: {  	s5 =	sld [smem:$0x3FD0];
	(tm) =	ssettm $0x1  }
0x94: {  	s6 =	sld [smem:$0x3FFB];
	_ =	sdelay $0x3  }
0x95: {  	_ =	strace s6  }
0x96: {  	s6 =	sld [smem:$0x3FFC];
	_ =	sdelay $0x3  }
0x97: {  	_ =	strace s6  }
0x98: {  	s6 =	sld [smem:$0x3FFD];
	_ =	sdelay $0x3  }
0x99: {  	_ =	strace s6  }
0x9a: {  	_ =	strace $0x8FFFFFFF  }
0x9b: {  	s19 =	sld [smem:$0x3FDB];
	_ =	sdelay $0x1  }
0x9c: {  	s7 =	simm.s32 $_scs_section_size  }
0x9d: {  	s8 =	simm.s32 $_size__tile_overlayer_lowered;
	s9 =	simm.s32 $_tile_overlayer_lowered  }
0x9e: {  	s22 =	simm.s32 $0x1BFF;
	s21 =	sshll.u32 s9, $0x1;
	s6 =	sadd.s32 s7, s19  }
0x9f: {  	s10 =	simm.s32 $0x0;
	s20 =	sshll.u32 s8, $0x1;
	s8 =	sadd.s32 s21, s6  }
0xa0: {  	[timem:s10], [sflag:s22] =	dma.local [hbm:s8], s20  }
0xa1: {  	_ =	swait.ge [sflag:s22], s20  }
0xa2: {  	s7 =	ssub.s32 $0x0, s20;
	[sflag:s22] =	ssyncset.done $0x0  }
0xa3: {  	[sflag:s22] =	ssyncadd.s32 s7;
	_ =	sdelay $0x1  }
0xa4: {  	s23 =	simm.s32 $0x1B8B  }
0xa5: {  	_ =	swait.ge [sflag:s23], $0x1  }
0xa6: {  	[sflag:s23] =	ssyncset.done $0x0  }
0xa7: {  	s25 =	simm.s32 $0x1B8E;
	s24 =	sld [smem:$0x3FFE];
	[sflag:s23] =	ssyncadd.s32 $0xFFFFFFFF  }
0xa8: {  	s26 =	simm.s32 $execute0_lowered;
	[smem:$0x3FD2] =	sst s25  }
0xa9: {  	s8 =	sshll.u32 s26, $0x1;
	_ =	strace $0x80000046;
	[dreg:$0x1] =	wrdreg $0xFFFFFFFF  }
0xaa: {  	s28 =	simm.s32 $_size_execute0_lowered;
	s6 =	sadd.s32 s6, s8;
	[dreg:$0x0] =	wrdreg $0x0  }
0xab: {  	s8 =	sshll.u32 s28, $0x1;
	[dreg:$0x2] =	wrdreg s6  }
0xac: {  	[dreg:$0x3] =	wrdreg s8  }
0xad: {  	[dreg:$0x4] =	wrdreg $0xC0  }
0xae: {  	_ =	task [dreg:s10], $0x5FFFF  }
0xaf: {  	[dreg:$0x1] =	wrdreg $0xFFFFFFFF  }
0xb0: {  	[dreg:$0x0] =	wrdreg $0x60  }
0xb1: {  	[dreg:$0x2] =	wrdreg s2  }
0xb2: {  	[dreg:$0x3] =	wrdreg s4  }
0xb3: {  	[dreg:$0x4] =	wrdreg s18  }
0xb4: {  	[dreg:$0x5] =	wrdreg s24  }
0xb5: {  	[dreg:$0x6] =	wrdreg s5  }
0xb6: {  	[dreg:$0x7] =	wrdreg $0x9  }
0xb7: {  	_ =	task.clear_ibuf [dreg:s10], $0x8FFFF;
	_ =	strace $0x90000046  }
0xb8: {  	s29 =	simm.s32 $0x9;
	_ =	strace $0x80000048  }
0xb9: {  	_ =	swait.ge [sflag:s29], $0x1  }
0xba: {  	[sflag:s29] =	ssyncadd.s32 $0xFFFFFFFF  }
0xbb: {  	_ =	strace $0x90000048  }
0xbc: {  	_ =	sfence  }
0xbd: {  	s30 =	sld [smem:$0x0];
	_ =	sdelay $0x2  }
0xbe: {  	s31 =	sshll.u32 s1, $0xD;
	s1 =	sshrl.u32 s1, $0x2  }
0xbf: {  	s3 =	sand.u32 $0x4000, s31;
	s1 =	sadd.s32 s1, s30  }
0xc0: {  	s0 =	sor.u32 s3, s0;
	s1 =	sshll.u32 s1, $0x11  }
0xc1: {  	s0 =	sor.u32 s1, s0  }
0xc2: {  	s0 =	sadd.s32 $0x8F2B, s0  }
0xc3: {  	[sflag:s0] =	ssyncadd.remote.s32 $0x1  }
0xc4: {  	_ =	sfence.sel $0xFFFF  }
0xc5: {  	[dreg:$0x0] =	wrdreg $0xFFFFFFFF;
	(pc) =	sbr.abs _section_cstart, $3  }
0xc6: {  	[dreg:$0x1] =	wrdreg $0xFFFFFFFF  }
0xc7: {  	_ =	task.clear_ibuf [dreg:s10], $0x2FFFF;
	_ =	strace $0x9FFFFFFF  }
0xc8: {  	(tm) =	ssettm $0x7FFFFFFF  }
0xc9: {  	_ =	shalt  }
tec
execute0_lowered:
.L_overlay_start_1:
0x0: {  	(tag) =	ssettag $0x1  }
0x1: {  	v0 =	vimm.s32 $0xFFEDCBA9;
	v1 =	vimm.s32 $0x87654321  }
0x2: {  	v2 =	vimm.s32 $0xEDCBA987;
	v3 =	vimm.s32 $0x65432100;
	v4 =	vimm.s32 $0xECA86420  }
0x3: {  	vm1 =	vmmov $0x1;
	vm2 =	vcmask $0xB08;
	vm3 =	vcmask $0x1310  }
0x4: {  	s0 =	srdreg.scid;
	vm4 =	vcmask $0x1B18;
	vm5 =	vcmask $0x300;
	vm6 =	vcmask $0x2320  }
0x5: {  	s2 =	stileid.u32;
	vm7 =	vcmask $0x2B28;
	vm8 =	vcmask $0x3330;
	vm9 =	vcmask $0x3B38;
	s0 =	sand.u32 $0x1, s0  }
0x6: {  	s5 =	rddreg [dreg:$0x3];
	vm10 =	vmmov $0xff;
	vm15 =	vcmask $0x704;
	s1 =	sshll.u32 s2, $0x8;
	v2 =	vunpack.c.l.s4.s8 v2;
	s4 =	sshll.u32 s0, $0x7  }
0x7: {  	s7 =	simm.s32 $0x0;
	v0 =	vunpack.c.l.s4.s8 v0;
	v1 =	vunpack.c.l.s4.s8 v1;
	s30 =	sshll.u32 s2, $0xA;
	v3 =	vunpack.c.l.s4.s8 v3;
	s3 =	sor.u32 s4, s1  }
0x8: {  	s6 =	simm.s32 $0x200;
	vm0 =	vcmask $0xF0C;
	vm11 =	vcmask $0x1714;
	s0 =	ssub.s32 $0x2, s0;
	v2 =	vunpack.c.0.s8.s32 v2;
	s1 =	sor.u32 s30, s3  }
.Ltmp0:
0x9: {  	v0 =	vunpack.c.0.s8.s32 v0;
	v1 =	vunpack.c.0.s8.s32 v1;
	v3 =	vunpack.c.0.s8.s32 v3;
	s31 =	sshrl.u32 s0, $0x1;
	s1 =	sand.u32 $0x3380, s1;
	(pc) =	sbr.rel .LBB2_1-.Ltmp0, $4  }
0xa: {  	vm14 =	vcmask $0x1F1C;
	v6 =	vimm.s32 $0x0;
	[smem:$0x7FF] =	sst s7;
	s0 =	ssub.s32 s0, s31;
	v2 =	vand.u32 $0xF, v2;
	s1 =	sshrl.u32 s1, $0x3  }
0xb: {  	[dreg:$0x6] =	wrdreg s3;
	v1 =	vcombine.low v1, v0;
	s0 =	smax.u32 s0, $0x1;
	v2 =	vcombine.low v3, v2;
	v3 =	vunpack.c.l.s4.s8 v4;
	s1 =	sadd.s32 s1, s5  }
0xc: {  	v5 =	vimm.s32 $0x0;
	v6 =	vsel vm1, $0xFFFFFFFF, v6;
	v0 =	vlaneseq.u32;
	_ =	strace $0x80000047;
	[dreg:$0x8] =	wrdreg s0;
	s1 =	sadd.s32 $0xA00, s1  }
0xd: {  	s2 =	simm.s32 $0x400;
	[tilespmem:$0x1FFF0] =	vst v6;
	v4 =	vmul.u32 $0x2, v0;
	v1 =	vand.u32 $0xF, v1;
	v3 =	vunpack.c.0.s8.s32 v3;
	[dreg:$0x7] =	wrdreg s1;
	s1 =	simm.s32 $0x0  }
.LBB2_21:
0xe: {  	s1 =	rddreg [dreg:$0x9]  }
0xf: {  	s0 =	rddreg [dreg:$0x8];
	s1 =	sadd.s32 $0x1, s1  }
0x10: {  	p0 =	sne.s32 s1, s0  }
.Ltmp1:
0x11: {  	_ = 	snop;
	(pc) =	sbr.rel @!p0 .LBB2_22-.Ltmp1, $1  }
0x12: {  	_ =	sdelay $0x3  }
.LBB2_1:
0x13: {  	[dreg:$0x9] =	wrdreg s1  }
0x14: {  	s0 =	rddreg [dreg:$0x7]  }
0x15: {  	s22 =	simm.s32 $0x80;
	s3 =	simm.s32 $0x17F00;
	s23 =	simm.s32 $0x5  }
0x16: {  	[tilespmem:s3], [sflag:$0x5] =	stream.strided.gather [hbm4b:s0+s22], $0x200, s2, s22, $0x38;
	[tilespmem:$0x18200] =	vst v63  }
0x17: {  	_ =	swait.ge [sflag:s23], $0x200  }
0x18: {  	[sflag:s23] =	ssyncset.done $0x0  }
0x19: {  	[sflag:s23] =	ssyncadd.s32 $0xFFFFFE00  }
0x1a: {  	v6 =	vld [tilespmem:$0x17F00];
	_ =	sdelay $0x4  }
0x1b: {  	(v2sf) =	vpush v6, $0x0;
	_ =	sdelay $0xe  }
0x1c: {  	s24 =	spop (v2sf)  }
0x1d: {  	s25 =	sand.u32 $0x7, s24  }
0x1e: {  	s26 =	sshra.s32 s24, $0x1F;
	p1 =	slt.s32 s24, $0x1;
	p0 =	sne.s32 s25, $0x0  }
0x1f: {  	s1 =	sshrl.u32 s26, $0x1D;
	p0 =	por !p1, !p0  }
0x20: {  	s0 =	sadd.s32 s1, s24;
	s1 =	simm.s32 $0x1;
	p0 =	por !p0, !p0  }
0x21: {  	s0 =	sshrl.u32 s0, $0x3;
	s1 =	simm.s32 @!p0 $0x0  }
0x22: {  	s0 =	ssub.s32 s0, s1  }
0x23: {  	s0 =	sshll.u32 s0, $0x3  }
0x24: {  	p0 =	slt.s32 s0, $0xF3C30  }
0x25: {  	s0 =	simm.s32 @!p0 $0xF3C30  }
.Ltmp2:
0x26: {  	s28 =	rddreg [dreg:$0x1];
	s0 =	sshrl.u32 s0, $0x3;
	(pc) =	sbr.rel .LBB2_2-.Ltmp2, $4  }
0x27: {  	s29 =	simm.s32 $0x15800;
	s30 =	rddreg [dreg:$0x2];
	s1 =	sadd.s32 s28, s0  }
0x28: {  	[tilespmem:s29], [sflag:$0x1] =	stream.linear.gather [hbm4b:s1+s7], $0x610, $0x38;
	[tilespmem:$0x18200] =	vst v63  }
0x29: {  	s31 =	simm.s32 $0x15E80;
	s8 =	simm.s32 $0x0;
	s0 =	sadd.s32 s30, s0  }
0x2a: {  	[tilespmem:s31], [sflag:$0x3] =	stream.linear.gather [hbm4b:s0+s7], $0x610, $0x38;
	[tilespmem:$0x18200] =	vst v63  }
.LBB2_20:
0x2b: {  	s0 =	rddreg [dreg:$0x4]  }
0x2c: {  	s1 =	rddreg [dreg:$0x13];
	s2 =	simm.s32 $0x400  }
0x2d: {  	s6 =	simm.s32 $0x200;
	s31 =	simm.s32 $0x5;
	s0 =	sadd.s32 s0, s1  }
0x2e: {  	[hbm4b:s0+s6] =	stream.strided.scatter [tilespmem:s10], [sflag:$0x5], $0xAC00, s2, s6, $0x38;
	[tilespmem:$0x18200] =	vst v63  }
0x2f: {  	_ =	swait.ge [sflag:s31], $0xAC00  }
0x30: {  	s8 =	rddreg [dreg:$0xa]  }
0x31: {  	s8 =	sadd.s32 $0x1, s8  }
0x32: {  	v6 =	vld [tilespmem:$0x1FFF0];
	p0 =	sne.s32 s8, $0x10  }
.Ltmp3:
0x33: {  	_ = 	snop;
	(pc) =	sbr.rel @!p0 .LBB2_21-.Ltmp3, $4  }
0x34: {  	_ = 	snop  }
0x35: {  	vm15 =	vcmask $0x704;
	vm0 =	vcmask $0xF0C;
	vm11 =	vcmask $0x1714  }
0x36: {  	vm5 =	vcmask $0x300;
	vm6 =	vcmask $0x2320;
	vm7 =	vcmask $0x2B28;
	[sflag:s31] =	ssyncset.done $0x0  }
0x37: {  	s7 =	simm.s32 $0x0;
	vm8 =	vcmask $0x3330;
	vm9 =	vcmask $0x3B38;
	[sflag:s31] =	ssyncadd.s32 $0xFFFF5400;
	vm1 =	vnez.u8 v6  }
.LBB2_2:
0x38: {  	s0 =	sshll.u32 s8, $0x5  }
0x39: {  	s11 =	sshllo.u32 s8, $0x1;
	s1 =	sand.u32 $0x3FFFFFE0, s0  }
0x3a: {  	s12 =	sshll.u32 s11, $0x6;
	v7 =	vld [tilespmem:s1+$0x17F00]  }
0x3b: {  	s0 =	sshrl.u32 s12, $0x2  }
0x3c: {  	v6 =	vld [tilespmem:s0+$0x17F00];
	_ =	sdelay $0x2  }
0x3d: {  	(v2sf) =	vpush v7, $0x0  }
0x3e: {  	(v2sf) =	vpush v7, $0x1  }
0x3f: {  	(v2sf) =	vpush v6, $0x0;
	_ =	sdelay $0xc  }
0x40: {  	s9 =	spop (v2sf)  }
0x41: {  	s10 =	spop (v2sf)  }
0x42: {  	s13 =	spop (v2sf)  }
0x43: {  	s4 =	sand.u32 $0x7, s13  }
0x44: {  	s5 =	sshra.s32 s13, $0x1F;
	p0 =	slt.s32 s13, $0x1;
	p1 =	sne.s32 s4, $0x0  }
0x45: {  	[dreg:$0xc] =	wrdreg s1;
	s14 =	sshrl.u32 s5, $0x1D;
	p0 =	por !p0, !p1  }
0x46: {  	s4 =	simm.s32 $0x1;
	s1 =	sadd.s32 s14, s13;
	p0 =	por !p0, !p0  }
0x47: {  	s1 =	sshrl.u32 s1, $0x3;
	s4 =	simm.s32 @!p0 $0x0  }
0x48: {  	s1 =	ssub.s32 s1, s4  }
0x49: {  	s1 =	sshll.u32 s1, $0x3  }
0x4a: {  	p0 =	slt.s32 s1, $0xF3C30  }
0x4b: {  	s15 =	rddreg [dreg:$0x1];
	s1 =	simm.s32 @!p0 $0xF3C30  }
0x4c: {  	s17 =	simm.s32 $0x16500;
	s18 =	rddreg [dreg:$0x2];
	s1 =	sshrl.u32 s1, $0x3  }
0x4d: {  	s19 =	simm.s32 $0x16B80;
	[dreg:$0xb] =	wrdreg s11;
	s16 =	sadd.s32 s15, s1  }
0x4e: {  	[tilespmem:s17], [sflag:$0x2] =	stream.linear.gather [hbm4b:s16+s7], $0x610, $0x38;
	[tilespmem:$0x18200] =	vst v63  }
0x4f: {  	s3 =	simm.s32 $0x1;
	[dreg:$0xd] =	wrdreg s0;
	s1 =	sadd.s32 s18, s1  }
0x50: {  	[tilespmem:s19], [sflag:$0x4] =	stream.linear.gather [hbm4b:s1+s7], $0x610, $0x38;
	[tilespmem:$0x18200] =	vst v63  }
0x51: {  	_ =	swait.ge [sflag:s3], $0x610  }
0x52: {  	s20 =	sshll.u32 s8, $0x3;
	[dreg:$0xa] =	wrdreg s8;
	[sflag:s3] =	ssyncset.done $0x0  }
0x53: {  	s23 =	simm.s32 $0x3;
	s21 =	rddreg [dreg:$0x6];
	[sflag:s3] =	ssyncadd.s32 $0xFFFFF9F0  }
0x54: {  	s24 =	sand.u32 $0x7, s9;
	s22 =	sadd.s32 s21, s20;
	_ =	swait.ge [sflag:s23], $0x610  }
0x55: {  	s25 =	sshra.s32 s9, $0x1F;
	s1 =	sshrl.u32 s22, $0x3;
	[sflag:s23] =	ssyncset.done $0x0  }
0x56: {  	p4 =	slt.s32 s9, $0x1;
	s1 =	smul.u32 $0x2B00, s1;
	[sflag:s23] =	ssyncadd.s32 $0xFFFFF9F0  }
0x57: {  	s26 =	sshrl.u32 s25, $0x1D;
	p0 =	sne.s32 s24, $0x0;
	s0 =	rddreg [dreg:$0x0]  }
0x58: {  	p1 =	por !p4, !p0;
	[dreg:$0x12] =	wrdreg s1;
	s1 =	sadd.s32 s0, s1  }
0x59: {  	[tilespmem:s7], [sflag:$0x6] =	stream.strided.gather [hbm4b:s1+s6], $0xAC00, s2, s6, $0x38;
	[tilespmem:$0x18200] =	vst v63  }
0x5a: {  	s5 =	simm.s32 $0x1;
	p1 =	por !p1, !p1;
	s1 =	sadd.s32 s26, s9  }
0x5b: {  	s5 =	simm.s32 @!p1 $0x0;
	s1 =	sshrl.u32 s1, $0x3  }
0x5c: {  	s1 =	ssub.s32 s1, s5  }
0x5d: {  	s2 =	sshll.u32 s1, $0x3;
	s1 =	sadd.s32 $0x600, s9  }
0x5e: {  	p1 =	slt.s32 s2, $0xF3C30;
	p2 =	slt.s32 s10, s1  }
0x5f: {  	s2 =	simm.s32 @!p1 $0xF3C30;
	s1 =	smov.u32 @p2 s10  }
0x60: {  	s28 =	ssub.s32 s1, s2  }
0x61: {  	s5 =	sadd.s32 $0xF, s28  }
0x62: {  	s29 =	sand.u32 $0xF, s5  }
0x63: {  	s30 =	sshra.s32 s5, $0x1F;
	p6 =	slt.s32 s5, $0x1;
	p5 =	sne.s32 s29, $0x0  }
0x64: {  	s6 =	sshrl.u32 s30, $0x1C;
	p1 =	por !p6, !p5  }
0x65: {  	s5 =	sadd.s32 s6, s5;
	s6 =	simm.s32 $0x1;
	p1 =	por !p1, !p1  }
0x66: {  	s5 =	sshra.s32 s5, $0x4;
	s6 =	simm.s32 @!p1 $0x0  }
0x67: {  	[dreg:$0x10] =	wrdreg s9;
	s9 =	ssub.s32 s5, s6  }
0x68: {  	p1 =	slt.s32 s9, $0x1  }
.Ltmp4:
0x69: {  	_ = 	snop;
	(pc) =	sbr.rel @p1 .LBB2_5-.Ltmp4, $4  }
0x6a: {  	s31 =	simm.s32 $0x6;
	[dreg:$0x11] =	wrdreg s10  }
0x6b: {  	s4 =	smul.u32 $0x2B00, s22;
	_ =	swait.ge [sflag:s31], $0xAC00  }
0x6c: {  	[sflag:s31] =	ssyncset.done $0x0  }
0x6d: {  	v6 =	vmov s4;
	[sflag:s31] =	ssyncadd.s32 $0xFFFF5400  }
0x6e: {  	v7 =	vbroadcast v7, $0x0;
	v8 =	vmov s1;
	s17 =	simm.s32 $0x15800;
	s18 =	simm.s32 $0x15E80  }
.LBB2_4:
0x6f: {  	v9 =	vld [tilespmem:s17+$0x0];
	_ =	sdelay $0x1  }
0x70: {  	v10 =	vadd.s32 s2, v0  }
0x71: {  	vm12 =	vge.s32 v10, v7;
	vm13 =	vlt.s32 v10, v8  }
0x72: {  	vm12 =	vmand vm12, vm13  }
0x73: {  	v9 =	vnsel vm12, $0xFFFFFFFF, v9  }
0x74: {  	v10 =	vsub.s32 v9, v6  }
0x75: {  	(v2sf) =	vpush v10, $0xD;
	_ =	sdelay $0x1  }
0x76: {  	(v2sf) =	vpush v10, $0xC;
	_ =	sdelay $0x1  }
0x77: {  	(v2sf) =	vpush v10, $0xE;
	_ =	sdelay $0x1  }
0x78: {  	(v2sf) =	vpush v10, $0xF;
	_ =	sdelay $0x1  }
0x79: {  	(v2sf) =	vpush v10, $0x9  }
0x7a: {  	(v2sf) =	vpush v10, $0x8  }
0x7b: {  	(v2sf) =	vpush v10, $0xA;
	_ =	sdelay $0x1  }
0x7c: {  	(v2sf) =	vpush v10, $0xB;
	_ =	sdelay $0x1  }
0x7d: {  	(v2sf) =	vpush v10, $0x0  }
0x7e: {  	s1 =	spop (v2sf)  }
0x7f: {  	(v2sf) =	vpush v10, $0x1;
	s4 =	smulhi.u32 $0x2FA0BE83, s1;
	s1 =	sshra.s32 s1, $0x1F  }
0x80: {  	s5 =	spop (v2sf);
	s1 =	smul.u32 $0x2FA0BE83, s1  }
0x81: {  	(v2sf) =	vpush v10, $0x2;
	s11 =	smulhi.u32 $0x2FA0BE83, s5;
	s5 =	sshra.s32 s5, $0x1F  }
0x82: {  	s6 =	spop (v2sf);
	s5 =	smul.u32 $0x2FA0BE83, s5  }
0x83: {  	(v2sf) =	vpush v10, $0x3;
	s14 =	smulhi.u32 $0x2FA0BE83, s6;
	s6 =	sshra.s32 s6, $0x1F  }
0x84: {  	(v2sf) =	vpush v10, $0x4;
	s13 =	spop (v2sf);
	s26 =	smul.u32 $0x2FA0BE83, s6  }
0x85: {  	[dreg:$0x19] =	wrdreg s2;
	(v2sf) =	vpush v10, $0x5;
	s28 =	smulhi.u32 $0x2FA0BE83, s13;
	s13 =	sshra.s32 s13, $0x1F  }
0x86: {  	(v2sf) =	vpush v10, $0x6;
	s19 =	spop (v2sf);
	s13 =	smul.u32 $0x2FA0BE83, s13  }
0x87: {  	(v2sf) =	vpush v10, $0x7;
	s3 =	spop (v2sf);
	s30 =	smulhi.u32 $0x2FA0BE83, s19;
	s19 =	sshra.s32 s19, $0x1F  }
0x88: {  	s20 =	spop (v2sf);
	s16 =	smul.u32 $0x2FA0BE83, s19  }
0x89: {  	s24 =	smulhi.u32 $0x2FA0BE83, s3;
	s6 =	sshra.s32 s3, $0x1F;
	s19 =	sadd.s32 s5, s11  }
0x8a: {  	s14 =	sadd.s32 s26, s14;
	s0 =	spop (v2sf);
	s2 =	smul.u32 $0x2FA0BE83, s6  }
0x8b: {  	s12 =	smulhi.u32 $0x2FA0BE83, s20;
	s7 =	sshra.s32 s20, $0x1F;
	s6 =	sadd.s32 s1, s4  }
0x8c: {  	s1 =	sadd.s32 s13, s28;
	s10 =	spop (v2sf);
	s21 =	smul.u32 $0x2FA0BE83, s7  }
0x8d: {  	s29 =	smulhi.u32 $0x2FA0BE83, s0;
	s0 =	sshra.s32 s0, $0x1F;
	s7 =	sshrl.u32 s19, $0x1F  }
0x8e: {  	s4 =	sadd.s32 s16, s30;
	s31 =	spop (v2sf);
	s0 =	smul.u32 $0x2FA0BE83, s0  }
0x8f: {  	s5 =	smulhi.u32 $0x2FA0BE83, s10;
	s8 =	sshra.s32 s10, $0x1F;
	s10 =	sshrl.u32 s6, $0x1F  }
0x90: {  	s6 =	sshra.s32 s6, $0xB;
	s25 =	spop (v2sf);
	s8 =	smul.u32 $0x2FA0BE83, s8  }
0x91: {  	s22 =	smulhi.u32 $0x2FA0BE83, s31;
	s11 =	sshra.s32 s31, $0x1F;
	s31 =	sshrl.u32 s14, $0x1F  }
0x92: {  	s13 =	sadd.s32 s21, s12;
	s3 =	spop (v2sf);
	s28 =	smul.u32 $0x2FA0BE83, s11  }
0x93: {  	s16 =	smulhi.u32 $0x2FA0BE83, s25;
	s26 =	sshra.s32 s25, $0x1F;
	s15 =	spop (v2sf)  }
0x94: {  	s11 =	sadd.s32 s2, s24;
	s30 =	smul.u32 $0x2FA0BE83, s26;
	s23 =	spop (v2sf)  }
0x95: {  	s12 =	smulhi.u32 $0x2FA0BE83, s3;
	s3 =	sshra.s32 s3, $0x1F;
	s20 =	spop (v2sf)  }
0x96: {  	s26 =	sadd.s32 s0, s29;
	s0 =	smul.u32 $0x2FA0BE83, s3;
	s24 =	spop (v2sf)  }
0x97: {  	s21 =	sshrl.u32 s4, $0x1F;
	s29 =	smulhi.u32 $0x2FA0BE83, s24;
	s3 =	sshra.s32 s24, $0x1F  }
0x98: {  	s25 =	sshrl.u32 s1, $0x1F;
	s1 =	sshra.s32 s1, $0xB;
	s3 =	smul.u32 $0x2FA0BE83, s3  }
0x99: {  	s5 =	sadd.s32 s8, s5;
	s22 =	sadd.s32 s28, s22;
	s2 =	sadd.s32 s30, s16  }
0x9a: {  	v12 =	vmov s7;
	s30 =	smulhi.u32 $0x2FA0BE83, s15;
	s15 =	sshra.s32 s15, $0x1F;
	s28 =	sadd.s32 s3, s29  }
0x9b: {  	v12 =	vsel vm2, s10, v12;
	s16 =	sshra.s32 s5, $0xB;
	s15 =	smul.u32 $0x2FA0BE83, s15;
	s8 =	sshra.s32 s28, $0x1F  }
0x9c: {  	v12 =	vsel vm3, s31, v12;
	s0 =	sadd.s32 s0, s12;
	s31 =	sshra.s32 s2, $0xB;
	s7 =	smulhi.u32 $0x2FA0BE83, s23;
	v11 =	vmov s8  }
0x9d: {  	vm13 =	vcmask $0x2724;
	s24 =	sshrl.u32 s11, $0x1F;
	s29 =	sshrl.u32 s5, $0x1F;
	s5 =	sshra.s32 s5, $0x1F;
	v11 =	vsel vm5, s16, v11  }
0x9e: {  	v12 =	vsel vm4, s25, v12;
	s25 =	sshra.s32 s0, $0xB;
	s12 =	sadd.s32 s15, s30;
	v14 =	vmov s24;
	s16 =	sshra.s32 s22, $0xB;
	v11 =	vsel vm15, s5, v11  }
0x9f: {  	s11 =	sshra.s32 s11, $0xB;
	v14 =	vsel vm2, s21, v14;
	s3 =	sshrl.u32 s13, $0x1F;
	v13 =	vmov s29;
	s29 =	sshra.s32 s22, $0x1F;
	v11 =	vsel vm2, s16, v11  }
0xa0: {  	s15 =	sshrl.u32 s26, $0x1F;
	s30 =	sshra.s32 s23, $0x1F;
	s23 =	sshrl.u32 s2, $0x1F;
	v15 =	vmov s11;
	v14 =	vsel vm3, s3, v14;
	v11 =	vsel vm0, s29, v11  }
0xa1: {  	s2 =	sshra.s32 s2, $0x1F;
	s10 =	smul.u32 $0x2FA0BE83, s30;
	s8 =	sshrl.u32 s22, $0x1F;
	v13 =	vnsel vm5, $0x0, v13;
	v14 =	vsel vm4, s15, v14;
	v11 =	vsel vm3, s31, v11  }
0xa2: {  	s30 =	smulhi.u32 $0x2FA0BE83, s20;
	s20 =	sshra.s32 s20, $0x1F;
	v13 =	vsel vm2, s8, v13;
	v12 =	vcombine.low v14, v12;
	s8 =	sshra.s32 s19, $0xB;
	v11 =	vsel vm11, s2, v11  }
0xa3: {  	s24 =	sshrl.u32 s12, $0x1F;
	v13 =	vsel vm3, s23, v13;
	v51 =	vmov s8;
	s16 =	sshrl.u32 s0, $0x1F;
	s0 =	sshra.s32 s0, $0x1F;
	v11 =	vsel vm4, s25, v11  }
0xa4: {  	s3 =	sshra.s32 s12, $0xB;
	s22 =	smul.u32 $0x2FA0BE83, s20;
	s20 =	sshra.s32 s14, $0xB;
	v14 =	vsel vm2, s6, v51;
	v13 =	vsel vm4, s16, v13;
	v11 =	vsel vm14, s0, v11  }
0xa5: {  	s15 =	sshra.s32 s12, $0x1F;
	s23 =	sadd.s32 s10, s7;
	s16 =	sshra.s32 s4, $0xB;
	v14 =	vsel vm3, s20, v14;
	v13 =	vsel vm6, s24, v13;
	v11 =	vsel vm6, s3, v11  }
0xa6: {  	s30 =	sadd.s32 s22, s30;
	s19 =	sshra.s32 s23, $0xB;
	s29 =	sshrl.u32 s23, $0x1F;
	v15 =	vsel vm2, s16, v15;
	v14 =	vsel vm4, s1, v14;
	v11 =	vsel vm13, s15, v11  }
0xa7: {  	s21 =	sshra.s32 s13, $0xB;
	s22 =	sshra.s32 s23, $0x1F;
	s31 =	sshrl.u32 s30, $0x1F;
	v13 =	vsel vm7, s29, v13;
	vm13 =	vcmask $0x2F2C;
	v11 =	vsel vm7, s19, v11  }
0xa8: {  	s23 =	sshra.s32 s26, $0xB;
	s24 =	sshra.s32 s30, $0xB;
	v15 =	vsel vm3, s21, v15;
	v13 =	vsel vm8, s31, v13;
	v11 =	vsel vm13, s22, v11  }
0xa9: {  	v16 =	vld [tilespmem:s18+$0x0];
	s29 =	sshra.s32 s30, $0x1F;
	s25 =	sshrl.u32 s28, $0x1F;
	v15 =	vsel vm4, s23, v15;
	vm13 =	vcmask $0x3734;
	v11 =	vsel vm8, s24, v11  }
0xaa: {  	s30 =	sshra.s32 s28, $0xB;
	v14 =	vcombine.low v15, v14;
	v13 =	vsel vm9, s25, v13;
	v11 =	vsel vm13, s29, v11  }
0xab: {  	v12 =	vperm.xlane v12, v3;
	v13 =	vperm.xlane v13, v4;
	v11 =	vsel vm9, s30, v11  }
0xac: {  	v14 =	vperm.xlane v14, v3;
	v11 =	vperm.xlane v11, v4;
	_ =	sdelay $0x1  }
0xad: {  	v52 =	vnsel vm12, $0x0, v16;
	v12 =	vsel vm10, v13, v12;
	v11 =	vsel vm10, v11, v14  }
0xae: {  	(xrf2) =	vadd.scan.msk.f32 $0xffff, v52;
	vm13 =	vne.s32 v9, v6;
	v11 =	vadd.s32 v12, v11  }
0xaf: {  	v53 =	vshra.s32 v10, $0x1F;
	v54 =	vsel vm13, $0x1, v5;
	v55 =	vmul.u32 $0xFFFFD500, v11  }
0xb0: {  	v56 =	vsub.s32 $0x0, v10;
	v12 =	vor.u32 v54, v53  }
0xb1: {  	[tilespmem:$0x18100] =	vst v9;
	s10 =	simm.s32 $0x18100;
	vm13 =	vne.s32 v12, $0x1;
	vm14 =	vne.s32 v55, v56  }
0xb2: {  	v57 =	vld.idx.msk [tilespmem:v1+s10+$0x0], $0xffff;
	vm13 =	vmand vm14, vm13  }
0xb3: {  	v58 =	vsel vm13, $0xFFFFFFFF, v5  }
0xb4: {  	v59 =	vld.idx.msk [tilespmem:v2+s10+$0x0], $0xffff;
	v11 =	vadd.s32 v58, v11  }
0xb5: {  	v60 =	vmul.u32 $0x3FFFD500, v11  }
0xb6: {  	vm14 =	vcmask $0x3F3C  }
0xb7: {  	vm13 =	vne.s32 v57, v9;
	v61 =	vshrl.u32 v11, $0x2;
	v10 =	vadd.s32 v10, v60  }
0xb8: {  	v62, _, _ =	vpop (xrf2);
	vm13 =	vmor vm13, vm14;
	v12 =	vmul.u32 $0xAC00, v61;
	v10 =	vshll.u32 v10, $0x2  }
0xb9: {  	[tilespmem:$0x18180] =	vst v62;
	s31 =	simm.s32 $0x18180;
	vm14 =	vne.s32 v59, v9;
	v11 =	vshll.u32 v11, $0x7;
	v10 =	vand.u32 $0xFFFFFE00, v10  }
0xba: {  	v63 =	vld.idx.msk [tilespmem:v2+s31+$0x0], $0xffff;
	v9 =	vand.u32 $0x7F, v9;
	v11 =	vand.u32 $0x180, v11;
	v10 =	vadd.s32 v12, v10  }
0xbb: {  	vm13 =	vmand vm12, vm13;
	vm14 =	vmor vm14, vm1;
	v10 =	vor.u32 v11, v10  }
0xbc: {  	vm12 =	vmand vm12, vm14;
	v9 =	vor.u32 v9, v10  }
0xbd: {  	p1 =	sne.s32 s9, $0x1  }
.Ltmp5:
0xbe: {  	vm14 =	veq.s32 v0, $0x0;
	(pc) =	sbr.rel @p1 .LBB2_4-.Ltmp5, $4  }
0xbf: {  	v10 =	vsel vm14, $0x0, v63  }
0xc0: {  	s7 =	simm.s32 $0x0;
	v10 =	vsub.f32 $0.0e+00, v10  }
0xc1: {  	s17 =	sadd.s32 $0x10, s17;
	s26 =	rddreg [dreg:$0x19];
	[tilespmem:v9+s7+$0x0] =	vst.idx.add.f32.msk vm13, v62  }
0xc2: {  	s18 =	sadd.s32 $0x10, s18;
	s9 =	sadd.s32 $0xFFFFFFFF, s9;
	s2 =	sadd.s32 $0x10, s26;
	vm14 =	vcmask $0x1F1C;
	[tilespmem:v9+s7+$0x0] =	vst.idx.add.f32.msk vm12, v10  }
.LBB2_5:
0xc3: {  	s0 =	rddreg [dreg:$0x10]  }
0xc4: {  	s1 =	rddreg [dreg:$0x11]  }
0xc5: {  	s0 =	ssub.s32 s1, s0  }
0xc6: {  	s1 =	sadd.s32 $0x5FF, s0  }
0xc7: {  	s2 =	smulhi.u32 $0x2AAAAAAB, s1;
	s3 =	sshra.s32 s1, $0x1F  }
0xc8: {  	s3 =	smul.u32 $0x2AAAAAAB, s3;
	_ =	sdelay $0x1  }
0xc9: {  	s2 =	sadd.s32 s3, s2  }
0xca: {  	s3 =	sshrl.u32 s2, $0x1F;
	s2 =	sshra.s32 s2, $0x8  }
0xcb: {  	s2 =	sadd.s32 s3, s2  }
0xcc: {  	s3 =	smul.u32 $0xFFFFFA00, s2  }
0xcd: {  	s0 =	ssub.s32 $0xFFFFFA01, s0  }
0xce: {  	p1 =	slt.s32 s1, $0x1;
	p2 =	sne.s32 s3, s0  }
0xcf: {  	p1 =	por !p1, !p2  }
0xd0: {  	s0 =	simm.s32 $0x1;
	p1 =	por !p1, !p1  }
0xd1: {  	s0 =	simm.s32 @!p1 $0x0  }
0xd2: {  	s0 =	ssub.s32 s2, s0  }
0xd3: {  	p1 =	slt.s32 s0, $0x2  }
.Ltmp6:
0xd4: {  	_ = 	snop;
	(pc) =	sbr.rel @p1 .LBB2_11-.Ltmp6, $2  }
0xd5: {  	_ =	sdelay $0x2  }
0xd6: {  	[dreg:$0x14] =	wrdreg s0  }
.Ltmp7:
0xd7: {  	(pc) =	sbr.rel .LBB2_7-.Ltmp7, $2  }
0xd8: {  	_ =	sdelay $0x2  }
0xd9: {  	s1 =	simm.s32 $0x1  }
.LBB2_10:
0xda: {  	s1 =	rddreg [dreg:$0x16]  }
0xdb: {  	s0 =	rddreg [dreg:$0x14];
	s1 =	sadd.s32 $0x1, s1  }
0xdc: {  	p1 =	sne.s32 s1, s0  }
.Ltmp8:
0xdd: {  	_ = 	snop;
	(pc) =	sbr.rel @!p1 .LBB2_11-.Ltmp8, $1  }
0xde: {  	_ =	sdelay $0x3  }
.LBB2_7:
0xdf: {  	s0 =	smul.u32 $0x600, s1  }
0xe0: {  	s21 =	rddreg [dreg:$0x10]  }
0xe1: {  	[dreg:$0x16] =	wrdreg s1;
	s1 =	sadd.s32 s21, s0  }
0xe2: {  	s0 =	sshra.s32 s1, $0x1F;
	p1 =	slt.s32 s1, $0x1  }
0xe3: {  	s0 =	sshrl.u32 s0, $0x1D;
	p1 =	por !p0, !p1  }
0xe4: {  	s2 =	simm.s32 $0x1;
	s0 =	sadd.s32 s0, s1;
	p1 =	por !p1, !p1  }
0xe5: {  	s0 =	sshrl.u32 s0, $0x3;
	s2 =	simm.s32 @!p1 $0x0  }
0xe6: {  	s0 =	ssub.s32 s0, s2  }
0xe7: {  	s30 =	sshll.u32 s0, $0x3  }
0xe8: {  	p1 =	slt.s32 s30, $0xF3C30  }
0xe9: {  	s30 =	simm.s32 @!p1 $0xF3C30  }
0xea: {  	s23 =	rddreg [dreg:$0x1];
	s22 =	sshrl.u32 s30, $0x3  }
0xeb: {  	s3 =	simm.s32 $0x17200;
	s24 =	simm.s32 $0x6;
	s2 =	sadd.s32 s23, s22  }
0xec: {  	[tilespmem:s3], [sflag:$0x6] =	stream.linear.gather [hbm4b:s2+s7], $0x610, $0x38;
	[tilespmem:$0x18200] =	vst v63  }
0xed: {  	_ =	swait.ge [sflag:s24], $0x610  }
0xee: {  	s4 =	sadd.s32 $0x600, s1;
	s2 =	rddreg [dreg:$0x11];
	[sflag:s24] =	ssyncset.done $0x0  }
0xef: {  	p1 =	slt.s32 s2, s4;
	[sflag:s24] =	ssyncadd.s32 $0xFFFFF9F0  }
0xf0: {  	s4 =	smov.u32 @p1 s2;
	s25 =	rddreg [dreg:$0x2]  }
0xf1: {  	s26 =	simm.s32 $0x17880;
	s0 =	sadd.s32 s25, s22;
	s28 =	ssub.s32 s4, s30  }
0xf2: {  	[tilespmem:s26], [sflag:$0x6] =	stream.linear.gather [hbm4b:s0+s7], $0x610, $0x38;
	[tilespmem:$0x18200] =	vst v63  }
0xf3: {  	s0 =	sadd.s32 $0xF, s28  }
0xf4: {  	s29 =	sand.u32 $0xF, s0  }
0xf5: {  	s31 =	sshra.s32 s0, $0x1F;
	p2 =	slt.s32 s0, $0x1;
	p6 =	sne.s32 s29, $0x0  }
0xf6: {  	s2 =	sshrl.u32 s31, $0x1C;
	p1 =	por !p2, !p6  }
0xf7: {  	s0 =	sadd.s32 s2, s0;
	s2 =	simm.s32 $0x1;
	p1 =	por !p1, !p1  }
0xf8: {  	s0 =	sshra.s32 s0, $0x4;
	s2 =	simm.s32 @!p1 $0x0  }
0xf9: {  	_ =	swait.ge [sflag:s24], $0x610;
	s17 =	ssub.s32 s0, s2  }
0xfa: {  	v7 =	vld [tilespmem:$0x1FFF0];
	p1 =	slt.s32 s17, $0x1  }
.Ltmp9:
0xfb: {  	_ = 	snop;
	(pc) =	sbr.rel @p1 .LBB2_10-.Ltmp9, $4  }
0xfc: {  	_ = 	snop  }
0xfd: {  	vm0 =	vcmask $0x704;
	vm11 =	vcmask $0xF0C;
	vm1 =	vcmask $0x1714  }
0xfe: {  	vm6 =	vcmask $0x300;
	vm7 =	vcmask $0x2320;
	vm8 =	vcmask $0x2B28;
	[sflag:s24] =	ssyncset.done $0x0  }
0xff: {  	vm9 =	vcmask $0x3330;
	vm15 =	vcmask $0x3B38;
	[sflag:s24] =	ssyncadd.s32 $0xFFFFF9F0;
	vm5 =	vnez.u8 v7  }
0x100: {  	v7 =	vmov s1;
	v8 =	vmov s4;
	s18 =	simm.s32 $0x17200;
	s1 =	simm.s32 $0x17880  }
.LBB2_9:
0x101: {  	v9 =	vld [tilespmem:s18+$0x0];
	_ =	sdelay $0x1  }
0x102: {  	v10 =	vadd.s32 s30, v0  }
0x103: {  	vm12 =	vge.s32 v10, v7;
	vm13 =	vlt.s32 v10, v8  }
0x104: {  	vm12 =	vmand vm12, vm13  }
0x105: {  	v9 =	vnsel vm12, $0xFFFFFFFF, v9  }
0x106: {  	v10 =	vsub.s32 v9, v6  }
0x107: {  	(v2sf) =	vpush v10, $0xD;
	_ =	sdelay $0x1  }
0x108: {  	(v2sf) =	vpush v10, $0xC;
	_ =	sdelay $0x1  }
0x109: {  	(v2sf) =	vpush v10, $0xE;
	_ =	sdelay $0x1  }
0x10a: {  	(v2sf) =	vpush v10, $0xF;
	_ =	sdelay $0x1  }
0x10b: {  	(v2sf) =	vpush v10, $0x9;
	_ =	sdelay $0x1  }
0x10c: {  	(v2sf) =	vpush v10, $0x8;
	_ =	sdelay $0x1  }
0x10d: {  	(v2sf) =	vpush v10, $0xA;
	_ =	sdelay $0x1  }
0x10e: {  	(v2sf) =	vpush v10, $0xB  }
0x10f: {  	(v2sf) =	vpush v10, $0x0;
	s0 =	spop (v2sf)  }
0x110: {  	(v2sf) =	vpush v10, $0x1;
	s2 =	smulhi.u32 $0x2FA0BE83, s0;
	s0 =	sshra.s32 s0, $0x1F  }
0x111: {  	s3 =	spop (v2sf);
	s0 =	smul.u32 $0x2FA0BE83, s0  }
0x112: {  	(v2sf) =	vpush v10, $0x2;
	s4 =	smulhi.u32 $0x2FA0BE83, s3;
	s3 =	sshra.s32 s3, $0x1F  }
0x113: {  	s5 =	spop (v2sf);
	s3 =	smul.u32 $0x2FA0BE83, s3  }
0x114: {  	s7 =	smulhi.u32 $0x2FA0BE83, s5;
	s5 =	sshra.s32 s5, $0x1F  }
0x115: {  	(v2sf) =	vpush v10, $0x3;
	s6 =	spop (v2sf);
	s11 =	smul.u32 $0x2FA0BE83, s5  }
0x116: {  	(v2sf) =	vpush v10, $0x4;
	s12 =	smulhi.u32 $0x2FA0BE83, s6;
	s6 =	sshra.s32 s6, $0x1F  }
0x117: {  	(v2sf) =	vpush v10, $0x5;
	s10 =	spop (v2sf);
	s6 =	smul.u32 $0x2FA0BE83, s6  }
0x118: {  	(v2sf) =	vpush v10, $0x6;
	s15 =	smulhi.u32 $0x2FA0BE83, s10;
	s10 =	sshra.s32 s10, $0x1F  }
0x119: {  	(v2sf) =	vpush v10, $0x7;
	s8 =	spop (v2sf);
	s10 =	smul.u32 $0x2FA0BE83, s10  }
0x11a: {  	s21 =	smulhi.u32 $0x2FA0BE83, s8;
	s5 =	sshra.s32 s8, $0x1F  }
0x11b: {  	s26 =	sadd.s32 s3, s4;
	s13 =	spop (v2sf);
	s23 =	smul.u32 $0x2FA0BE83, s5  }
0x11c: {  	s8 =	sshrl.u32 s26, $0x1F;
	s25 =	smulhi.u32 $0x2FA0BE83, s13;
	s9 =	sshra.s32 s13, $0x1F  }
0x11d: {  	s14 =	spop (v2sf);
	s6 =	sadd.s32 s6, s12;
	s28 =	smul.u32 $0x2FA0BE83, s9  }
0x11e: {  	s16 =	spop (v2sf);
	s31 =	smulhi.u32 $0x2FA0BE83, s14;
	s19 =	sshra.s32 s14, $0x1F  }
0x11f: {  	s14 =	sadd.s32 s0, s2;
	s20 =	spop (v2sf);
	s0 =	smul.u32 $0x2FA0BE83, s19  }
0x120: {  	s2 =	smulhi.u32 $0x2FA0BE83, s16;
	s19 =	sshra.s32 s16, $0x1F;
	s16 =	sshrl.u32 s14, $0x1F  }
0x121: {  	s14 =	sshra.s32 s14, $0xB;
	s22 =	spop (v2sf);
	s3 =	smul.u32 $0x2FA0BE83, s19  }
0x122: {  	s19 =	sadd.s32 s11, s7;
	s7 =	smulhi.u32 $0x2FA0BE83, s20;
	s20 =	sshra.s32 s20, $0x1F  }
0x123: {  	s11 =	sadd.s32 s10, s15;
	s15 =	sshrl.u32 s6, $0x1F;
	s4 =	sadd.s32 s28, s25  }
0x124: {  	s24 =	spop (v2sf);
	s9 =	sshrl.u32 s19, $0x1F;
	s12 =	smul.u32 $0x2FA0BE83, s20  }
0x125: {  	s10 =	smulhi.u32 $0x2FA0BE83, s22;
	s22 =	sshra.s32 s22, $0x1F;
	s13 =	spop (v2sf)  }
0x126: {  	s20 =	sadd.s32 s23, s21;
	s21 =	smul.u32 $0x2FA0BE83, s22;
	s29 =	spop (v2sf)  }
0x127: {  	s22 =	smulhi.u32 $0x2FA0BE83, s24;
	s25 =	sshra.s32 s24, $0x1F;
	s5 =	spop (v2sf)  }
0x128: {  	v12 =	vmov s8;
	s28 =	sadd.s32 s0, s31;
	s0 =	smul.u32 $0x2FA0BE83, s25;
	s24 =	spop (v2sf)  }
0x129: {  	v12 =	vsel vm2, s16, v12;
	s2 =	sadd.s32 s3, s2;
	s3 =	smulhi.u32 $0x2FA0BE83, s24;
	s23 =	sshra.s32 s24, $0x1F  }
0x12a: {  	v12 =	vsel vm3, s9, v12;
	s9 =	sshra.s32 s20, $0xB;
	s7 =	sadd.s32 s12, s7;
	s12 =	smul.u32 $0x2FA0BE83, s23  }
0x12b: {  	s25 =	smulhi.u32 $0x2FA0BE83, s13;
	s13 =	sshra.s32 s13, $0x1F;
	s10 =	sadd.s32 s21, s10  }
0x12c: {  	s31 =	smul.u32 $0x2FA0BE83, s13;
	s0 =	sadd.s32 s0, s22;
	s13 =	sadd.s32 s12, s3  }
0x12d: {  	s22 =	sshrl.u32 s28, $0x1F;
	s16 =	sshra.s32 s10, $0x1F;
	s12 =	sshra.s32 s13, $0x1F  }
0x12e: {  	s21 =	sadd.s32 s31, s25;
	s31 =	sshra.s32 s2, $0xB;
	s25 =	sshrl.u32 s2, $0x1F;
	v11 =	vmov s12  }
0x12f: {  	vm13 =	vcmask $0x2724;
	s2 =	sshra.s32 s2, $0x1F;
	s8 =	smulhi.u32 $0x2FA0BE83, s29;
	s29 =	sshra.s32 s29, $0x1F;
	v11 =	vsel vm6, s31, v11  }
0x130: {  	v12 =	vsel vm4, s15, v12;
	v15 =	vmov s9;
	s29 =	smul.u32 $0x2FA0BE83, s29;
	s23 =	sshrl.u32 s20, $0x1F;
	s31 =	sshra.s32 s7, $0xB;
	v11 =	vsel vm0, s2, v11  }
0x131: {  	v13 =	vmov s25;
	s24 =	sshrl.u32 s11, $0x1F;
	v14 =	vmov s23;
	s12 =	sshrl.u32 s7, $0x1F;
	s7 =	sshra.s32 s7, $0x1F;
	v11 =	vsel vm2, s31, v11  }
0x132: {  	s15 =	sshrl.u32 s0, $0x1F;
	v13 =	vnsel vm6, $0x0, v13;
	s3 =	sshrl.u32 s4, $0x1F;
	v14 =	vsel vm2, s24, v14;
	s31 =	sshra.s32 s10, $0xB;
	v11 =	vsel vm11, s7, v11  }
0x133: {  	s25 =	sshrl.u32 s10, $0x1F;
	s23 =	sadd.s32 s29, s8;
	s8 =	sshra.s32 s26, $0xB;
	v14 =	vsel vm3, s3, v14;
	v13 =	vsel vm2, s12, v13;
	v11 =	vsel vm3, s31, v11  }
0x134: {  	v14 =	vsel vm4, s22, v14;
	s12 =	smulhi.u32 $0x2FA0BE83, s5;
	s5 =	sshra.s32 s5, $0x1F;
	v13 =	vsel vm3, s25, v13;
	s25 =	sshra.s32 s0, $0xB;
	v11 =	vsel vm1, s16, v11  }
0x135: {  	s20 =	sshra.s32 s19, $0xB;
	v51 =	vmov s8;
	v12 =	vcombine.low v14, v12;
	s5 =	smul.u32 $0x2FA0BE83, s5;
	s0 =	sshra.s32 s0, $0x1F;
	v11 =	vsel vm4, s25, v11  }
0x136: {  	s24 =	sshrl.u32 s21, $0x1F;
	s29 =	sshrl.u32 s23, $0x1F;
	v14 =	vsel vm2, s14, v51;
	v13 =	vsel vm4, s15, v13;
	s7 =	sshra.s32 s21, $0xB;
	v11 =	vsel vm14, s0, v11  }
0x137: {  	v14 =	vsel vm3, s20, v14;
	s15 =	sshra.s32 s11, $0xB;
	v13 =	vsel vm7, s24, v13;
	s5 =	sadd.s32 s5, s12;
	s12 =	sshra.s32 s21, $0x1F;
	v11 =	vsel vm7, s7, v11  }
0x138: {  	v15 =	vsel vm2, s15, v15;
	s21 =	sshra.s32 s4, $0xB;
	v13 =	vsel vm8, s29, v13;
	s16 =	sshra.s32 s23, $0xB;
	v11 =	vsel vm13, s12, v11  }
0x139: {  	s22 =	sshra.s32 s23, $0x1F;
	s24 =	sshra.s32 s28, $0xB;
	s31 =	sshrl.u32 s5, $0x1F;
	v15 =	vsel vm3, s21, v15;
	vm13 =	vcmask $0x2F2C;
	v11 =	vsel vm8, s16, v11  }
0x13a: {  	v13 =	vsel vm9, s31, v13;
	s23 =	sshra.s32 s6, $0xB;
	v15 =	vsel vm4, s24, v15;
	s25 =	sshra.s32 s5, $0xB;
	v11 =	vsel vm13, s22, v11  }
0x13b: {  	v16 =	vld [tilespmem:s1+$0x0];
	s26 =	sshrl.u32 s13, $0x1F;
	s28 =	sshra.s32 s5, $0x1F;
	v14 =	vsel vm4, s23, v14;
	vm13 =	vcmask $0x3734;
	v11 =	vsel vm9, s25, v11  }
0x13c: {  	s29 =	sshra.s32 s13, $0xB;
	v13 =	vsel vm15, s26, v13;
	v14 =	vcombine.low v15, v14;
	v11 =	vsel vm13, s28, v11  }
0x13d: {  	v12 =	vperm.xlane v12, v3;
	v13 =	vperm.xlane v13, v4;
	v11 =	vsel vm15, s29, v11  }
0x13e: {  	v14 =	vperm.xlane v14, v3;
	v11 =	vperm.xlane v11, v4;
	_ =	sdelay $0x1  }
0x13f: {  	v52 =	vnsel vm12, $0x0, v16;
	v12 =	vsel vm10, v13, v12;
	v11 =	vsel vm10, v11, v14  }
0x140: {  	(xrf2) =	vadd.scan.msk.f32 $0xffff, v52;
	vm13 =	vne.s32 v9, v6;
	v11 =	vadd.s32 v12, v11  }
0x141: {  	v53 =	vshra.s32 v10, $0x1F;
	v54 =	vsel vm13, $0x1, v5;
	v55 =	vmul.u32 $0xFFFFD500, v11  }
0x142: {  	v56 =	vsub.s32 $0x0, v10;
	v12 =	vor.u32 v54, v53  }
0x143: {  	[tilespmem:$0x18100] =	vst v9;
	s10 =	simm.s32 $0x18100;
	vm13 =	vne.s32 v12, $0x1;
	vm14 =	vne.s32 v55, v56  }
0x144: {  	v57 =	vld.idx.msk [tilespmem:v1+s10+$0x0], $0xffff;
	vm13 =	vmand vm14, vm13  }
0x145: {  	v58 =	vsel vm13, $0xFFFFFFFF, v5  }
0x146: {  	v59 =	vld.idx.msk [tilespmem:v2+s10+$0x0], $0xffff;
	v11 =	vadd.s32 v58, v11  }
0x147: {  	v60 =	vmul.u32 $0x3FFFD500, v11  }
0x148: {  	vm14 =	vcmask $0x3F3C  }
0x149: {  	vm13 =	vne.s32 v57, v9;
	v61 =	vshrl.u32 v11, $0x2;
	v10 =	vadd.s32 v10, v60  }
0x14a: {  	v62, _, _ =	vpop (xrf2);
	vm13 =	vmor vm13, vm14;
	v12 =	vmul.u32 $0xAC00, v61;
	v10 =	vshll.u32 v10, $0x2  }
0x14b: {  	[tilespmem:$0x18180] =	vst v62;
	s31 =	simm.s32 $0x18180;
	vm14 =	vne.s32 v59, v9;
	v11 =	vshll.u32 v11, $0x7;
	v10 =	vand.u32 $0xFFFFFE00, v10  }
0x14c: {  	v63 =	vld.idx.msk [tilespmem:v2+s31+$0x0], $0xffff;
	v9 =	vand.u32 $0x7F, v9;
	v11 =	vand.u32 $0x180, v11;
	v10 =	vadd.s32 v12, v10  }
0x14d: {  	vm13 =	vmand vm12, vm13;
	vm14 =	vmor vm14, vm5;
	v10 =	vor.u32 v11, v10  }
0x14e: {  	vm12 =	vmand vm12, vm14;
	v9 =	vor.u32 v9, v10  }
0x14f: {  	p1 =	sne.s32 s17, $0x1  }
.Ltmp10:
0x150: {  	vm14 =	veq.s32 v0, $0x0;
	(pc) =	sbr.rel @p1 .LBB2_9-.Ltmp10, $4  }
0x151: {  	v10 =	vsel vm14, $0x0, v63  }
0x152: {  	s7 =	simm.s32 $0x0;
	v10 =	vsub.f32 $0.0e+00, v10  }
0x153: {  	s18 =	sadd.s32 $0x10, s18;
	[tilespmem:v9+s7+$0x0] =	vst.idx.add.f32.msk vm13, v62  }
0x154: {  	s1 =	sadd.s32 $0x10, s1;
	s30 =	sadd.s32 $0x10, s30;
	s17 =	sadd.s32 $0xFFFFFFFF, s17;
	vm14 =	vcmask $0x1F1C;
	[tilespmem:v9+s7+$0x0] =	vst.idx.add.f32.msk vm12, v10  }
.Ltmp11:
0x155: {  	_ = 	snop;
	(pc) =	sbr.rel .LBB2_10-.Ltmp11, $1  }
0x156: {  	_ =	sdelay $0x3  }
.LBB2_11:
0x157: {  	s0 =	rddreg [dreg:$0x4]  }
0x158: {  	s1 =	rddreg [dreg:$0x12];
	s5 =	simm.s32 $0x400  }
0x159: {  	s6 =	simm.s32 $0x200;
	s16 =	simm.s32 $0x6;
	s0 =	sadd.s32 s0, s1  }
0x15a: {  	[hbm4b:s0+s6] =	stream.strided.scatter [tilespmem:s7], [sflag:$0x6], $0xAC00, s5, s6, $0x38;
	[tilespmem:$0x18200] =	vst v63  }
0x15b: {  	_ =	swait.ge [sflag:s16], $0xAC00  }
0x15c: {  	[sflag:s16] =	ssyncset.done $0x0  }
0x15d: {  	s17 =	rddreg [dreg:$0xd];
	[sflag:s16] =	ssyncadd.s32 $0xFFFF5400  }
0x15e: {  	s18 =	rddreg [dreg:$0xa];
	v7 =	vld [tilespmem:s17+$0x17F00]  }
0x15f: {  	s0 =	rddreg [dreg:$0xc];
	p0 =	seq.s32 s18, $0xF  }
0x160: {  	v6 =	vld @!p0 [tilespmem:s0+$0x17F20];
	_ =	sdelay $0x2  }
0x161: {  	(v2sf) =	vpush v7, $0x0  }
0x162: {  	(v2sf) =	vpush v7, $0x1  }
0x163: {  	(v2sf) =	vpush @!p0 v6, $0x0;
	_ =	sdelay $0xc  }
0x164: {  	s9 =	spop (v2sf)  }
0x165: {  	s11 =	spop (v2sf)  }
0x166: {  	s1 =	spop @!p0 (v2sf)  }
0x167: {  	s2 =	sand.u32 @!p0 $0x7, s1  }
0x168: {  	p1 =	slt.s32 @!p0 s1, $0x1;
	p2 =	sne.s32 @!p0 s2, $0x0  }
0x169: {  	s2 =	sshra.s32 @!p0 s1, $0x1F;
	p1 =	por @!p0 !p1, !p2  }
0x16a: {  	s2 =	sshrl.u32 @!p0 s2, $0x1D;
	p1 =	por @!p0 !p1, !p1  }
0x16b: {  	s1 =	sadd.s32 @!p0 s2, s1;
	s2 =	simm.s32 @!p0 $0x1;
	p1 =	por !p1, p0  }
0x16c: {  	s1 =	sshrl.u32 @!p0 s1, $0x3;
	s2 =	simm.s32 @p1 $0x0  }
0x16d: {  	s1 =	ssub.s32 @!p0 s1, s2  }
0x16e: {  	s1 =	sshll.u32 @!p0 s1, $0x3  }
0x16f: {  	p1 =	slt.s32 @!p0 s1, $0xF3C30  }
0x170: {  	p1 =	por !p1, p0  }
0x171: {  	s1 =	simm.s32 @p1 $0xF3C30  }
0x172: {  	s0 =	rddreg [dreg:$0x1];
	s3 =	simm.s32 @!p0 $0x0;
	s1 =	sshrl.u32 @!p0 s1, $0x3  }
0x173: {  	s4 =	simm.s32 @!p0 $0x15800;
	s2 =	sadd.s32 @!p0 s0, s1;
	s0 =	rddreg [dreg:$0x2]  }
0x174: {  	[tilespmem:s4], [sflag:$0x1] =	stream.linear.gather @!p0 [hbm4b:s2+s3], $0x610, $0x38;
	[tilespmem:$0x18200] =	vst v63  }
0x175: {  	s21 =	simm.s32 $0x2;
	s1 =	sadd.s32 @!p0 s0, s1;
	s2 =	simm.s32 @!p0 $0x15E80  }
0x176: {  	[tilespmem:s2], [sflag:$0x3] =	stream.linear.gather @!p0 [hbm4b:s1+s3], $0x610, $0x38;
	[tilespmem:$0x18200] =	vst v63  }
0x177: {  	s24 =	simm.s32 $0x4;
	s19 =	rddreg [dreg:$0xb];
	_ =	swait.ge [sflag:s21], $0x610  }
0x178: {  	s20 =	sshll.u32 s19, $0x2;
	s22 =	rddreg [dreg:$0x6];
	[sflag:s21] =	ssyncset.done $0x0  }
0x179: {  	s10 =	simm.s32 $0xAC00;
	s23 =	sadd.s32 s22, s20;
	[sflag:s21] =	ssyncadd.s32 $0xFFFFF9F0  }
0x17a: {  	s25 =	sand.u32 $0x7, s9;
	s1 =	sshrl.u32 s23, $0x3;
	_ =	swait.ge [sflag:s24], $0x610  }
0x17b: {  	s26 =	sshra.s32 s9, $0x1F;
	s1 =	smul.u32 $0x2B00, s1;
	[sflag:s24] =	ssyncset.done $0x0  }
0x17c: {  	p4 =	slt.s32 s9, $0x1;
	s28 =	sshrl.u32 s26, $0x1D;
	[sflag:s24] =	ssyncadd.s32 $0xFFFFF9F0  }
0x17d: {  	p0 =	sne.s32 s25, $0x0;
	s1 =	sor.u32 $0x40, s1;
	s0 =	rddreg [dreg:$0x0]  }
0x17e: {  	p1 =	por !p4, !p0;
	[dreg:$0x13] =	wrdreg s1;
	s1 =	sadd.s32 s0, s1  }
0x17f: {  	[tilespmem:s10], [sflag:$0x6] =	stream.strided.gather [hbm4b:s1+s6], $0xAC00, s5, s6, $0x38;
	[tilespmem:$0x18200] =	vst v63  }
0x180: {  	s3 =	simm.s32 $0x1;
	p1 =	por !p1, !p1;
	s1 =	sadd.s32 s28, s9  }
0x181: {  	s3 =	simm.s32 @!p1 $0x0;
	s1 =	sshrl.u32 s1, $0x3  }
0x182: {  	s1 =	ssub.s32 s1, s3  }
0x183: {  	s8 =	sshll.u32 s1, $0x3;
	s1 =	sadd.s32 $0x600, s9  }
0x184: {  	p1 =	slt.s32 s8, $0xF3C30;
	p2 =	slt.s32 s11, s1  }
0x185: {  	s8 =	simm.s32 @!p1 $0xF3C30;
	s1 =	smov.u32 @p2 s11  }
0x186: {  	s29 =	ssub.s32 s1, s8  }
0x187: {  	s3 =	sadd.s32 $0xF, s29  }
0x188: {  	s30 =	sand.u32 $0xF, s3  }
0x189: {  	s31 =	sshra.s32 s3, $0x1F;
	p6 =	slt.s32 s3, $0x1;
	p5 =	sne.s32 s30, $0x0  }
0x18a: {  	[dreg:$0xe] =	wrdreg s9;
	s4 =	sshrl.u32 s31, $0x1C;
	p1 =	por !p6, !p5  }
0x18b: {  	s3 =	sadd.s32 s4, s3;
	s4 =	simm.s32 $0x1;
	p1 =	por !p1, !p1  }
0x18c: {  	[dreg:$0xf] =	wrdreg s11;
	s3 =	sshra.s32 s3, $0x4;
	s4 =	simm.s32 @!p1 $0x0  }
0x18d: {  	_ =	swait.ge [sflag:s16], $0xAC00;
	s9 =	ssub.s32 s3, s4  }
0x18e: {  	v8 =	vld [tilespmem:$0x1FFF0];
	p1 =	slt.s32 s9, $0x1  }
.Ltmp12:
0x18f: {  	_ = 	snop;
	(pc) =	sbr.rel @p1 .LBB2_14-.Ltmp12, $4  }
0x190: {  	vm0 =	vcmask $0x704  }
0x191: {  	vm11 =	vcmask $0xF0C;
	vm1 =	vcmask $0x1714;
	vm6 =	vcmask $0x300;
	s2 =	smul.u32 $0x2B00, s23  }
0x192: {  	vm7 =	vcmask $0x2320;
	vm8 =	vcmask $0x2B28;
	vm9 =	vcmask $0x3330;
	[sflag:s16] =	ssyncset.done $0x0  }
0x193: {  	vm15 =	vcmask $0x3B38;
	v6 =	vmov s2;
	[sflag:s16] =	ssyncadd.s32 $0xFFFF5400;
	vm5 =	vnez.u8 v8  }
0x194: {  	v7 =	vbroadcast v7, $0x0;
	v8 =	vmov s1;
	s12 =	simm.s32 $0x16500;
	s1 =	simm.s32 $0x16B80  }
.LBB2_13:
0x195: {  	v9 =	vld [tilespmem:s12+$0x0];
	_ =	sdelay $0x1  }
0x196: {  	v10 =	vadd.s32 s8, v0  }
0x197: {  	vm12 =	vge.s32 v10, v7;
	vm13 =	vlt.s32 v10, v8  }
0x198: {  	vm12 =	vmand vm12, vm13  }
0x199: {  	v9 =	vnsel vm12, $0xFFFFFFFF, v9  }
0x19a: {  	v10 =	vsub.s32 v9, v6  }
0x19b: {  	(v2sf) =	vpush v10, $0xD;
	_ =	sdelay $0x1  }
0x19c: {  	(v2sf) =	vpush v10, $0xC;
	_ =	sdelay $0x1  }
0x19d: {  	(v2sf) =	vpush v10, $0xE;
	_ =	sdelay $0x1  }
0x19e: {  	(v2sf) =	vpush v10, $0xF;
	_ =	sdelay $0x1  }
0x19f: {  	(v2sf) =	vpush v10, $0x9;
	_ =	sdelay $0x1  }
0x1a0: {  	(v2sf) =	vpush v10, $0x8;
	_ =	sdelay $0x1  }
0x1a1: {  	(v2sf) =	vpush v10, $0xA;
	_ =	sdelay $0x1  }
0x1a2: {  	(v2sf) =	vpush v10, $0xB  }
0x1a3: {  	s2 =	spop (v2sf)  }
0x1a4: {  	(v2sf) =	vpush v10, $0x0;
	s3 =	smulhi.u32 $0x2FA0BE83, s2;
	s2 =	sshra.s32 s2, $0x1F  }
0x1a5: {  	(v2sf) =	vpush v10, $0x1;
	s4 =	spop (v2sf);
	s2 =	smul.u32 $0x2FA0BE83, s2  }
0x1a6: {  	s6 =	smulhi.u32 $0x2FA0BE83, s4;
	s4 =	sshra.s32 s4, $0x1F  }
0x1a7: {  	s7 =	spop (v2sf);
	s4 =	smul.u32 $0x2FA0BE83, s4  }
0x1a8: {  	(v2sf) =	vpush v10, $0x2;
	s13 =	smulhi.u32 $0x2FA0BE83, s7;
	s7 =	sshra.s32 s7, $0x1F  }
0x1a9: {  	(v2sf) =	vpush v10, $0x3;
	s11 =	spop (v2sf);
	s7 =	smul.u32 $0x2FA0BE83, s7  }
0x1aa: {  	(v2sf) =	vpush v10, $0x4;
	s17 =	smulhi.u32 $0x2FA0BE83, s11;
	s11 =	sshra.s32 s11, $0x1F  }
0x1ab: {  	(v2sf) =	vpush v10, $0x5;
	s14 =	spop (v2sf);
	s11 =	smul.u32 $0x2FA0BE83, s11  }
0x1ac: {  	(v2sf) =	vpush v10, $0x6;
	s18 =	smulhi.u32 $0x2FA0BE83, s14;
	s14 =	sshra.s32 s14, $0x1F  }
0x1ad: {  	(v2sf) =	vpush v10, $0x7;
	s15 =	spop (v2sf);
	s21 =	smul.u32 $0x2FA0BE83, s14  }
0x1ae: {  	s23 =	smulhi.u32 $0x2FA0BE83, s15;
	s30 =	sshra.s32 s15, $0x1F  }
0x1af: {  	s16 =	spop (v2sf);
	s14 =	sadd.s32 s2, s3;
	s25 =	smul.u32 $0x2FA0BE83, s30  }
0x1b0: {  	s15 =	sadd.s32 s7, s13;
	s28 =	smulhi.u32 $0x2FA0BE83, s16;
	s31 =	sshra.s32 s16, $0x1F  }
0x1b1: {  	s19 =	spop (v2sf);
	s16 =	sadd.s32 s4, s6;
	s30 =	smul.u32 $0x2FA0BE83, s31  }
0x1b2: {  	s6 =	sadd.s32 s11, s17;
	s5 =	smulhi.u32 $0x2FA0BE83, s19;
	s0 =	sshra.s32 s19, $0x1F  }
0x1b3: {  	s20 =	spop (v2sf);
	s11 =	sadd.s32 s21, s18;
	s2 =	smul.u32 $0x2FA0BE83, s0  }
0x1b4: {  	s22 =	spop (v2sf);
	s3 =	smulhi.u32 $0x2FA0BE83, s20;
	s10 =	sshra.s32 s20, $0x1F  }
0x1b5: {  	s20 =	sshrl.u32 s14, $0x1F;
	s0 =	sshrl.u32 s16, $0x1F;
	s10 =	smul.u32 $0x2FA0BE83, s10  }
0x1b6: {  	s18 =	sadd.s32 s25, s23;
	s7 =	smulhi.u32 $0x2FA0BE83, s22;
	s13 =	sshra.s32 s22, $0x1F  }
0x1b7: {  	s24 =	spop (v2sf);
	s22 =	sshrl.u32 s15, $0x1F;
	s13 =	smul.u32 $0x2FA0BE83, s13  }
0x1b8: {  	s26 =	spop (v2sf);
	s21 =	smulhi.u32 $0x2FA0BE83, s24;
	s17 =	sshra.s32 s24, $0x1F  }
0x1b9: {  	s4 =	sadd.s32 s30, s28;
	s29 =	spop (v2sf);
	s23 =	smul.u32 $0x2FA0BE83, s17  }
0x1ba: {  	s25 =	smulhi.u32 $0x2FA0BE83, s26;
	s26 =	sshra.s32 s26, $0x1F;
	s31 =	spop (v2sf)  }
0x1bb: {  	s17 =	sadd.s32 s2, s5;
	s2 =	smul.u32 $0x2FA0BE83, s26;
	s19 =	spop (v2sf)  }
0x1bc: {  	s21 =	sadd.s32 s23, s21;
	s23 =	smulhi.u32 $0x2FA0BE83, s29;
	s28 =	spop (v2sf)  }
0x1bd: {  	s3 =	sadd.s32 s10, s3;
	s10 =	smulhi.u32 $0x2FA0BE83, s28;
	s5 =	sshra.s32 s28, $0x1F  }
0x1be: {  	s24 =	sshrl.u32 s6, $0x1F;
	s30 =	sshra.s32 s29, $0x1F;
	s5 =	smul.u32 $0x2FA0BE83, s5  }
0x1bf: {  	v12 =	vmov s0;
	s26 =	sshrl.u32 s11, $0x1F;
	s7 =	sadd.s32 s13, s7;
	s29 =	smul.u32 $0x2FA0BE83, s30  }
0x1c0: {  	v12 =	vsel vm2, s20, v12;
	s30 =	sshrl.u32 s3, $0x1F;
	s2 =	sadd.s32 s2, s25;
	s13 =	sadd.s32 s5, s10  }
0x1c1: {  	v12 =	vsel vm3, s22, v12;
	s25 =	sshrl.u32 s17, $0x1F;
	s22 =	sshrl.u32 s21, $0x1F;
	s10 =	sshra.s32 s13, $0x1F  }
0x1c2: {  	s23 =	sadd.s32 s29, s23;
	s29 =	sshra.s32 s3, $0xB;
	s3 =	sshra.s32 s3, $0x1F;
	v11 =	vmov s10  }
0x1c3: {  	v13 =	vmov s30;
	s0 =	smulhi.u32 $0x2FA0BE83, s31;
	s30 =	sshra.s32 s31, $0x1F;
	s31 =	sshra.s32 s7, $0xB;
	v11 =	vsel vm6, s29, v11  }
0x1c4: {  	vm13 =	vcmask $0x2724;
	v12 =	vsel vm4, s24, v12;
	s20 =	smul.u32 $0x2FA0BE83, s30;
	s30 =	sshrl.u32 s2, $0x1F;
	s28 =	sshrl.u32 s18, $0x1F;
	v11 =	vsel vm0, s3, v11  }
0x1c5: {  	v13 =	vnsel vm6, $0x0, v13;
	v14 =	vmov s28;
	s5 =	sshrl.u32 s4, $0x1F;
	s29 =	sshrl.u32 s7, $0x1F;
	s7 =	sshra.s32 s7, $0x1F;
	v11 =	vsel vm2, s31, v11  }
0x1c6: {  	v14 =	vsel vm2, s26, v14;
	s10 =	smulhi.u32 $0x2FA0BE83, s19;
	s19 =	sshra.s32 s19, $0x1F;
	v13 =	vsel vm2, s29, v13;
	s29 =	sshra.s32 s21, $0xB;
	v11 =	vsel vm11, s7, v11  }
0x1c7: {  	s0 =	sadd.s32 s20, s0;
	v14 =	vsel vm3, s5, v14;
	v13 =	vsel vm3, s22, v13;
	s31 =	smul.u32 $0x2FA0BE83, s19;
	s22 =	sshra.s32 s21, $0x1F;
	v11 =	vsel vm3, s29, v11  }
0x1c8: {  	s24 =	sshrl.u32 s23, $0x1F;
	s26 =	sshra.s32 s2, $0xB;
	s28 =	sshrl.u32 s0, $0x1F;
	v14 =	vsel vm4, s25, v14;
	v13 =	vsel vm4, s30, v13;
	v11 =	vsel vm1, s22, v11  }
0x1c9: {  	s2 =	sshra.s32 s2, $0x1F;
	v12 =	vcombine.low v14, v12;
	s7 =	sshra.s32 s16, $0xB;
	v13 =	vsel vm7, s24, v13;
	s29 =	sadd.s32 s31, s10;
	v11 =	vsel vm4, s26, v11  }
0x1ca: {  	s31 =	sshra.s32 s23, $0xB;
	s10 =	sshra.s32 s18, $0xB;
	s18 =	sshra.s32 s14, $0xB;
	v51 =	vmov s7;
	v13 =	vsel vm8, s28, v13;
	v11 =	vsel vm14, s2, v11  }
0x1cb: {  	s19 =	sshra.s32 s11, $0xB;
	s16 =	sshra.s32 s23, $0x1F;
	s30 =	sshrl.u32 s29, $0x1F;
	v15 =	vmov s10;
	v14 =	vsel vm2, s18, v51;
	v11 =	vsel vm7, s31, v11  }
0x1cc: {  	s20 =	sshra.s32 s0, $0xB;
	s22 =	sshra.s32 s15, $0xB;
	v13 =	vsel vm9, s30, v13;
	v15 =	vsel vm2, s19, v15;
	v11 =	vsel vm13, s16, v11  }
0x1cd: {  	s0 =	sshra.s32 s0, $0x1F;
	s23 =	sshra.s32 s4, $0xB;
	s24 =	sshra.s32 s6, $0xB;
	v14 =	vsel vm3, s22, v14;
	vm13 =	vcmask $0x2F2C;
	v11 =	vsel vm8, s20, v11  }
0x1ce: {  	s25 =	sshra.s32 s17, $0xB;
	s26 =	sshra.s32 s29, $0xB;
	v15 =	vsel vm3, s23, v15;
	v14 =	vsel vm4, s24, v14;
	v11 =	vsel vm13, s0, v11  }
0x1cf: {  	v16 =	vld [tilespmem:s1+$0x0];
	s28 =	sshrl.u32 s13, $0x1F;
	s29 =	sshra.s32 s29, $0x1F;
	v15 =	vsel vm4, s25, v15;
	vm13 =	vcmask $0x3734;
	v11 =	vsel vm9, s26, v11  }
0x1d0: {  	s30 =	sshra.s32 s13, $0xB;
	v13 =	vsel vm15, s28, v13;
	v14 =	vcombine.low v15, v14;
	v11 =	vsel vm13, s29, v11  }
0x1d1: {  	v12 =	vperm.xlane v12, v3;
	v13 =	vperm.xlane v13, v4;
	v11 =	vsel vm15, s30, v11  }
0x1d2: {  	v14 =	vperm.xlane v14, v3;
	v11 =	vperm.xlane v11, v4;
	_ =	sdelay $0x1  }
0x1d3: {  	v52 =	vnsel vm12, $0x0, v16;
	v12 =	vsel vm10, v13, v12;
	v11 =	vsel vm10, v11, v14  }
0x1d4: {  	(xrf2) =	vadd.scan.msk.f32 $0xffff, v52;
	vm13 =	vne.s32 v9, v6;
	v11 =	vadd.s32 v12, v11  }
0x1d5: {  	v53 =	vshra.s32 v10, $0x1F;
	v54 =	vsel vm13, $0x1, v5;
	v55 =	vmul.u32 $0xFFFFD500, v11  }
0x1d6: {  	v56 =	vsub.s32 $0x0, v10;
	v12 =	vor.u32 v54, v53  }
0x1d7: {  	[tilespmem:$0x18100] =	vst v9;
	s21 =	simm.s32 $0x18100;
	vm13 =	vne.s32 v12, $0x1;
	vm14 =	vne.s32 v55, v56  }
0x1d8: {  	v57 =	vld.idx.msk [tilespmem:v1+s21+$0x0], $0xffff;
	vm13 =	vmand vm14, vm13  }
0x1d9: {  	v58 =	vsel vm13, $0xFFFFFFFF, v5  }
0x1da: {  	v59 =	vld.idx.msk [tilespmem:v2+s21+$0x0], $0xffff;
	v11 =	vadd.s32 v58, v11  }
0x1db: {  	v60 =	vmul.u32 $0x3FFFD500, v11  }
0x1dc: {  	vm14 =	vcmask $0x3F3C  }
0x1dd: {  	vm13 =	vne.s32 v57, v9;
	v61 =	vshrl.u32 v11, $0x2;
	v10 =	vadd.s32 v10, v60  }
0x1de: {  	v62, _, _ =	vpop (xrf2);
	vm13 =	vmor vm13, vm14;
	v12 =	vmul.u32 $0xAC00, v61;
	v10 =	vshll.u32 v10, $0x2  }
0x1df: {  	[tilespmem:$0x18180] =	vst v62;
	s31 =	simm.s32 $0x18180;
	vm14 =	vne.s32 v59, v9;
	v11 =	vshll.u32 v11, $0x7;
	v10 =	vand.u32 $0xFFFFFE00, v10  }
0x1e0: {  	v63 =	vld.idx.msk [tilespmem:v2+s31+$0x0], $0xffff;
	v9 =	vand.u32 $0x7F, v9;
	v11 =	vand.u32 $0x180, v11;
	v10 =	vadd.s32 v12, v10  }
0x1e1: {  	vm13 =	vmand vm12, vm13;
	vm14 =	vmor vm14, vm5;
	v10 =	vor.u32 v11, v10  }
0x1e2: {  	vm12 =	vmand vm12, vm14;
	v9 =	vor.u32 v9, v10  }
0x1e3: {  	p1 =	sne.s32 s9, $0x1  }
.Ltmp13:
0x1e4: {  	vm14 =	veq.s32 v0, $0x0;
	(pc) =	sbr.rel @p1 .LBB2_13-.Ltmp13, $4  }
0x1e5: {  	v10 =	vsel vm14, $0x0, v63  }
0x1e6: {  	s10 =	simm.s32 $0xAC00;
	v10 =	vsub.f32 $0.0e+00, v10  }
0x1e7: {  	s12 =	sadd.s32 $0x10, s12;
	[tilespmem:v9+s10+$0x0] =	vst.idx.add.f32.msk vm13, v62  }
0x1e8: {  	s1 =	sadd.s32 $0x10, s1;
	s8 =	sadd.s32 $0x10, s8;
	s9 =	sadd.s32 $0xFFFFFFFF, s9;
	vm14 =	vcmask $0x1F1C;
	[tilespmem:v9+s10+$0x0] =	vst.idx.add.f32.msk vm12, v10  }
.LBB2_14:
0x1e9: {  	s0 =	rddreg [dreg:$0xe]  }
0x1ea: {  	s1 =	rddreg [dreg:$0xf]  }
0x1eb: {  	s0 =	ssub.s32 s1, s0  }
0x1ec: {  	s1 =	sadd.s32 $0x5FF, s0  }
0x1ed: {  	s2 =	smulhi.u32 $0x2AAAAAAB, s1;
	s3 =	sshra.s32 s1, $0x1F  }
0x1ee: {  	s3 =	smul.u32 $0x2AAAAAAB, s3;
	_ =	sdelay $0x1  }
0x1ef: {  	s2 =	sadd.s32 s3, s2  }
0x1f0: {  	s3 =	sshrl.u32 s2, $0x1F;
	s2 =	sshra.s32 s2, $0x8  }
0x1f1: {  	s2 =	sadd.s32 s3, s2  }
0x1f2: {  	s3 =	smul.u32 $0xFFFFFA00, s2  }
0x1f3: {  	s0 =	ssub.s32 $0xFFFFFA01, s0  }
0x1f4: {  	p1 =	slt.s32 s1, $0x1;
	p2 =	sne.s32 s3, s0  }
0x1f5: {  	p1 =	por !p1, !p2  }
0x1f6: {  	s0 =	simm.s32 $0x1;
	p1 =	por !p1, !p1  }
0x1f7: {  	s0 =	simm.s32 @!p1 $0x0  }
0x1f8: {  	s0 =	ssub.s32 s2, s0  }
0x1f9: {  	p1 =	slt.s32 s0, $0x2  }
.Ltmp14:
0x1fa: {  	_ = 	snop;
	(pc) =	sbr.rel @p1 .LBB2_20-.Ltmp14, $2  }
0x1fb: {  	_ =	sdelay $0x2  }
0x1fc: {  	[dreg:$0x15] =	wrdreg s0  }
.Ltmp15:
0x1fd: {  	(pc) =	sbr.rel .LBB2_16-.Ltmp15, $2  }
0x1fe: {  	_ =	sdelay $0x2  }
0x1ff: {  	s1 =	simm.s32 $0x1  }
.LBB2_19:
0x200: {  	s1 =	rddreg [dreg:$0x17]  }
0x201: {  	s0 =	rddreg [dreg:$0x15];
	s1 =	sadd.s32 $0x1, s1  }
0x202: {  	p1 =	sne.s32 s1, s0  }
.Ltmp16:
0x203: {  	_ = 	snop;
	(pc) =	sbr.rel @!p1 .LBB2_20-.Ltmp16, $1  }
0x204: {  	_ =	sdelay $0x3  }
.LBB2_16:
0x205: {  	s0 =	smul.u32 $0x600, s1  }
0x206: {  	s23 =	rddreg [dreg:$0xe]  }
0x207: {  	[dreg:$0x17] =	wrdreg s1;
	s1 =	sadd.s32 s23, s0  }
0x208: {  	s0 =	sshra.s32 s1, $0x1F;
	p1 =	slt.s32 s1, $0x1  }
0x209: {  	s0 =	sshrl.u32 s0, $0x1D;
	p1 =	por !p0, !p1  }
0x20a: {  	s2 =	simm.s32 $0x1;
	s0 =	sadd.s32 s0, s1;
	p1 =	por !p1, !p1  }
0x20b: {  	s0 =	sshrl.u32 s0, $0x3;
	s2 =	simm.s32 @!p1 $0x0  }
0x20c: {  	s0 =	ssub.s32 s0, s2  }
0x20d: {  	s6 =	sshll.u32 s0, $0x3  }
0x20e: {  	p1 =	slt.s32 s6, $0xF3C30  }
0x20f: {  	s6 =	simm.s32 @!p1 $0xF3C30  }
0x210: {  	s25 =	rddreg [dreg:$0x1];
	s3 =	simm.s32 $0x0;
	s24 =	sshrl.u32 s6, $0x3  }
0x211: {  	s4 =	simm.s32 $0x17200;
	s5 =	simm.s32 $0x6;
	s2 =	sadd.s32 s25, s24  }
0x212: {  	[tilespmem:s4], [sflag:$0x6] =	stream.linear.gather [hbm4b:s2+s3], $0x610, $0x38;
	[tilespmem:$0x18200] =	vst v63  }
0x213: {  	_ =	swait.ge [sflag:s5], $0x610  }
0x214: {  	s4 =	sadd.s32 $0x600, s1;
	s2 =	rddreg [dreg:$0xf];
	[sflag:s5] =	ssyncset.done $0x0  }
0x215: {  	p1 =	slt.s32 s2, s4;
	[sflag:s5] =	ssyncadd.s32 $0xFFFFF9F0  }
0x216: {  	s4 =	smov.u32 @p1 s2;
	s26 =	rddreg [dreg:$0x2]  }
0x217: {  	s28 =	simm.s32 $0x17880;
	s0 =	sadd.s32 s26, s24;
	s29 =	ssub.s32 s4, s6  }
0x218: {  	[tilespmem:s28], [sflag:$0x6] =	stream.linear.gather [hbm4b:s0+s3], $0x610, $0x38;
	[tilespmem:$0x18200] =	vst v63  }
0x219: {  	s0 =	sadd.s32 $0xF, s29  }
0x21a: {  	s30 =	sand.u32 $0xF, s0  }
0x21b: {  	s31 =	sshra.s32 s0, $0x1F;
	p2 =	slt.s32 s0, $0x1;
	p6 =	sne.s32 s30, $0x0  }
0x21c: {  	s2 =	sshrl.u32 s31, $0x1C;
	p1 =	por !p2, !p6  }
0x21d: {  	s0 =	sadd.s32 s2, s0;
	s2 =	simm.s32 $0x1;
	p1 =	por !p1, !p1  }
0x21e: {  	s0 =	sshra.s32 s0, $0x4;
	s2 =	simm.s32 @!p1 $0x0  }
0x21f: {  	_ =	swait.ge [sflag:s5], $0x610;
	s15 =	ssub.s32 s0, s2  }
0x220: {  	v7 =	vld [tilespmem:$0x1FFF0];
	p1 =	slt.s32 s15, $0x1  }
.Ltmp17:
0x221: {  	_ = 	snop;
	(pc) =	sbr.rel @p1 .LBB2_19-.Ltmp17, $4  }
0x222: {  	_ = 	snop  }
0x223: {  	vm0 =	vcmask $0x704;
	vm11 =	vcmask $0xF0C;
	vm1 =	vcmask $0x1714  }
0x224: {  	vm6 =	vcmask $0x300;
	vm7 =	vcmask $0x2320;
	vm8 =	vcmask $0x2B28;
	[sflag:s5] =	ssyncset.done $0x0  }
0x225: {  	vm9 =	vcmask $0x3330;
	vm15 =	vcmask $0x3B38;
	[sflag:s5] =	ssyncadd.s32 $0xFFFFF9F0;
	vm5 =	vnez.u8 v7  }
0x226: {  	v7 =	vmov s1;
	v8 =	vmov s4;
	s16 =	simm.s32 $0x17200;
	s1 =	simm.s32 $0x17880  }
.LBB2_18:
0x227: {  	v9 =	vld [tilespmem:s16+$0x0];
	_ =	sdelay $0x1  }
0x228: {  	v10 =	vadd.s32 s6, v0  }
0x229: {  	vm12 =	vge.s32 v10, v7;
	vm13 =	vlt.s32 v10, v8  }
0x22a: {  	vm12 =	vmand vm12, vm13  }
0x22b: {  	v9 =	vnsel vm12, $0xFFFFFFFF, v9  }
0x22c: {  	v10 =	vsub.s32 v9, v6  }
0x22d: {  	(v2sf) =	vpush v10, $0xD;
	_ =	sdelay $0x1  }
0x22e: {  	(v2sf) =	vpush v10, $0xC;
	_ =	sdelay $0x1  }
0x22f: {  	(v2sf) =	vpush v10, $0xE;
	_ =	sdelay $0x1  }
0x230: {  	(v2sf) =	vpush v10, $0xF;
	_ =	sdelay $0x1  }
0x231: {  	(v2sf) =	vpush v10, $0x9;
	_ =	sdelay $0x1  }
0x232: {  	(v2sf) =	vpush v10, $0x8;
	_ =	sdelay $0x1  }
0x233: {  	(v2sf) =	vpush v10, $0xA;
	_ =	sdelay $0x1  }
0x234: {  	(v2sf) =	vpush v10, $0xB  }
0x235: {  	(v2sf) =	vpush v10, $0x0;
	s0 =	spop (v2sf)  }
0x236: {  	s2 =	smulhi.u32 $0x2FA0BE83, s0;
	s0 =	sshra.s32 s0, $0x1F  }
0x237: {  	(v2sf) =	vpush v10, $0x1;
	s3 =	spop (v2sf);
	s0 =	smul.u32 $0x2FA0BE83, s0  }
0x238: {  	s4 =	smulhi.u32 $0x2FA0BE83, s3;
	s3 =	sshra.s32 s3, $0x1F  }
0x239: {  	s5 =	spop (v2sf);
	s3 =	smul.u32 $0x2FA0BE83, s3  }
0x23a: {  	(v2sf) =	vpush v10, $0x2;
	s7 =	smulhi.u32 $0x2FA0BE83, s5;
	s5 =	sshra.s32 s5, $0x1F  }
0x23b: {  	s12 =	spop (v2sf);
	s5 =	smul.u32 $0x2FA0BE83, s5  }
0x23c: {  	[dreg:$0x18] =	wrdreg s6;
	(v2sf) =	vpush v10, $0x3;
	s13 =	smulhi.u32 $0x2FA0BE83, s12;
	s6 =	sshra.s32 s12, $0x1F  }
0x23d: {  	(v2sf) =	vpush v10, $0x4;
	s10 =	spop (v2sf);
	s6 =	smul.u32 $0x2FA0BE83, s6  }
0x23e: {  	(v2sf) =	vpush v10, $0x5;
	s19 =	smulhi.u32 $0x2FA0BE83, s10;
	s10 =	sshra.s32 s10, $0x1F  }
0x23f: {  	(v2sf) =	vpush v10, $0x6;
	s11 =	spop (v2sf);
	s10 =	smul.u32 $0x2FA0BE83, s10  }
0x240: {  	(v2sf) =	vpush v10, $0x7;
	s22 =	smulhi.u32 $0x2FA0BE83, s11;
	s11 =	sshra.s32 s11, $0x1F  }
0x241: {  	s14 =	spop (v2sf);
	s24 =	smul.u32 $0x2FA0BE83, s11  }
0x242: {  	s28 =	smulhi.u32 $0x2FA0BE83, s14;
	s14 =	sshra.s32 s14, $0x1F  }
0x243: {  	s17 =	spop (v2sf);
	s30 =	smul.u32 $0x2FA0BE83, s14  }
0x244: {  	s6 =	sadd.s32 s6, s13;
	s20 =	spop (v2sf);
	s8 =	smulhi.u32 $0x2FA0BE83, s17  }
0x245: {  	s18 =	sshra.s32 s17, $0x1F;
	s14 =	sadd.s32 s0, s2;
	s17 =	sadd.s32 s5, s7  }
0x246: {  	s11 =	sadd.s32 s10, s19;
	s21 =	spop (v2sf);
	s0 =	smul.u32 $0x2FA0BE83, s18  }
0x247: {  	s18 =	sadd.s32 s3, s4;
	s2 =	smulhi.u32 $0x2FA0BE83, s20;
	s20 =	sshra.s32 s20, $0x1F  }
0x248: {  	s9 =	sshrl.u32 s14, $0x1F;
	s7 =	sshrl.u32 s17, $0x1F;
	s3 =	smul.u32 $0x2FA0BE83, s20  }
0x249: {  	s23 =	spop (v2sf);
	s12 =	sshrl.u32 s18, $0x1F;
	s5 =	smulhi.u32 $0x2FA0BE83, s21  }
0x24a: {  	s21 =	sshra.s32 s21, $0x1F;
	s20 =	sadd.s32 s24, s22;
	s4 =	sadd.s32 s30, s28  }
0x24b: {  	s24 =	sshrl.u32 s11, $0x1F;
	s25 =	spop (v2sf);
	s13 =	smul.u32 $0x2FA0BE83, s21  }
0x24c: {  	s10 =	smulhi.u32 $0x2FA0BE83, s23;
	s23 =	sshra.s32 s23, $0x1F;
	s29 =	spop (v2sf)  }
0x24d: {  	s21 =	sshrl.u32 s6, $0x1F;
	s22 =	smul.u32 $0x2FA0BE83, s23;
	s31 =	spop (v2sf)  }
0x24e: {  	s23 =	smulhi.u32 $0x2FA0BE83, s25;
	s25 =	sshra.s32 s25, $0x1F;
	s26 =	spop (v2sf)  }
0x24f: {  	s19 =	sadd.s32 s0, s8;
	s0 =	smul.u32 $0x2FA0BE83, s25;
	s28 =	spop (v2sf)  }
0x250: {  	v12 =	vmov s12;
	s2 =	sadd.s32 s3, s2;
	s3 =	smulhi.u32 $0x2FA0BE83, s28;
	s8 =	sshra.s32 s28, $0x1F  }
0x251: {  	s12 =	sshra.s32 s14, $0xB;
	v12 =	vsel vm2, s9, v12;
	s5 =	sadd.s32 s13, s5;
	s8 =	smul.u32 $0x2FA0BE83, s8  }
0x252: {  	s25 =	sshrl.u32 s20, $0x1F;
	v12 =	vsel vm3, s7, v12;
	s7 =	sshra.s32 s18, $0xB;
	s10 =	sadd.s32 s22, s10  }
0x253: {  	s22 =	smulhi.u32 $0x2FA0BE83, s29;
	s29 =	sshra.s32 s29, $0x1F;
	s13 =	sadd.s32 s8, s3  }
0x254: {  	s30 =	smul.u32 $0x2FA0BE83, s29;
	s0 =	sadd.s32 s0, s23;
	s8 =	sshra.s32 s13, $0x1F  }
0x255: {  	s29 =	sshrl.u32 s2, $0x1F;
	s9 =	smulhi.u32 $0x2FA0BE83, s31;
	s28 =	sshra.s32 s2, $0xB;
	v11 =	vmov s8  }
0x256: {  	vm13 =	vcmask $0x2724;
	s22 =	sadd.s32 s30, s22;
	s30 =	sshra.s32 s31, $0x1F;
	s2 =	sshra.s32 s2, $0x1F;
	v11 =	vsel vm6, s28, v11  }
0x257: {  	v12 =	vsel vm4, s21, v12;
	s23 =	sshrl.u32 s19, $0x1F;
	v13 =	vmov s29;
	s31 =	sshra.s32 s5, $0xB;
	s29 =	smul.u32 $0x2FA0BE83, s30;
	v11 =	vsel vm0, s2, v11  }
0x258: {  	v14 =	vmov s25;
	v51 =	vmov s7;
	s30 =	sshra.s32 s26, $0x1F;
	s8 =	sshrl.u32 s5, $0x1F;
	s5 =	sshra.s32 s5, $0x1F;
	v11 =	vsel vm2, s31, v11  }
0x259: {  	v14 =	vsel vm2, s24, v14;
	v13 =	vnsel vm6, $0x0, v13;
	s21 =	smul.u32 $0x2FA0BE83, s30;
	s3 =	sshrl.u32 s4, $0x1F;
	s31 =	sshra.s32 s10, $0xB;
	v11 =	vsel vm11, s5, v11  }
0x25a: {  	v14 =	vsel vm3, s3, v14;
	s28 =	sshrl.u32 s10, $0x1F;
	v13 =	vsel vm2, s8, v13;
	s8 =	smulhi.u32 $0x2FA0BE83, s26;
	s10 =	sshra.s32 s10, $0x1F;
	v11 =	vsel vm3, s31, v11  }
0x25b: {  	s25 =	sadd.s32 s29, s9;
	v14 =	vsel vm4, s23, v14;
	v13 =	vsel vm3, s28, v13;
	s28 =	sshra.s32 s0, $0xB;
	s5 =	sshrl.u32 s0, $0x1F;
	v11 =	vsel vm1, s10, v11  }
0x25c: {  	s26 =	sshrl.u32 s22, $0x1F;
	v12 =	vcombine.low v14, v12;
	s0 =	sshra.s32 s0, $0x1F;
	v13 =	vsel vm4, s5, v13;
	s5 =	sadd.s32 s21, s8;
	v11 =	vsel vm4, s28, v11  }
0x25d: {  	v14 =	vsel vm2, s12, v51;
	s31 =	sshra.s32 s22, $0xB;
	s8 =	sshra.s32 s20, $0xB;
	s20 =	sshra.s32 s17, $0xB;
	v13 =	vsel vm7, s26, v13;
	v11 =	vsel vm14, s0, v11  }
0x25e: {  	s14 =	sshra.s32 s11, $0xB;
	s9 =	sshra.s32 s22, $0x1F;
	s29 =	sshrl.u32 s25, $0x1F;
	v15 =	vmov s8;
	v14 =	vsel vm3, s20, v14;
	v11 =	vsel vm7, s31, v11  }
0x25f: {  	s18 =	sshra.s32 s25, $0xB;
	s23 =	sshra.s32 s6, $0xB;
	v13 =	vsel vm8, s29, v13;
	v15 =	vsel vm2, s14, v15;
	v11 =	vsel vm13, s9, v11  }
0x260: {  	s21 =	sshra.s32 s4, $0xB;
	s22 =	sshra.s32 s25, $0x1F;
	s30 =	sshrl.u32 s5, $0x1F;
	v14 =	vsel vm4, s23, v14;
	vm13 =	vcmask $0x2F2C;
	v11 =	vsel vm8, s18, v11  }
0x261: {  	s25 =	sshra.s32 s19, $0xB;
	s26 =	sshra.s32 s5, $0xB;
	v13 =	vsel vm9, s30, v13;
	v15 =	vsel vm3, s21, v15;
	v11 =	vsel vm13, s22, v11  }
0x262: {  	v16 =	vld [tilespmem:s1+$0x0];
	s28 =	sshrl.u32 s13, $0x1F;
	s29 =	sshra.s32 s5, $0x1F;
	v15 =	vsel vm4, s25, v15;
	vm13 =	vcmask $0x3734;
	v11 =	vsel vm9, s26, v11  }
0x263: {  	s30 =	sshra.s32 s13, $0xB;
	v13 =	vsel vm15, s28, v13;
	v14 =	vcombine.low v15, v14;
	v11 =	vsel vm13, s29, v11  }
0x264: {  	v12 =	vperm.xlane v12, v3;
	v13 =	vperm.xlane v13, v4;
	v11 =	vsel vm15, s30, v11  }
0x265: {  	v14 =	vperm.xlane v14, v3;
	v11 =	vperm.xlane v11, v4;
	_ =	sdelay $0x1  }
0x266: {  	v52 =	vnsel vm12, $0x0, v16;
	v12 =	vsel vm10, v13, v12;
	v11 =	vsel vm10, v11, v14  }
0x267: {  	(xrf2) =	vadd.scan.msk.f32 $0xffff, v52;
	vm13 =	vne.s32 v9, v6;
	v11 =	vadd.s32 v12, v11  }
0x268: {  	v53 =	vshra.s32 v10, $0x1F;
	v54 =	vsel vm13, $0x1, v5;
	v55 =	vmul.u32 $0xFFFFD500, v11  }
0x269: {  	v56 =	vsub.s32 $0x0, v10;
	v12 =	vor.u32 v54, v53  }
0x26a: {  	[tilespmem:$0x18100] =	vst v9;
	s10 =	simm.s32 $0x18100;
	vm13 =	vne.s32 v12, $0x1;
	vm14 =	vne.s32 v55, v56  }
0x26b: {  	v57 =	vld.idx.msk [tilespmem:v1+s10+$0x0], $0xffff;
	vm13 =	vmand vm14, vm13  }
0x26c: {  	v58 =	vsel vm13, $0xFFFFFFFF, v5  }
0x26d: {  	v59 =	vld.idx.msk [tilespmem:v2+s10+$0x0], $0xffff;
	v11 =	vadd.s32 v58, v11  }
0x26e: {  	v60 =	vmul.u32 $0x3FFFD500, v11  }
0x26f: {  	vm14 =	vcmask $0x3F3C  }
0x270: {  	vm13 =	vne.s32 v57, v9;
	v61 =	vshrl.u32 v11, $0x2;
	v10 =	vadd.s32 v10, v60  }
0x271: {  	v62, _, _ =	vpop (xrf2);
	vm13 =	vmor vm13, vm14;
	v12 =	vmul.u32 $0xAC00, v61;
	v10 =	vshll.u32 v10, $0x2  }
0x272: {  	[tilespmem:$0x18180] =	vst v62;
	s31 =	simm.s32 $0x18180;
	vm14 =	vne.s32 v59, v9;
	v11 =	vshll.u32 v11, $0x7;
	v10 =	vand.u32 $0xFFFFFE00, v10  }
0x273: {  	v63 =	vld.idx.msk [tilespmem:v2+s31+$0x0], $0xffff;
	v9 =	vand.u32 $0x7F, v9;
	v11 =	vand.u32 $0x180, v11;
	v10 =	vadd.s32 v12, v10  }
0x274: {  	vm13 =	vmand vm12, vm13;
	vm14 =	vmor vm14, vm5;
	v10 =	vor.u32 v11, v10  }
0x275: {  	vm12 =	vmand vm12, vm14;
	v9 =	vor.u32 v9, v10  }
0x276: {  	p1 =	sne.s32 s15, $0x1  }
.Ltmp18:
0x277: {  	vm14 =	veq.s32 v0, $0x0;
	(pc) =	sbr.rel @p1 .LBB2_18-.Ltmp18, $4  }
0x278: {  	v10 =	vsel vm14, $0x0, v63  }
0x279: {  	s10 =	simm.s32 $0xAC00;
	v10 =	vsub.f32 $0.0e+00, v10  }
0x27a: {  	s16 =	sadd.s32 $0x10, s16;
	s24 =	rddreg [dreg:$0x18];
	[tilespmem:v9+s10+$0x0] =	vst.idx.add.f32.msk vm13, v62  }
0x27b: {  	s1 =	sadd.s32 $0x10, s1;
	s15 =	sadd.s32 $0xFFFFFFFF, s15;
	s6 =	sadd.s32 $0x10, s24;
	vm14 =	vcmask $0x1F1C;
	[tilespmem:v9+s10+$0x0] =	vst.idx.add.f32.msk vm12, v10  }
.Ltmp19:
0x27c: {  	_ = 	snop;
	(pc) =	sbr.rel .LBB2_19-.Ltmp19, $1  }
0x27d: {  	_ =	sdelay $0x3  }
.LBB2_22:
0x27e: {  	_ =	sfence.sel $0x180000  }
0x27f: {  	[bflag:$0x0] =	sbarrier.arrive $0xFFFF  }
0x280: {  	_ =	strace $0x90000047  }
0x281: {  	s0 =	stileid.u32;
	[bflag:$0x2] =	sbarrier.arrive $0xFFFF  }
0x282: {  	p0 =	sne.s32 s0, $0x0;
	s0 =	rddreg [dreg:$0x5]  }
0x283: {  	s0 =	sadd.s32 @!p0 $0x100000, s0  }
0x284: {  	[sflag:s0] =	ssyncadd.tile.s32 @!p0 $0x1;
	_ =	shalt  }
.Lfunc_end2:
_tile_overlayer_lowered:
.L_overlay_start_2:
0x285: {  	(tag) =	ssettag $0x2  }
0x286: {  	s0 =	rddreg [dreg:$0x0];
	s2 =	stileid.u32  }
0x287: {  	s1 =	rddreg [dreg:$0x1];
	p0 =	sne.s32 s2, $0x0  }
0x288: {  	s3 =	rddreg [dreg:$0x2];
	[bflag:$0x3] =	sbarrier.arrive $0xFFFF;
	s2 =	simm.s32 @!p0 $0x1C05  }
0x289: {  	[timem:s3], [sflag:s2] =	dma.local @!p0 [hbm:s0], s1  }
0x28a: {  	s0 =	simm.s32 @!p0 $0x5  }
0x28b: {  	_ =	swait.ge @!p0 [sflag:s0], s1  }
0x28c: {  	s1 =	ssub.s32 @!p0 $0x0, s1;
	[sflag:s0] =	ssyncset.done @!p0 $0x0  }
0x28d: {  	[sflag:s0] =	ssyncadd.s32 @!p0 s1  }
0x28e: {  	[bflag:$0x3] =	sbarrier.arrive $0xFFFF  }
0x28f: {  	_ =	shalt  }

</sc_bundles>
